<compile_context>
chip_gen: v7x
topology: tpu7x:2x2x1
jax: 0.10.2.dev20260603
libtpu: 0.0.44.dev20260713+nightly
codegen_flags: <defaults>
</compile_context>

<pallas_src>
import functools

import jax
import jax.numpy as jnp
from jax import lax
from jax.experimental import pallas as pl
from jax.experimental.pallas import tpu as pltpu
from jax.experimental.pallas import tpu_sc as plsc

_N = 10000
_E = 320000
_D = 128
_G = 64

_NC = 2
_NS = 16
_NW = _NC * _NS
_EW = _E // _NW
_K = 96
_NCH = 105
_EWP = _NCH * _K
_NPAD = 10112
_RPT = _NPAD // _NS

_B = 1000
_GRID = _N // _B


def _msg_body(h, edges3, zrows, out, ib0, ib1, ib2, ib3, rows0, rows1,
              is0, is1, is2, is3, rs0, rs1, acc):
    c = lax.axis_index("c")
    s = lax.axis_index("s")
    wid = s * _NC + c
    cbase = wid * _NCH

    ibufs = (ib0, ib1, ib2, ib3)
    isems = (is0, is1, is2, is3)

    pltpu.sync_copy(zrows, rows0)
    for j in range(_RPT // _K):
        pltpu.sync_copy(rows0, acc.at[pl.ds(s * _RPT + j * _K, _K)])
    rem = _RPT - (_RPT // _K) * _K
    if rem:
        pltpu.sync_copy(rows0.at[pl.ds(0, rem)],
                        acc.at[pl.ds(s * _RPT + (_RPT // _K) * _K, rem)])
    plsc.subcore_barrier()

    def ifetch(i, t):
        @pl.when(i < _NCH)
        def _():
            pltpu.async_copy(edges3.at[cbase + i], ibufs[t], isems[t])

    def iwait(t):
        pltpu.make_async_copy(edges3.at[cbase], ibufs[t], isems[t]).wait()

    def gstart(t, rows, sem):
        pltpu.async_copy(h.at[ibufs[t].at[0]], rows, sem)

    def gwait(rows, sem):
        pltpu.make_async_copy(h.at[ibufs[0].at[0]], rows, sem).wait()

    def scat(t, rows):
        pltpu.sync_copy(rows, acc.at[ibufs[t].at[1]], add=True)

    for t in range(4):
        ifetch(t, t)
    iwait(0)
    gstart(0, rows0, rs0)

    def quad(j, carry):
        c0 = 4 * j
        iwait(1)
        gstart(1, rows1, rs1)
        gwait(rows0, rs0)
        scat(0, rows0)
        ifetch(c0 + 4, 0)
        iwait(2)
        gstart(2, rows0, rs0)
        gwait(rows1, rs1)
        scat(1, rows1)
        ifetch(c0 + 5, 1)
        iwait(3)
        gstart(3, rows1, rs1)
        gwait(rows0, rs0)
        scat(2, rows0)
        ifetch(c0 + 6, 2)
        iwait(0)
        gstart(0, rows0, rs0)
        gwait(rows1, rs1)
        scat(3, rows1)
        ifetch(c0 + 7, 3)
        return carry

    lax.fori_loop(0, (_NCH - 1) // 4, quad, 0)
    gwait(rows0, rs0)
    scat(0, rows0)

    plsc.subcore_barrier()
    pltpu.sync_copy(acc.at[pl.ds(s * _RPT, _RPT)],
                    out.at[c, pl.ds(s * _RPT, _RPT)])


@functools.cache
def _msg_kernel():
    return pl.kernel(
        _msg_body,
        out_type=jax.ShapeDtypeStruct((_NC, _NPAD, _D), jnp.float32),
        mesh=plsc.VectorSubcoreMesh(core_axis_name="c", subcore_axis_name="s"),
        scratch_types=(
            [pltpu.VMEM((2, _K), jnp.int32)] * 4
            + [pltpu.VMEM((_K, _D), jnp.float32)] * 2
            + [pltpu.SemaphoreType.DMA] * 6
            + [pltpu.VMEM_SHARED((_NPAD, _D), jnp.float32)]
        ),
    )


def _mlp_body(h, a0, a1, wa, ba, wb, bb, out, *, relu_out):
    z = h[...] + a0[...] + a1[...]
    u = jnp.maximum(
        jnp.dot(z, wa[...], preferred_element_type=jnp.float32) + ba[...], 0.0)
    v = jnp.dot(u, wb[...], preferred_element_type=jnp.float32) + bb[...]
    if relu_out:
        v = jnp.maximum(v, 0.0)
    out[...] = v


def _mlp(h, a0, a1, waT, ba, wbT, bb, relu_out):
    row = pl.BlockSpec((_B, _D), lambda i: (i, 0))
    full = pl.BlockSpec((_D, _D), lambda i: (0, 0))
    bias = pl.BlockSpec((1, _D), lambda i: (0, 0))
    return pl.pallas_call(
        functools.partial(_mlp_body, relu_out=relu_out),
        grid=(_GRID,),
        in_specs=[row, row, row, full, bias, full, bias],
        out_specs=row,
        out_shape=jax.ShapeDtypeStruct((_N, _D), jnp.float32),
    )(h, a0, a1, waT, ba.reshape(1, _D), wbT, bb.reshape(1, _D))


def _mlp_pool_body(h, a0, a1, wa, ba, wb, bb, batch, out, accs, accc):
    i = pl.program_id(0)

    @pl.when(i == 0)
    def _init():
        accs[...] = jnp.zeros_like(accs)
        accc[...] = jnp.zeros_like(accc)

    z = h[...] + a0[...] + a1[...]
    u = jnp.maximum(
        jnp.dot(z, wa[...], preferred_element_type=jnp.float32) + ba[...], 0.0)
    v = jnp.dot(u, wb[...], preferred_element_type=jnp.float32) + bb[...]

    b = batch[...].reshape(1, _B)
    onehot = (b == lax.broadcasted_iota(jnp.int32, (_G, _B), 0)).astype(jnp.float32)
    accs[...] += jnp.dot(onehot, v, preferred_element_type=jnp.float32)
    accc[...] += jnp.sum(onehot, axis=1, keepdims=True)

    @pl.when(i == _GRID - 1)
    def _fin():
        out[...] = accs[...] / jnp.maximum(accc[...], 1.0)


def _mlp_pool(h, a0, a1, waT, ba, wbT, bb, batch3):
    row = pl.BlockSpec((_B, _D), lambda i: (i, 0))
    full = pl.BlockSpec((_D, _D), lambda i: (0, 0))
    bias = pl.BlockSpec((1, _D), lambda i: (0, 0))
    bspec = pl.BlockSpec((1, 1, _B), lambda i: (i, 0, 0))
    return pl.pallas_call(
        _mlp_pool_body,
        grid=(_GRID,),
        in_specs=[row, row, row, full, bias, full, bias, bspec],
        out_specs=pl.BlockSpec((_G, _D), lambda i: (0, 0)),
        out_shape=jax.ShapeDtypeStruct((_G, _D), jnp.float32),
        scratch_shapes=[
            pltpu.VMEM((_G, _D), jnp.float32),
            pltpu.VMEM((_G, 1), jnp.float32),
        ],
    )(h, a0, a1, waT, ba.reshape(1, _D), wbT, bb.reshape(1, _D), batch3)


def kernel(x, edge_index, batch, W0a, b0a, W0b, b0b, W1a, b1a, W1b, b1b,
           W2a, b2a, W2b, b2b):
    ei = edge_index.reshape(2, _NW, _EW)
    npd = _EWP - _EW
    pad_dst = _N + (jnp.arange(npd, dtype=jnp.int32)[None, :]
                    + 7 * jnp.arange(_NW, dtype=jnp.int32)[:, None]) % (_NPAD - _N)
    pad = jnp.stack([jnp.zeros((_NW, npd), jnp.int32), pad_dst])
    edges3 = jnp.transpose(
        jnp.concatenate([ei, pad], axis=2).reshape(2, _NW, _NCH, _K),
        (1, 2, 0, 3)).reshape(_NW * _NCH, 2, _K)
    zrows = jnp.zeros((_K, _D), jnp.float32)
    batch3 = batch.reshape(_GRID, 1, _B)
    _msg_raw = _msg_kernel()

    def msg(h):
        a = _msg_raw(h, edges3, zrows)
        return a[:, :_N, :]

    h = x
    agg = msg(h)
    h = _mlp(h, agg[0], agg[1], W0a.T, b0a, W0b.T, b0b, relu_out=True)
    agg = msg(h)
    h = _mlp(h, agg[0], agg[1], W1a.T, b1a, W1b.T, b1b, relu_out=True)
    agg = msg(h)
    return _mlp_pool(h, agg[0], agg[1], W2a.T, b2a, W2b.T, b2b, batch3)

# --- scband reference (transcript-rebuilt; emitter-appended) ---
"""Pipeline reference for scband-gin-quan-60266981098197 (READ-ONLY COPY).

The authoritative reference and input builder live on the scoring server;
editing this copy changes nothing except your own understanding.
"""

import jax, jax.numpy as jnp
import numpy as np

N = 10000
E = 320000
D = 128
G = 64


def setup_inputs(seed: int = 0) -> dict:
    key = jax.random.key(seed)
    ks = jax.random.split(key, 16)
    inp = {}
    inp["x"] = jax.random.normal(ks[0], (N, D), dtype=jnp.float32)
    inp["edge_index"] = jax.random.randint(ks[1], (2, E), 0, N, dtype=jnp.int32)
    inp["batch"] = jnp.sort(jax.random.randint(ks[2], (N,), 0, G, dtype=jnp.int32))
    # GINConv MLP params: 3 layers, each MLP = Linear(D,D) -> ReLU -> Linear(D,D)
    s = 1.0 / np.sqrt(D)
    for l in range(3):
        inp[f"W{l}a"] = jax.random.uniform(ks[3 + 4 * l], (D, D), dtype=jnp.float32, minval=-s, maxval=s)
        inp[f"b{l}a"] = jax.random.uniform(ks[4 + 4 * l], (D,), dtype=jnp.float32, minval=-s, maxval=s)
        inp[f"W{l}b"] = jax.random.uniform(ks[5 + 4 * l], (D, D), dtype=jnp.float32, minval=-s, maxval=s)
        inp[f"b{l}b"] = jax.random.uniform(ks[6 + 4 * l], (D,), dtype=jnp.float32, minval=-s, maxval=s)
    return inp


def _gin_conv(h, src, dst, Wa, ba, Wb, bb):
    # GINConv with eps=0: MLP(x + sum_{j in N(i)} x_j)
    agg = jax.ops.segment_sum(h[src], dst, num_segments=N)
    z = h + agg
    z = jnp.maximum(z @ Wa.T + ba, 0.0)
    z = z @ Wb.T + bb
    return z


def reference(x, edge_index, batch, W0a, b0a, W0b, b0b, W1a, b1a, W1b, b1b, W2a, b2a, W2b, b2b):
    src = edge_index[0]
    dst = edge_index[1]
    h = x
    # all but last conv: relu + dropout(p=0, no-op)
    h = jnp.maximum(_gin_conv(h, src, dst, W0a, b0a, W0b, b0b), 0.0)
    h = jnp.maximum(_gin_conv(h, src, dst, W1a, b1a, W1b, b1b), 0.0)
    # last conv, no relu (JK='last')
    h = _gin_conv(h, src, dst, W2a, b2a, W2b, b2b)
    # global_mean_pool over batch assignment
    sums = jax.ops.segment_sum(h, batch, num_segments=G)
    counts = jax.ops.segment_sum(jnp.ones((N,), dtype=jnp.float32), batch, num_segments=G)
    graph_emb = sums / jnp.clip(counts, 1.0, None)[:, None]
    return graph_emb

if __name__ == "__main__":
    import jax
    _d = setup_inputs()
    print(jax.jit(kernel)(*tuple(_d.values())))

</pallas_src>

<mosaic_0001>
#map = affine_map<(d0, d1) -> (0, 0)>
#map1 = affine_map<(d0, d1) -> (0, 0, 0)>
module attributes {stable_mosaic.version = 14 : i64} {
  func.func @_msg_body(%arg0: i32, %arg1: i32, %arg2: memref<10000x128xf32, #tpu.memory_space<hbm>>, %arg3: memref<3360x2x96xi32, #tpu.memory_space<hbm>>, %arg4: memref<96x128xf32, #tpu.memory_space<hbm>>, %arg5: memref<2x10112x128xf32, #tpu.memory_space<hbm>>, %arg6: memref<2x96xi32, #tpu.memory_space<vmem>>, %arg7: memref<2x96xi32, #tpu.memory_space<vmem>>, %arg8: memref<2x96xi32, #tpu.memory_space<vmem>>, %arg9: memref<2x96xi32, #tpu.memory_space<vmem>>, %arg10: memref<96x128xf32, #tpu.memory_space<vmem>>, %arg11: memref<96x128xf32, #tpu.memory_space<vmem>>, %arg12: memref<!tpu.dma_semaphore, #tpu.memory_space<semaphore_mem>>, %arg13: memref<!tpu.dma_semaphore, #tpu.memory_space<semaphore_mem>>, %arg14: memref<!tpu.dma_semaphore, #tpu.memory_space<semaphore_mem>>, %arg15: memref<!tpu.dma_semaphore, #tpu.memory_space<semaphore_mem>>, %arg16: memref<!tpu.dma_semaphore, #tpu.memory_space<semaphore_mem>>, %arg17: memref<!tpu.dma_semaphore, #tpu.memory_space<semaphore_mem>>, %arg18: memref<10112x128xf32, #tpu.memory_space<vmem_shared>>) attributes {dimension_semantics = [#tpu.dimension_semantics<core_parallel>, #tpu.dimension_semantics<subcore_parallel>], iteration_bounds = array<i64: 2, 16>, scalar_prefetch = 0 : i64, scratch_operands = 13 : i64, tpu.core_type = #tpu.core_type<sc_vector_subcore>, window_params = [{transform_indices = #map}, {transform_indices = #map1}, {transform_indices = #map}, {transform_indices = #map1}]} {
    %mul3A = arith.constant 2 : i32
    %mul3A_0 = arith.muli %arg1, %mul3A : i32
    %add3A = arith.addi %mul3A_0, %arg0 : i32
    %mul3A_1 = arith.constant 105 : i32
    %mul3A_2 = arith.muli %add3A, %mul3A_1 : i32
    "tpu.region"() ({
      %run_scoped3A_101 = tpu.sem_alloc : memref<!tpu.dma_semaphore, #tpu.memory_space<semaphore_mem>>
      tpu.enqueue_dma source(%arg4 : memref<96x128xf32, #tpu.memory_space<hbm>>) target(%arg10 : memref<96x128xf32, #tpu.memory_space<vmem>>) target_semaphore(%run_scoped3A_101 : memref<!tpu.dma_semaphore, #tpu.memory_space<semaphore_mem>>)
      tpu.wait_dma2 semaphore(%run_scoped3A_101 : memref<!tpu.dma_semaphore, #tpu.memory_space<semaphore_mem>>) src(%arg4 : memref<96x128xf32, #tpu.memory_space<hbm>>) dst(%arg10 : memref<96x128xf32, #tpu.memory_space<vmem>>)
      tpu.yield
    }) : () -> ()
    %mul3A_3 = arith.constant 632 : i32
    %mul3A_4 = arith.muli %arg1, %mul3A_3 : i32
    %add3A_5 = arith.constant 0 : i32
    %add3A_6 = arith.addi %mul3A_4, %add3A_5 : i32
    "tpu.region"() ({
      %run_scoped3A_101 = tpu.sem_alloc : memref<!tpu.dma_semaphore, #tpu.memory_space<semaphore_mem>>
      %dma_start3A_102 = arith.constant 0 : i32
      %dma_start3A_103 = tpu.memref_slice %arg18[%add3A_6, %dma_start3A_102] : memref<10112x128xf32, #tpu.memory_space<vmem_shared>> -> memref<96x128xf32, #tpu.memory_space<vmem_shared>>
      %dma_start3A_104 = arith.constant 0 : i32
      %dma_start3A_105 = tpu.memref_slice %arg18[%add3A_6, %dma_start3A_104] : memref<10112x128xf32, #tpu.memory_space<vmem_shared>> -> memref<96x128xf32, #tpu.memory_space<vmem_shared>>
      tpu.enqueue_dma source(%arg10 : memref<96x128xf32, #tpu.memory_space<vmem>>) target(%dma_start3A_105 : memref<96x128xf32, #tpu.memory_space<vmem_shared>>) target_semaphore(%run_scoped3A_101 : memref<!tpu.dma_semaphore, #tpu.memory_space<semaphore_mem>>)
      %dma_wait3A_106 = arith.constant 0 : i32
      %dma_wait3A_107 = tpu.memref_slice %arg18[%add3A_6, %dma_wait3A_106] : memref<10112x128xf32, #tpu.memory_space<vmem_shared>> -> memref<96x128xf32, #tpu.memory_space<vmem_shared>>
      %dma_wait3A_108 = arith.constant 0 : i32
      %dma_wait3A_109 = tpu.memref_slice %arg18[%add3A_6, %dma_wait3A_108] : memref<10112x128xf32, #tpu.memory_space<vmem_shared>> -> memref<96x128xf32, #tpu.memory_space<vmem_shared>>
      tpu.wait_dma2 semaphore(%run_scoped3A_101 : memref<!tpu.dma_semaphore, #tpu.memory_space<semaphore_mem>>) src(%arg10 : memref<96x128xf32, #tpu.memory_space<vmem>>) dst(%dma_wait3A_109 : memref<96x128xf32, #tpu.memory_space<vmem_shared>>)
      tpu.yield
    }) : () -> ()
    %mul3A_7 = arith.constant 632 : i32
    %mul3A_8 = arith.muli %arg1, %mul3A_7 : i32
    %add3A_9 = arith.constant 96 : i32
    %add3A_10 = arith.addi %mul3A_8, %add3A_9 : i32
    "tpu.region"() ({
      %run_scoped3A_101 = tpu.sem_alloc : memref<!tpu.dma_semaphore, #tpu.memory_space<semaphore_mem>>
      %dma_start3A_102 = arith.constant 0 : i32
      %dma_start3A_103 = tpu.memref_slice %arg18[%add3A_10, %dma_start3A_102] : memref<10112x128xf32, #tpu.memory_space<vmem_shared>> -> memref<96x128xf32, #tpu.memory_space<vmem_shared>>
      %dma_start3A_104 = arith.constant 0 : i32
      %dma_start3A_105 = tpu.memref_slice %arg18[%add3A_10, %dma_start3A_104] : memref<10112x128xf32, #tpu.memory_space<vmem_shared>> -> memref<96x128xf32, #tpu.memory_space<vmem_shared>>
      tpu.enqueue_dma source(%arg10 : memref<96x128xf32, #tpu.memory_space<vmem>>) target(%dma_start3A_105 : memref<96x128xf32, #tpu.memory_space<vmem_shared>>) target_semaphore(%run_scoped3A_101 : memref<!tpu.dma_semaphore, #tpu.memory_space<semaphore_mem>>)
      %dma_wait3A_106 = arith.constant 0 : i32
      %dma_wait3A_107 = tpu.memref_slice %arg18[%add3A_10, %dma_wait3A_106] : memref<10112x128xf32, #tpu.memory_space<vmem_shared>> -> memref<96x128xf32, #tpu.memory_space<vmem_shared>>
      %dma_wait3A_108 = arith.constant 0 : i32
      %dma_wait3A_109 = tpu.memref_slice %arg18[%add3A_10, %dma_wait3A_108] : memref<10112x128xf32, #tpu.memory_space<vmem_shared>> -> memref<96x128xf32, #tpu.memory_space<vmem_shared>>
      tpu.wait_dma2 semaphore(%run_scoped3A_101 : memref<!tpu.dma_semaphore, #tpu.memory_space<semaphore_mem>>) src(%arg10 : memref<96x128xf32, #tpu.memory_space<vmem>>) dst(%dma_wait3A_109 : memref<96x128xf32, #tpu.memory_space<vmem_shared>>)
      tpu.yield
    }) : () -> ()
    %mul3A_11 = arith.constant 632 : i32
    %mul3A_12 = arith.muli %arg1, %mul3A_11 : i32
    %add3A_13 = arith.constant 192 : i32
    %add3A_14 = arith.addi %mul3A_12, %add3A_13 : i32
    "tpu.region"() ({
      %run_scoped3A_101 = tpu.sem_alloc : memref<!tpu.dma_semaphore, #tpu.memory_space<semaphore_mem>>
      %dma_start3A_102 = arith.constant 0 : i32
      %dma_start3A_103 = tpu.memref_slice %arg18[%add3A_14, %dma_start3A_102] : memref<10112x128xf32, #tpu.memory_space<vmem_shared>> -> memref<96x128xf32, #tpu.memory_space<vmem_shared>>
      %dma_start3A_104 = arith.constant 0 : i32
      %dma_start3A_105 = tpu.memref_slice %arg18[%add3A_14, %dma_start3A_104] : memref<10112x128xf32, #tpu.memory_space<vmem_shared>> -> memref<96x128xf32, #tpu.memory_space<vmem_shared>>
      tpu.enqueue_dma source(%arg10 : memref<96x128xf32, #tpu.memory_space<vmem>>) target(%dma_start3A_105 : memref<96x128xf32, #tpu.memory_space<vmem_shared>>) target_semaphore(%run_scoped3A_101 : memref<!tpu.dma_semaphore, #tpu.memory_space<semaphore_mem>>)
      %dma_wait3A_106 = arith.constant 0 : i32
      %dma_wait3A_107 = tpu.memref_slice %arg18[%add3A_14, %dma_wait3A_106] : memref<10112x128xf32, #tpu.memory_space<vmem_shared>> -> memref<96x128xf32, #tpu.memory_space<vmem_shared>>
      %dma_wait3A_108 = arith.constant 0 : i32
      %dma_wait3A_109 = tpu.memref_slice %arg18[%add3A_14, %dma_wait3A_108] : memref<10112x128xf32, #tpu.memory_space<vmem_shared>> -> memref<96x128xf32, #tpu.memory_space<vmem_shared>>
      tpu.wait_dma2 semaphore(%run_scoped3A_101 : memref<!tpu.dma_semaphore, #tpu.memory_space<semaphore_mem>>) src(%arg10 : memref<96x128xf32, #tpu.memory_space<vmem>>) dst(%dma_wait3A_109 : memref<96x128xf32, #tpu.memory_space<vmem_shared>>)
      tpu.yield
    }) : () -> ()
    %mul3A_15 = arith.constant 632 : i32
    %mul3A_16 = arith.muli %arg1, %mul3A_15 : i32
    %add3A_17 = arith.constant 288 : i32
    %add3A_18 = arith.addi %mul3A_16, %add3A_17 : i32
    "tpu.region"() ({
      %run_scoped3A_101 = tpu.sem_alloc : memref<!tpu.dma_semaphore, #tpu.memory_space<semaphore_mem>>
      %dma_start3A_102 = arith.constant 0 : i32
      %dma_start3A_103 = tpu.memref_slice %arg18[%add3A_18, %dma_start3A_102] : memref<10112x128xf32, #tpu.memory_space<vmem_shared>> -> memref<96x128xf32, #tpu.memory_space<vmem_shared>>
      %dma_start3A_104 = arith.constant 0 : i32
      %dma_start3A_105 = tpu.memref_slice %arg18[%add3A_18, %dma_start3A_104] : memref<10112x128xf32, #tpu.memory_space<vmem_shared>> -> memref<96x128xf32, #tpu.memory_space<vmem_shared>>
      tpu.enqueue_dma source(%arg10 : memref<96x128xf32, #tpu.memory_space<vmem>>) target(%dma_start3A_105 : memref<96x128xf32, #tpu.memory_space<vmem_shared>>) target_semaphore(%run_scoped3A_101 : memref<!tpu.dma_semaphore, #tpu.memory_space<semaphore_mem>>)
      %dma_wait3A_106 = arith.constant 0 : i32
      %dma_wait3A_107 = tpu.memref_slice %arg18[%add3A_18, %dma_wait3A_106] : memref<10112x128xf32, #tpu.memory_space<vmem_shared>> -> memref<96x128xf32, #tpu.memory_space<vmem_shared>>
      %dma_wait3A_108 = arith.constant 0 : i32
      %dma_wait3A_109 = tpu.memref_slice %arg18[%add3A_18, %dma_wait3A_108] : memref<10112x128xf32, #tpu.memory_space<vmem_shared>> -> memref<96x128xf32, #tpu.memory_space<vmem_shared>>
      tpu.wait_dma2 semaphore(%run_scoped3A_101 : memref<!tpu.dma_semaphore, #tpu.memory_space<semaphore_mem>>) src(%arg10 : memref<96x128xf32, #tpu.memory_space<vmem>>) dst(%dma_wait3A_109 : memref<96x128xf32, #tpu.memory_space<vmem_shared>>)
      tpu.yield
    }) : () -> ()
    %mul3A_19 = arith.constant 632 : i32
    %mul3A_20 = arith.muli %arg1, %mul3A_19 : i32
    %add3A_21 = arith.constant 384 : i32
    %add3A_22 = arith.addi %mul3A_20, %add3A_21 : i32
    "tpu.region"() ({
      %run_scoped3A_101 = tpu.sem_alloc : memref<!tpu.dma_semaphore, #tpu.memory_space<semaphore_mem>>
      %dma_start3A_102 = arith.constant 0 : i32
      %dma_start3A_103 = tpu.memref_slice %arg18[%add3A_22, %dma_start3A_102] : memref<10112x128xf32, #tpu.memory_space<vmem_shared>> -> memref<96x128xf32, #tpu.memory_space<vmem_shared>>
      %dma_start3A_104 = arith.constant 0 : i32
      %dma_start3A_105 = tpu.memref_slice %arg18[%add3A_22, %dma_start3A_104] : memref<10112x128xf32, #tpu.memory_space<vmem_shared>> -> memref<96x128xf32, #tpu.memory_space<vmem_shared>>
      tpu.enqueue_dma source(%arg10 : memref<96x128xf32, #tpu.memory_space<vmem>>) target(%dma_start3A_105 : memref<96x128xf32, #tpu.memory_space<vmem_shared>>) target_semaphore(%run_scoped3A_101 : memref<!tpu.dma_semaphore, #tpu.memory_space<semaphore_mem>>)
      %dma_wait3A_106 = arith.constant 0 : i32
      %dma_wait3A_107 = tpu.memref_slice %arg18[%add3A_22, %dma_wait3A_106] : memref<10112x128xf32, #tpu.memory_space<vmem_shared>> -> memref<96x128xf32, #tpu.memory_space<vmem_shared>>
      %dma_wait3A_108 = arith.constant 0 : i32
      %dma_wait3A_109 = tpu.memref_slice %arg18[%add3A_22, %dma_wait3A_108] : memref<10112x128xf32, #tpu.memory_space<vmem_shared>> -> memref<96x128xf32, #tpu.memory_space<vmem_shared>>
      tpu.wait_dma2 semaphore(%run_scoped3A_101 : memref<!tpu.dma_semaphore, #tpu.memory_space<semaphore_mem>>) src(%arg10 : memref<96x128xf32, #tpu.memory_space<vmem>>) dst(%dma_wait3A_109 : memref<96x128xf32, #tpu.memory_space<vmem_shared>>)
      tpu.yield
    }) : () -> ()
    %mul3A_23 = arith.constant 632 : i32
    %mul3A_24 = arith.muli %arg1, %mul3A_23 : i32
    %add3A_25 = arith.constant 480 : i32
    %add3A_26 = arith.addi %mul3A_24, %add3A_25 : i32
    "tpu.region"() ({
      %run_scoped3A_101 = tpu.sem_alloc : memref<!tpu.dma_semaphore, #tpu.memory_space<semaphore_mem>>
      %dma_start3A_102 = arith.constant 0 : i32
      %dma_start3A_103 = tpu.memref_slice %arg18[%add3A_26, %dma_start3A_102] : memref<10112x128xf32, #tpu.memory_space<vmem_shared>> -> memref<96x128xf32, #tpu.memory_space<vmem_shared>>
      %dma_start3A_104 = arith.constant 0 : i32
      %dma_start3A_105 = tpu.memref_slice %arg18[%add3A_26, %dma_start3A_104] : memref<10112x128xf32, #tpu.memory_space<vmem_shared>> -> memref<96x128xf32, #tpu.memory_space<vmem_shared>>
      tpu.enqueue_dma source(%arg10 : memref<96x128xf32, #tpu.memory_space<vmem>>) target(%dma_start3A_105 : memref<96x128xf32, #tpu.memory_space<vmem_shared>>) target_semaphore(%run_scoped3A_101 : memref<!tpu.dma_semaphore, #tpu.memory_space<semaphore_mem>>)
      %dma_wait3A_106 = arith.constant 0 : i32
      %dma_wait3A_107 = tpu.memref_slice %arg18[%add3A_26, %dma_wait3A_106] : memref<10112x128xf32, #tpu.memory_space<vmem_shared>> -> memref<96x128xf32, #tpu.memory_space<vmem_shared>>
      %dma_wait3A_108 = arith.constant 0 : i32
      %dma_wait3A_109 = tpu.memref_slice %arg18[%add3A_26, %dma_wait3A_108] : memref<10112x128xf32, #tpu.memory_space<vmem_shared>> -> memref<96x128xf32, #tpu.memory_space<vmem_shared>>
      tpu.wait_dma2 semaphore(%run_scoped3A_101 : memref<!tpu.dma_semaphore, #tpu.memory_space<semaphore_mem>>) src(%arg10 : memref<96x128xf32, #tpu.memory_space<vmem>>) dst(%dma_wait3A_109 : memref<96x128xf32, #tpu.memory_space<vmem_shared>>)
      tpu.yield
    }) : () -> ()
    %mul3A_27 = arith.constant 632 : i32
    %mul3A_28 = arith.muli %arg1, %mul3A_27 : i32
    %add3A_29 = arith.constant 576 : i32
    %add3A_30 = arith.addi %mul3A_28, %add3A_29 : i32
    "tpu.region"() ({
      %run_scoped3A_101 = tpu.sem_alloc : memref<!tpu.dma_semaphore, #tpu.memory_space<semaphore_mem>>
      %dma_start3A_102 = arith.constant 0 : i32
      %dma_start3A_103 = arith.constant 0 : i32
      %dma_start3A_104 = tpu.memref_slice %arg10[%dma_start3A_102, %dma_start3A_103] : memref<96x128xf32, #tpu.memory_space<vmem>> -> memref<56x128xf32, #tpu.memory_space<vmem>>
      %dma_start3A_105 = arith.constant 0 : i32
      %dma_start3A_106 = tpu.memref_slice %arg18[%add3A_30, %dma_start3A_105] : memref<10112x128xf32, #tpu.memory_space<vmem_shared>> -> memref<56x128xf32, #tpu.memory_space<vmem_shared>>
      %dma_start3A_107 = arith.constant 0 : i32
      %dma_start3A_108 = tpu.memref_slice %arg18[%add3A_30, %dma_start3A_107] : memref<10112x128xf32, #tpu.memory_space<vmem_shared>> -> memref<56x128xf32, #tpu.memory_space<vmem_shared>>
      %dma_start3A_109 = arith.constant 0 : i32
      %dma_start3A_110 = arith.constant 0 : i32
      %dma_start3A_111 = tpu.memref_slice %arg10[%dma_start3A_109, %dma_start3A_110] : memref<96x128xf32, #tpu.memory_space<vmem>> -> memref<56x128xf32, #tpu.memory_space<vmem>>
      tpu.enqueue_dma source(%dma_start3A_111 : memref<56x128xf32, #tpu.memory_space<vmem>>) target(%dma_start3A_108 : memref<56x128xf32, #tpu.memory_space<vmem_shared>>) target_semaphore(%run_scoped3A_101 : memref<!tpu.dma_semaphore, #tpu.memory_space<semaphore_mem>>)
      %dma_wait3A_112 = arith.constant 0 : i32
      %dma_wait3A_113 = arith.constant 0 : i32
      %dma_wait3A_114 = tpu.memref_slice %arg10[%dma_wait3A_112, %dma_wait3A_113] : memref<96x128xf32, #tpu.memory_space<vmem>> -> memref<56x128xf32, #tpu.memory_space<vmem>>
      %dma_wait3A_115 = arith.constant 0 : i32
      %dma_wait3A_116 = tpu.memref_slice %arg18[%add3A_30, %dma_wait3A_115] : memref<10112x128xf32, #tpu.memory_space<vmem_shared>> -> memref<56x128xf32, #tpu.memory_space<vmem_shared>>
      %dma_wait3A_117 = arith.constant 0 : i32
      %dma_wait3A_118 = tpu.memref_slice %arg18[%add3A_30, %dma_wait3A_117] : memref<10112x128xf32, #tpu.memory_space<vmem_shared>> -> memref<56x128xf32, #tpu.memory_space<vmem_shared>>
      %dma_wait3A_119 = arith.constant 0 : i32
      %dma_wait3A_120 = arith.constant 0 : i32
      %dma_wait3A_121 = tpu.memref_slice %arg10[%dma_wait3A_119, %dma_wait3A_120] : memref<96x128xf32, #tpu.memory_space<vmem>> -> memref<56x128xf32, #tpu.memory_space<vmem>>
      tpu.wait_dma2 semaphore(%run_scoped3A_101 : memref<!tpu.dma_semaphore, #tpu.memory_space<semaphore_mem>>) src(%dma_wait3A_121 : memref<56x128xf32, #tpu.memory_space<vmem>>) dst(%dma_wait3A_118 : memref<56x128xf32, #tpu.memory_space<vmem_shared>>)
      tpu.yield
    }) : () -> ()
    %barrier3A = arith.constant 0 : index
    tpu.barrier barrier_id(%barrier3A)
    %add3A_31 = arith.constant 0 : i32
    %add3A_32 = arith.addi %mul3A_2, %add3A_31 : i32
    %dma_start3A = arith.constant 0 : i32
    %dma_start3A_33 = arith.constant 0 : i32
    %dma_start3A_34 = tpu.memref_slice %arg3[%add3A_32, %dma_start3A, %dma_start3A_33] : memref<3360x2x96xi32, #tpu.memory_space<hbm>> -> memref<1x2x96xi32, #tpu.memory_space<hbm>>
    %dma_start3A_35 = tpu.memref_squeeze %dma_start3A_34 : memref<1x2x96xi32, #tpu.memory_space<hbm>> -> memref<2x96xi32, #tpu.memory_space<hbm>>
    %dma_start3A_36 = arith.constant 0 : i32
    %dma_start3A_37 = arith.constant 0 : i32
    %dma_start3A_38 = tpu.memref_slice %arg3[%add3A_32, %dma_start3A_36, %dma_start3A_37] : memref<3360x2x96xi32, #tpu.memory_space<hbm>> -> memref<1x2x96xi32, #tpu.memory_space<hbm>>
    %dma_start3A_39 = tpu.memref_squeeze %dma_start3A_38 : memref<1x2x96xi32, #tpu.memory_space<hbm>> -> memref<2x96xi32, #tpu.memory_space<hbm>>
    tpu.enqueue_dma source(%dma_start3A_39 : memref<2x96xi32, #tpu.memory_space<hbm>>) target(%arg6 : memref<2x96xi32, #tpu.memory_space<vmem>>) target_semaphore(%arg12 : memref<!tpu.dma_semaphore, #tpu.memory_space<semaphore_mem>>)
    %add3A_40 = arith.constant 1 : i32
    %add3A_41 = arith.addi %mul3A_2, %add3A_40 : i32
    %dma_start3A_42 = arith.constant 0 : i32
    %dma_start3A_43 = arith.constant 0 : i32
    %dma_start3A_44 = tpu.memref_slice %arg3[%add3A_41, %dma_start3A_42, %dma_start3A_43] : memref<3360x2x96xi32, #tpu.memory_space<hbm>> -> memref<1x2x96xi32, #tpu.memory_space<hbm>>
    %dma_start3A_45 = tpu.memref_squeeze %dma_start3A_44 : memref<1x2x96xi32, #tpu.memory_space<hbm>> -> memref<2x96xi32, #tpu.memory_space<hbm>>
    %dma_start3A_46 = arith.constant 0 : i32
    %dma_start3A_47 = arith.constant 0 : i32
    %dma_start3A_48 = tpu.memref_slice %arg3[%add3A_41, %dma_start3A_46, %dma_start3A_47] : memref<3360x2x96xi32, #tpu.memory_space<hbm>> -> memref<1x2x96xi32, #tpu.memory_space<hbm>>
    %dma_start3A_49 = tpu.memref_squeeze %dma_start3A_48 : memref<1x2x96xi32, #tpu.memory_space<hbm>> -> memref<2x96xi32, #tpu.memory_space<hbm>>
    tpu.enqueue_dma source(%dma_start3A_49 : memref<2x96xi32, #tpu.memory_space<hbm>>) target(%arg7 : memref<2x96xi32, #tpu.memory_space<vmem>>) target_semaphore(%arg13 : memref<!tpu.dma_semaphore, #tpu.memory_space<semaphore_mem>>)
    %add3A_50 = arith.constant 2 : i32
    %add3A_51 = arith.addi %mul3A_2, %add3A_50 : i32
    %dma_start3A_52 = arith.constant 0 : i32
    %dma_start3A_53 = arith.constant 0 : i32
    %dma_start3A_54 = tpu.memref_slice %arg3[%add3A_51, %dma_start3A_52, %dma_start3A_53] : memref<3360x2x96xi32, #tpu.memory_space<hbm>> -> memref<1x2x96xi32, #tpu.memory_space<hbm>>
    %dma_start3A_55 = tpu.memref_squeeze %dma_start3A_54 : memref<1x2x96xi32, #tpu.memory_space<hbm>> -> memref<2x96xi32, #tpu.memory_space<hbm>>
    %dma_start3A_56 = arith.constant 0 : i32
    %dma_start3A_57 = arith.constant 0 : i32
    %dma_start3A_58 = tpu.memref_slice %arg3[%add3A_51, %dma_start3A_56, %dma_start3A_57] : memref<3360x2x96xi32, #tpu.memory_space<hbm>> -> memref<1x2x96xi32, #tpu.memory_space<hbm>>
    %dma_start3A_59 = tpu.memref_squeeze %dma_start3A_58 : memref<1x2x96xi32, #tpu.memory_space<hbm>> -> memref<2x96xi32, #tpu.memory_space<hbm>>
    tpu.enqueue_dma source(%dma_start3A_59 : memref<2x96xi32, #tpu.memory_space<hbm>>) target(%arg8 : memref<2x96xi32, #tpu.memory_space<vmem>>) target_semaphore(%arg14 : memref<!tpu.dma_semaphore, #tpu.memory_space<semaphore_mem>>)
    %add3A_60 = arith.constant 3 : i32
    %add3A_61 = arith.addi %mul3A_2, %add3A_60 : i32
    %dma_start3A_62 = arith.constant 0 : i32
    %dma_start3A_63 = arith.constant 0 : i32
    %dma_start3A_64 = tpu.memref_slice %arg3[%add3A_61, %dma_start3A_62, %dma_start3A_63] : memref<3360x2x96xi32, #tpu.memory_space<hbm>> -> memref<1x2x96xi32, #tpu.memory_space<hbm>>
    %dma_start3A_65 = tpu.memref_squeeze %dma_start3A_64 : memref<1x2x96xi32, #tpu.memory_space<hbm>> -> memref<2x96xi32, #tpu.memory_space<hbm>>
    %dma_start3A_66 = arith.constant 0 : i32
    %dma_start3A_67 = arith.constant 0 : i32
    %dma_start3A_68 = tpu.memref_slice %arg3[%add3A_61, %dma_start3A_66, %dma_start3A_67] : memref<3360x2x96xi32, #tpu.memory_space<hbm>> -> memref<1x2x96xi32, #tpu.memory_space<hbm>>
    %dma_start3A_69 = tpu.memref_squeeze %dma_start3A_68 : memref<1x2x96xi32, #tpu.memory_space<hbm>> -> memref<2x96xi32, #tpu.memory_space<hbm>>
    tpu.enqueue_dma source(%dma_start3A_69 : memref<2x96xi32, #tpu.memory_space<hbm>>) target(%arg9 : memref<2x96xi32, #tpu.memory_space<vmem>>) target_semaphore(%arg15 : memref<!tpu.dma_semaphore, #tpu.memory_space<semaphore_mem>>)
    %dma_wait3A = arith.constant 0 : i32
    %dma_wait3A_70 = arith.constant 0 : i32
    %dma_wait3A_71 = tpu.memref_slice %arg3[%mul3A_2, %dma_wait3A, %dma_wait3A_70] : memref<3360x2x96xi32, #tpu.memory_space<hbm>> -> memref<1x2x96xi32, #tpu.memory_space<hbm>>
    %dma_wait3A_72 = tpu.memref_squeeze %dma_wait3A_71 : memref<1x2x96xi32, #tpu.memory_space<hbm>> -> memref<2x96xi32, #tpu.memory_space<hbm>>
    %dma_wait3A_73 = arith.constant 0 : i32
    %dma_wait3A_74 = arith.constant 0 : i32
    %dma_wait3A_75 = tpu.memref_slice %arg3[%mul3A_2, %dma_wait3A_73, %dma_wait3A_74] : memref<3360x2x96xi32, #tpu.memory_space<hbm>> -> memref<1x2x96xi32, #tpu.memory_space<hbm>>
    %dma_wait3A_76 = tpu.memref_squeeze %dma_wait3A_75 : memref<1x2x96xi32, #tpu.memory_space<hbm>> -> memref<2x96xi32, #tpu.memory_space<hbm>>
    tpu.wait_dma2 semaphore(%arg12 : memref<!tpu.dma_semaphore, #tpu.memory_space<semaphore_mem>>) src(%dma_wait3A_76 : memref<2x96xi32, #tpu.memory_space<hbm>>) dst(%arg6 : memref<2x96xi32, #tpu.memory_space<vmem>>)
    %dma_start3A_77 = arith.constant 0 : i32
    %dma_start3A_78 = arith.constant 0 : i32
    %dma_start3A_79 = tpu.memref_slice %arg6[%dma_start3A_77, %dma_start3A_78] : memref<2x96xi32, #tpu.memory_space<vmem>> -> memref<1x96xi32, #tpu.memory_space<vmem>>
    %dma_start3A_80 = tpu.memref_squeeze %dma_start3A_79 : memref<1x96xi32, #tpu.memory_space<vmem>> -> memref<96xi32, #tpu.memory_space<vmem>>
    %dma_start3A_81 = arith.constant 0 : i32
    %dma_start3A_82 = arith.constant 0 : i32
    %dma_start3A_83 = tpu.memref_slice %arg2[%dma_start3A_81, %dma_start3A_82] : memref<10000x128xf32, #tpu.memory_space<hbm>> -> memref<10000x128xf32, #tpu.memory_space<hbm>>
    tpu.enqueue_indirect_dma source(%dma_start3A_83 : memref<10000x128xf32, #tpu.memory_space<hbm>>) target(%arg10 : memref<96x128xf32, #tpu.memory_space<vmem>>) offsets(%dma_start3A_80 : memref<96xi32, #tpu.memory_space<vmem>>) semaphore(%arg16 : memref<!tpu.dma_semaphore, #tpu.memory_space<semaphore_mem>>)
    %scan3A = arith.constant 0 : i32
    %scan3A_84 = arith.constant 0 : i32
    %scan3A_85 = arith.constant 26 : i32
    %scan3A_86 = arith.addi %scan3A_84, %scan3A_85 : i32
    %scan3A_87 = arith.constant 1 : i32
    scf.for %scan3A_101 = %scan3A_84 to %scan3A_86 step %scan3A_87  : i32 {
      %mul3A_102 = arith.constant 4 : i32
      %mul3A_103 = arith.muli %mul3A_102, %scan3A_101 : i32
      %dma_wait3A_104 = arith.constant 0 : i32
      %dma_wait3A_105 = arith.constant 0 : i32
      %dma_wait3A_106 = tpu.memref_slice %arg3[%mul3A_2, %dma_wait3A_104, %dma_wait3A_105] : memref<3360x2x96xi32, #tpu.memory_space<hbm>> -> memref<1x2x96xi32, #tpu.memory_space<hbm>>
      %dma_wait3A_107 = tpu.memref_squeeze %dma_wait3A_106 : memref<1x2x96xi32, #tpu.memory_space<hbm>> -> memref<2x96xi32, #tpu.memory_space<hbm>>
      %dma_wait3A_108 = arith.constant 0 : i32
      %dma_wait3A_109 = arith.constant 0 : i32
      %dma_wait3A_110 = tpu.memref_slice %arg3[%mul3A_2, %dma_wait3A_108, %dma_wait3A_109] : memref<3360x2x96xi32, #tpu.memory_space<hbm>> -> memref<1x2x96xi32, #tpu.memory_space<hbm>>
      %dma_wait3A_111 = tpu.memref_squeeze %dma_wait3A_110 : memref<1x2x96xi32, #tpu.memory_space<hbm>> -> memref<2x96xi32, #tpu.memory_space<hbm>>
      tpu.wait_dma2 semaphore(%arg13 : memref<!tpu.dma_semaphore, #tpu.memory_space<semaphore_mem>>) src(%dma_wait3A_111 : memref<2x96xi32, #tpu.memory_space<hbm>>) dst(%arg7 : memref<2x96xi32, #tpu.memory_space<vmem>>)
      %dma_start3A_112 = arith.constant 0 : i32
      %dma_start3A_113 = arith.constant 0 : i32
      %dma_start3A_114 = tpu.memref_slice %arg7[%dma_start3A_112, %dma_start3A_113] : memref<2x96xi32, #tpu.memory_space<vmem>> -> memref<1x96xi32, #tpu.memory_space<vmem>>
      %dma_start3A_115 = tpu.memref_squeeze %dma_start3A_114 : memref<1x96xi32, #tpu.memory_space<vmem>> -> memref<96xi32, #tpu.memory_space<vmem>>
      %dma_start3A_116 = arith.constant 0 : i32
      %dma_start3A_117 = arith.constant 0 : i32
      %dma_start3A_118 = tpu.memref_slice %arg2[%dma_start3A_116, %dma_start3A_117] : memref<10000x128xf32, #tpu.memory_space<hbm>> -> memref<10000x128xf32, #tpu.memory_space<hbm>>
      tpu.enqueue_indirect_dma source(%dma_start3A_118 : memref<10000x128xf32, #tpu.memory_space<hbm>>) target(%arg11 : memref<96x128xf32, #tpu.memory_space<vmem>>) offsets(%dma_start3A_115 : memref<96xi32, #tpu.memory_space<vmem>>) semaphore(%arg17 : memref<!tpu.dma_semaphore, #tpu.memory_space<semaphore_mem>>)
      %dma_wait3A_119 = arith.constant 0 : i32
      %dma_wait3A_120 = arith.constant 0 : i32
      %dma_wait3A_121 = tpu.memref_slice %arg6[%dma_wait3A_119, %dma_wait3A_120] : memref<2x96xi32, #tpu.memory_space<vmem>> -> memref<1x96xi32, #tpu.memory_space<vmem>>
      %dma_wait3A_122 = tpu.memref_squeeze %dma_wait3A_121 : memref<1x96xi32, #tpu.memory_space<vmem>> -> memref<96xi32, #tpu.memory_space<vmem>>
      %dma_wait3A_123 = arith.constant 0 : i32
      %dma_wait3A_124 = arith.constant 0 : i32
      %dma_wait3A_125 = tpu.memref_slice %arg2[%dma_wait3A_123, %dma_wait3A_124] : memref<10000x128xf32, #tpu.memory_space<hbm>> -> memref<10000x128xf32, #tpu.memory_space<hbm>>
      tpu.wait_indirect_dma semaphore(%arg16 : memref<!tpu.dma_semaphore, #tpu.memory_space<semaphore_mem>>) src(%dma_wait3A_125 : memref<10000x128xf32, #tpu.memory_space<hbm>>) dst(%arg10 : memref<96x128xf32, #tpu.memory_space<vmem>>)
      %run_scoped3A_126 = arith.constant 1 : i32
      "tpu.region"() ({
        %run_scoped3A_221 = tpu.sem_alloc : memref<!tpu.dma_semaphore, #tpu.memory_space<semaphore_mem>>
        %dma_start3A_222 = arith.constant 0 : i32
        %dma_start3A_223 = tpu.memref_slice %arg6[%run_scoped3A_126, %dma_start3A_222] : memref<2x96xi32, #tpu.memory_space<vmem>> -> memref<1x96xi32, #tpu.memory_space<vmem>>
        %dma_start3A_224 = tpu.memref_squeeze %dma_start3A_223 : memref<1x96xi32, #tpu.memory_space<vmem>> -> memref<96xi32, #tpu.memory_space<vmem>>
        %dma_start3A_225 = arith.constant 0 : i32
        %dma_start3A_226 = arith.constant 0 : i32
        %dma_start3A_227 = tpu.memref_slice %arg18[%dma_start3A_225, %dma_start3A_226] : memref<10112x128xf32, #tpu.memory_space<vmem_shared>> -> memref<10112x128xf32, #tpu.memory_space<vmem_shared>>
        tpu.enqueue_indirect_dma source(%arg10 : memref<96x128xf32, #tpu.memory_space<vmem>>) target(%dma_start3A_227 : memref<10112x128xf32, #tpu.memory_space<vmem_shared>>) offsets(%dma_start3A_224 : memref<96xi32, #tpu.memory_space<vmem>>) semaphore(%run_scoped3A_221 : memref<!tpu.dma_semaphore, #tpu.memory_space<semaphore_mem>>) {add = true}
        %dma_wait3A_228 = arith.constant 0 : i32
        %dma_wait3A_229 = tpu.memref_slice %arg6[%run_scoped3A_126, %dma_wait3A_228] : memref<2x96xi32, #tpu.memory_space<vmem>> -> memref<1x96xi32, #tpu.memory_space<vmem>>
        %dma_wait3A_230 = tpu.memref_squeeze %dma_wait3A_229 : memref<1x96xi32, #tpu.memory_space<vmem>> -> memref<96xi32, #tpu.memory_space<vmem>>
        %dma_wait3A_231 = arith.constant 0 : i32
        %dma_wait3A_232 = arith.constant 0 : i32
        %dma_wait3A_233 = tpu.memref_slice %arg18[%dma_wait3A_231, %dma_wait3A_232] : memref<10112x128xf32, #tpu.memory_space<vmem_shared>> -> memref<10112x128xf32, #tpu.memory_space<vmem_shared>>
        tpu.wait_indirect_dma semaphore(%run_scoped3A_221 : memref<!tpu.dma_semaphore, #tpu.memory_space<semaphore_mem>>) src(%arg10 : memref<96x128xf32, #tpu.memory_space<vmem>>) dst(%dma_wait3A_233 : memref<10112x128xf32, #tpu.memory_space<vmem_shared>>)
        tpu.yield
      }) : () -> ()
      %add3A_127 = arith.constant 4 : i32
      %add3A_128 = arith.addi %mul3A_103, %add3A_127 : i32
      %lt3A = arith.constant 105 : i32
      %lt3A_129 = arith.cmpi slt, %add3A_128, %lt3A : i32
      %convert_element_type3A = arith.extui %lt3A_129 : i1 to i32
      %cond3A = arith.constant 0 : i32
      %cond3A_130 = arith.cmpi ne, %convert_element_type3A, %cond3A : i32
      scf.if %cond3A_130 {
        %add3A_221 = arith.addi %mul3A_2, %add3A_128 : i32
        %dma_start3A_222 = arith.constant 0 : i32
        %dma_start3A_223 = arith.constant 0 : i32
        %dma_start3A_224 = tpu.memref_slice %arg3[%add3A_221, %dma_start3A_222, %dma_start3A_223] : memref<3360x2x96xi32, #tpu.memory_space<hbm>> -> memref<1x2x96xi32, #tpu.memory_space<hbm>>
        %dma_start3A_225 = tpu.memref_squeeze %dma_start3A_224 : memref<1x2x96xi32, #tpu.memory_space<hbm>> -> memref<2x96xi32, #tpu.memory_space<hbm>>
        %dma_start3A_226 = arith.constant 0 : i32
        %dma_start3A_227 = arith.constant 0 : i32
        %dma_start3A_228 = tpu.memref_slice %arg3[%add3A_221, %dma_start3A_226, %dma_start3A_227] : memref<3360x2x96xi32, #tpu.memory_space<hbm>> -> memref<1x2x96xi32, #tpu.memory_space<hbm>>
        %dma_start3A_229 = tpu.memref_squeeze %dma_start3A_228 : memref<1x2x96xi32, #tpu.memory_space<hbm>> -> memref<2x96xi32, #tpu.memory_space<hbm>>
        tpu.enqueue_dma source(%dma_start3A_229 : memref<2x96xi32, #tpu.memory_space<hbm>>) target(%arg6 : memref<2x96xi32, #tpu.memory_space<vmem>>) target_semaphore(%arg12 : memref<!tpu.dma_semaphore, #tpu.memory_space<semaphore_mem>>)
      } else {
      }
      %dma_wait3A_131 = arith.constant 0 : i32
      %dma_wait3A_132 = arith.constant 0 : i32
      %dma_wait3A_133 = tpu.memref_slice %arg3[%mul3A_2, %dma_wait3A_131, %dma_wait3A_132] : memref<3360x2x96xi32, #tpu.memory_space<hbm>> -> memref<1x2x96xi32, #tpu.memory_space<hbm>>
      %dma_wait3A_134 = tpu.memref_squeeze %dma_wait3A_133 : memref<1x2x96xi32, #tpu.memory_space<hbm>> -> memref<2x96xi32, #tpu.memory_space<hbm>>
      %dma_wait3A_135 = arith.constant 0 : i32
      %dma_wait3A_136 = arith.constant 0 : i32
      %dma_wait3A_137 = tpu.memref_slice %arg3[%mul3A_2, %dma_wait3A_135, %dma_wait3A_136] : memref<3360x2x96xi32, #tpu.memory_space<hbm>> -> memref<1x2x96xi32, #tpu.memory_space<hbm>>
      %dma_wait3A_138 = tpu.memref_squeeze %dma_wait3A_137 : memref<1x2x96xi32, #tpu.memory_space<hbm>> -> memref<2x96xi32, #tpu.memory_space<hbm>>
      tpu.wait_dma2 semaphore(%arg14 : memref<!tpu.dma_semaphore, #tpu.memory_space<semaphore_mem>>) src(%dma_wait3A_138 : memref<2x96xi32, #tpu.memory_space<hbm>>) dst(%arg8 : memref<2x96xi32, #tpu.memory_space<vmem>>)
      %dma_start3A_139 = arith.constant 0 : i32
      %dma_start3A_140 = arith.constant 0 : i32
      %dma_start3A_141 = tpu.memref_slice %arg8[%dma_start3A_139, %dma_start3A_140] : memref<2x96xi32, #tpu.memory_space<vmem>> -> memref<1x96xi32, #tpu.memory_space<vmem>>
      %dma_start3A_142 = tpu.memref_squeeze %dma_start3A_141 : memref<1x96xi32, #tpu.memory_space<vmem>> -> memref<96xi32, #tpu.memory_space<vmem>>
      %dma_start3A_143 = arith.constant 0 : i32
      %dma_start3A_144 = arith.constant 0 : i32
      %dma_start3A_145 = tpu.memref_slice %arg2[%dma_start3A_143, %dma_start3A_144] : memref<10000x128xf32, #tpu.memory_space<hbm>> -> memref<10000x128xf32, #tpu.memory_space<hbm>>
      tpu.enqueue_indirect_dma source(%dma_start3A_145 : memref<10000x128xf32, #tpu.memory_space<hbm>>) target(%arg10 : memref<96x128xf32, #tpu.memory_space<vmem>>) offsets(%dma_start3A_142 : memref<96xi32, #tpu.memory_space<vmem>>) semaphore(%arg16 : memref<!tpu.dma_semaphore, #tpu.memory_space<semaphore_mem>>)
      %dma_wait3A_146 = arith.constant 0 : i32
      %dma_wait3A_147 = arith.constant 0 : i32
      %dma_wait3A_148 = tpu.memref_slice %arg6[%dma_wait3A_146, %dma_wait3A_147] : memref<2x96xi32, #tpu.memory_space<vmem>> -> memref<1x96xi32, #tpu.memory_space<vmem>>
      %dma_wait3A_149 = tpu.memref_squeeze %dma_wait3A_148 : memref<1x96xi32, #tpu.memory_space<vmem>> -> memref<96xi32, #tpu.memory_space<vmem>>
      %dma_wait3A_150 = arith.constant 0 : i32
      %dma_wait3A_151 = arith.constant 0 : i32
      %dma_wait3A_152 = tpu.memref_slice %arg2[%dma_wait3A_150, %dma_wait3A_151] : memref<10000x128xf32, #tpu.memory_space<hbm>> -> memref<10000x128xf32, #tpu.memory_space<hbm>>
      tpu.wait_indirect_dma semaphore(%arg17 : memref<!tpu.dma_semaphore, #tpu.memory_space<semaphore_mem>>) src(%dma_wait3A_152 : memref<10000x128xf32, #tpu.memory_space<hbm>>) dst(%arg11 : memref<96x128xf32, #tpu.memory_space<vmem>>)
      %run_scoped3A_153 = arith.constant 1 : i32
      "tpu.region"() ({
        %run_scoped3A_221 = tpu.sem_alloc : memref<!tpu.dma_semaphore, #tpu.memory_space<semaphore_mem>>
        %dma_start3A_222 = arith.constant 0 : i32
        %dma_start3A_223 = tpu.memref_slice %arg7[%run_scoped3A_153, %dma_start3A_222] : memref<2x96xi32, #tpu.memory_space<vmem>> -> memref<1x96xi32, #tpu.memory_space<vmem>>
        %dma_start3A_224 = tpu.memref_squeeze %dma_start3A_223 : memref<1x96xi32, #tpu.memory_space<vmem>> -> memref<96xi32, #tpu.memory_space<vmem>>
        %dma_start3A_225 = arith.constant 0 : i32
        %dma_start3A_226 = arith.constant 0 : i32
        %dma_start3A_227 = tpu.memref_slice %arg18[%dma_start3A_225, %dma_start3A_226] : memref<10112x128xf32, #tpu.memory_space<vmem_shared>> -> memref<10112x128xf32, #tpu.memory_space<vmem_shared>>
        tpu.enqueue_indirect_dma source(%arg11 : memref<96x128xf32, #tpu.memory_space<vmem>>) target(%dma_start3A_227 : memref<10112x128xf32, #tpu.memory_space<vmem_shared>>) offsets(%dma_start3A_224 : memref<96xi32, #tpu.memory_space<vmem>>) semaphore(%run_scoped3A_221 : memref<!tpu.dma_semaphore, #tpu.memory_space<semaphore_mem>>) {add = true}
        %dma_wait3A_228 = arith.constant 0 : i32
        %dma_wait3A_229 = tpu.memref_slice %arg7[%run_scoped3A_153, %dma_wait3A_228] : memref<2x96xi32, #tpu.memory_space<vmem>> -> memref<1x96xi32, #tpu.memory_space<vmem>>
        %dma_wait3A_230 = tpu.memref_squeeze %dma_wait3A_229 : memref<1x96xi32, #tpu.memory_space<vmem>> -> memref<96xi32, #tpu.memory_space<vmem>>
        %dma_wait3A_231 = arith.constant 0 : i32
        %dma_wait3A_232 = arith.constant 0 : i32
        %dma_wait3A_233 = tpu.memref_slice %arg18[%dma_wait3A_231, %dma_wait3A_232] : memref<10112x128xf32, #tpu.memory_space<vmem_shared>> -> memref<10112x128xf32, #tpu.memory_space<vmem_shared>>
        tpu.wait_indirect_dma semaphore(%run_scoped3A_221 : memref<!tpu.dma_semaphore, #tpu.memory_space<semaphore_mem>>) src(%arg11 : memref<96x128xf32, #tpu.memory_space<vmem>>) dst(%dma_wait3A_233 : memref<10112x128xf32, #tpu.memory_space<vmem_shared>>)
        tpu.yield
      }) : () -> ()
      %add3A_154 = arith.constant 5 : i32
      %add3A_155 = arith.addi %mul3A_103, %add3A_154 : i32
      %lt3A_156 = arith.constant 105 : i32
      %lt3A_157 = arith.cmpi slt, %add3A_155, %lt3A_156 : i32
      %convert_element_type3A_158 = arith.extui %lt3A_157 : i1 to i32
      %cond3A_159 = arith.constant 0 : i32
      %cond3A_160 = arith.cmpi ne, %convert_element_type3A_158, %cond3A_159 : i32
      scf.if %cond3A_160 {
        %add3A_221 = arith.addi %mul3A_2, %add3A_155 : i32
        %dma_start3A_222 = arith.constant 0 : i32
        %dma_start3A_223 = arith.constant 0 : i32
        %dma_start3A_224 = tpu.memref_slice %arg3[%add3A_221, %dma_start3A_222, %dma_start3A_223] : memref<3360x2x96xi32, #tpu.memory_space<hbm>> -> memref<1x2x96xi32, #tpu.memory_space<hbm>>
        %dma_start3A_225 = tpu.memref_squeeze %dma_start3A_224 : memref<1x2x96xi32, #tpu.memory_space<hbm>> -> memref<2x96xi32, #tpu.memory_space<hbm>>
        %dma_start3A_226 = arith.constant 0 : i32
        %dma_start3A_227 = arith.constant 0 : i32
        %dma_start3A_228 = tpu.memref_slice %arg3[%add3A_221, %dma_start3A_226, %dma_start3A_227] : memref<3360x2x96xi32, #tpu.memory_space<hbm>> -> memref<1x2x96xi32, #tpu.memory_space<hbm>>
        %dma_start3A_229 = tpu.memref_squeeze %dma_start3A_228 : memref<1x2x96xi32, #tpu.memory_space<hbm>> -> memref<2x96xi32, #tpu.memory_space<hbm>>
        tpu.enqueue_dma source(%dma_start3A_229 : memref<2x96xi32, #tpu.memory_space<hbm>>) target(%arg7 : memref<2x96xi32, #tpu.memory_space<vmem>>) target_semaphore(%arg13 : memref<!tpu.dma_semaphore, #tpu.memory_space<semaphore_mem>>)
      } else {
      }
      %dma_wait3A_161 = arith.constant 0 : i32
      %dma_wait3A_162 = arith.constant 0 : i32
      %dma_wait3A_163 = tpu.memref_slice %arg3[%mul3A_2, %dma_wait3A_161, %dma_wait3A_162] : memref<3360x2x96xi32, #tpu.memory_space<hbm>> -> memref<1x2x96xi32, #tpu.memory_space<hbm>>
      %dma_wait3A_164 = tpu.memref_squeeze %dma_wait3A_163 : memref<1x2x96xi32, #tpu.memory_space<hbm>> -> memref<2x96xi32, #tpu.memory_space<hbm>>
      %dma_wait3A_165 = arith.constant 0 : i32
      %dma_wait3A_166 = arith.constant 0 : i32
      %dma_wait3A_167 = tpu.memref_slice %arg3[%mul3A_2, %dma_wait3A_165, %dma_wait3A_166] : memref<3360x2x96xi32, #tpu.memory_space<hbm>> -> memref<1x2x96xi32, #tpu.memory_space<hbm>>
      %dma_wait3A_168 = tpu.memref_squeeze %dma_wait3A_167 : memref<1x2x96xi32, #tpu.memory_space<hbm>> -> memref<2x96xi32, #tpu.memory_space<hbm>>
      tpu.wait_dma2 semaphore(%arg15 : memref<!tpu.dma_semaphore, #tpu.memory_space<semaphore_mem>>) src(%dma_wait3A_168 : memref<2x96xi32, #tpu.memory_space<hbm>>) dst(%arg9 : memref<2x96xi32, #tpu.memory_space<vmem>>)
      %dma_start3A_169 = arith.constant 0 : i32
      %dma_start3A_170 = arith.constant 0 : i32
      %dma_start3A_171 = tpu.memref_slice %arg9[%dma_start3A_169, %dma_start3A_170] : memref<2x96xi32, #tpu.memory_space<vmem>> -> memref<1x96xi32, #tpu.memory_space<vmem>>
      %dma_start3A_172 = tpu.memref_squeeze %dma_start3A_171 : memref<1x96xi32, #tpu.memory_space<vmem>> -> memref<96xi32, #tpu.memory_space<vmem>>
      %dma_start3A_173 = arith.constant 0 : i32
      %dma_start3A_174 = arith.constant 0 : i32
      %dma_start3A_175 = tpu.memref_slice %arg2[%dma_start3A_173, %dma_start3A_174] : memref<10000x128xf32, #tpu.memory_space<hbm>> -> memref<10000x128xf32, #tpu.memory_space<hbm>>
      tpu.enqueue_indirect_dma source(%dma_start3A_175 : memref<10000x128xf32, #tpu.memory_space<hbm>>) target(%arg11 : memref<96x128xf32, #tpu.memory_space<vmem>>) offsets(%dma_start3A_172 : memref<96xi32, #tpu.memory_space<vmem>>) semaphore(%arg17 : memref<!tpu.dma_semaphore, #tpu.memory_space<semaphore_mem>>)
      %dma_wait3A_176 = arith.constant 0 : i32
      %dma_wait3A_177 = arith.constant 0 : i32
      %dma_wait3A_178 = tpu.memref_slice %arg6[%dma_wait3A_176, %dma_wait3A_177] : memref<2x96xi32, #tpu.memory_space<vmem>> -> memref<1x96xi32, #tpu.memory_space<vmem>>
      %dma_wait3A_179 = tpu.memref_squeeze %dma_wait3A_178 : memref<1x96xi32, #tpu.memory_space<vmem>> -> memref<96xi32, #tpu.memory_space<vmem>>
      %dma_wait3A_180 = arith.constant 0 : i32
      %dma_wait3A_181 = arith.constant 0 : i32
      %dma_wait3A_182 = tpu.memref_slice %arg2[%dma_wait3A_180, %dma_wait3A_181] : memref<10000x128xf32, #tpu.memory_space<hbm>> -> memref<10000x128xf32, #tpu.memory_space<hbm>>
      tpu.wait_indirect_dma semaphore(%arg16 : memref<!tpu.dma_semaphore, #tpu.memory_space<semaphore_mem>>) src(%dma_wait3A_182 : memref<10000x128xf32, #tpu.memory_space<hbm>>) dst(%arg10 : memref<96x128xf32, #tpu.memory_space<vmem>>)
      %run_scoped3A_183 = arith.constant 1 : i32
      "tpu.region"() ({
        %run_scoped3A_221 = tpu.sem_alloc : memref<!tpu.dma_semaphore, #tpu.memory_space<semaphore_mem>>
        %dma_start3A_222 = arith.constant 0 : i32
        %dma_start3A_223 = tpu.memref_slice %arg8[%run_scoped3A_183, %dma_start3A_222] : memref<2x96xi32, #tpu.memory_space<vmem>> -> memref<1x96xi32, #tpu.memory_space<vmem>>
        %dma_start3A_224 = tpu.memref_squeeze %dma_start3A_223 : memref<1x96xi32, #tpu.memory_space<vmem>> -> memref<96xi32, #tpu.memory_space<vmem>>
        %dma_start3A_225 = arith.constant 0 : i32
        %dma_start3A_226 = arith.constant 0 : i32
        %dma_start3A_227 = tpu.memref_slice %arg18[%dma_start3A_225, %dma_start3A_226] : memref<10112x128xf32, #tpu.memory_space<vmem_shared>> -> memref<10112x128xf32, #tpu.memory_space<vmem_shared>>
        tpu.enqueue_indirect_dma source(%arg10 : memref<96x128xf32, #tpu.memory_space<vmem>>) target(%dma_start3A_227 : memref<10112x128xf32, #tpu.memory_space<vmem_shared>>) offsets(%dma_start3A_224 : memref<96xi32, #tpu.memory_space<vmem>>) semaphore(%run_scoped3A_221 : memref<!tpu.dma_semaphore, #tpu.memory_space<semaphore_mem>>) {add = true}
        %dma_wait3A_228 = arith.constant 0 : i32
        %dma_wait3A_229 = tpu.memref_slice %arg8[%run_scoped3A_183, %dma_wait3A_228] : memref<2x96xi32, #tpu.memory_space<vmem>> -> memref<1x96xi32, #tpu.memory_space<vmem>>
        %dma_wait3A_230 = tpu.memref_squeeze %dma_wait3A_229 : memref<1x96xi32, #tpu.memory_space<vmem>> -> memref<96xi32, #tpu.memory_space<vmem>>
        %dma_wait3A_231 = arith.constant 0 : i32
        %dma_wait3A_232 = arith.constant 0 : i32
        %dma_wait3A_233 = tpu.memref_slice %arg18[%dma_wait3A_231, %dma_wait3A_232] : memref<10112x128xf32, #tpu.memory_space<vmem_shared>> -> memref<10112x128xf32, #tpu.memory_space<vmem_shared>>
        tpu.wait_indirect_dma semaphore(%run_scoped3A_221 : memref<!tpu.dma_semaphore, #tpu.memory_space<semaphore_mem>>) src(%arg10 : memref<96x128xf32, #tpu.memory_space<vmem>>) dst(%dma_wait3A_233 : memref<10112x128xf32, #tpu.memory_space<vmem_shared>>)
        tpu.yield
      }) : () -> ()
      %add3A_184 = arith.constant 6 : i32
      %add3A_185 = arith.addi %mul3A_103, %add3A_184 : i32
      %lt3A_186 = arith.constant 105 : i32
      %lt3A_187 = arith.cmpi slt, %add3A_185, %lt3A_186 : i32
      %convert_element_type3A_188 = arith.extui %lt3A_187 : i1 to i32
      %cond3A_189 = arith.constant 0 : i32
      %cond3A_190 = arith.cmpi ne, %convert_element_type3A_188, %cond3A_189 : i32
      scf.if %cond3A_190 {
        %add3A_221 = arith.addi %mul3A_2, %add3A_185 : i32
        %dma_start3A_222 = arith.constant 0 : i32
        %dma_start3A_223 = arith.constant 0 : i32
        %dma_start3A_224 = tpu.memref_slice %arg3[%add3A_221, %dma_start3A_222, %dma_start3A_223] : memref<3360x2x96xi32, #tpu.memory_space<hbm>> -> memref<1x2x96xi32, #tpu.memory_space<hbm>>
        %dma_start3A_225 = tpu.memref_squeeze %dma_start3A_224 : memref<1x2x96xi32, #tpu.memory_space<hbm>> -> memref<2x96xi32, #tpu.memory_space<hbm>>
        %dma_start3A_226 = arith.constant 0 : i32
        %dma_start3A_227 = arith.constant 0 : i32
        %dma_start3A_228 = tpu.memref_slice %arg3[%add3A_221, %dma_start3A_226, %dma_start3A_227] : memref<3360x2x96xi32, #tpu.memory_space<hbm>> -> memref<1x2x96xi32, #tpu.memory_space<hbm>>
        %dma_start3A_229 = tpu.memref_squeeze %dma_start3A_228 : memref<1x2x96xi32, #tpu.memory_space<hbm>> -> memref<2x96xi32, #tpu.memory_space<hbm>>
        tpu.enqueue_dma source(%dma_start3A_229 : memref<2x96xi32, #tpu.memory_space<hbm>>) target(%arg8 : memref<2x96xi32, #tpu.memory_space<vmem>>) target_semaphore(%arg14 : memref<!tpu.dma_semaphore, #tpu.memory_space<semaphore_mem>>)
      } else {
      }
      %dma_wait3A_191 = arith.constant 0 : i32
      %dma_wait3A_192 = arith.constant 0 : i32
      %dma_wait3A_193 = tpu.memref_slice %arg3[%mul3A_2, %dma_wait3A_191, %dma_wait3A_192] : memref<3360x2x96xi32, #tpu.memory_space<hbm>> -> memref<1x2x96xi32, #tpu.memory_space<hbm>>
      %dma_wait3A_194 = tpu.memref_squeeze %dma_wait3A_193 : memref<1x2x96xi32, #tpu.memory_space<hbm>> -> memref<2x96xi32, #tpu.memory_space<hbm>>
      %dma_wait3A_195 = arith.constant 0 : i32
      %dma_wait3A_196 = arith.constant 0 : i32
      %dma_wait3A_197 = tpu.memref_slice %arg3[%mul3A_2, %dma_wait3A_195, %dma_wait3A_196] : memref<3360x2x96xi32, #tpu.memory_space<hbm>> -> memref<1x2x96xi32, #tpu.memory_space<hbm>>
      %dma_wait3A_198 = tpu.memref_squeeze %dma_wait3A_197 : memref<1x2x96xi32, #tpu.memory_space<hbm>> -> memref<2x96xi32, #tpu.memory_space<hbm>>
      tpu.wait_dma2 semaphore(%arg12 : memref<!tpu.dma_semaphore, #tpu.memory_space<semaphore_mem>>) src(%dma_wait3A_198 : memref<2x96xi32, #tpu.memory_space<hbm>>) dst(%arg6 : memref<2x96xi32, #tpu.memory_space<vmem>>)
      %dma_start3A_199 = arith.constant 0 : i32
      %dma_start3A_200 = arith.constant 0 : i32
      %dma_start3A_201 = tpu.memref_slice %arg6[%dma_start3A_199, %dma_start3A_200] : memref<2x96xi32, #tpu.memory_space<vmem>> -> memref<1x96xi32, #tpu.memory_space<vmem>>
      %dma_start3A_202 = tpu.memref_squeeze %dma_start3A_201 : memref<1x96xi32, #tpu.memory_space<vmem>> -> memref<96xi32, #tpu.memory_space<vmem>>
      %dma_start3A_203 = arith.constant 0 : i32
      %dma_start3A_204 = arith.constant 0 : i32
      %dma_start3A_205 = tpu.memref_slice %arg2[%dma_start3A_203, %dma_start3A_204] : memref<10000x128xf32, #tpu.memory_space<hbm>> -> memref<10000x128xf32, #tpu.memory_space<hbm>>
      tpu.enqueue_indirect_dma source(%dma_start3A_205 : memref<10000x128xf32, #tpu.memory_space<hbm>>) target(%arg10 : memref<96x128xf32, #tpu.memory_space<vmem>>) offsets(%dma_start3A_202 : memref<96xi32, #tpu.memory_space<vmem>>) semaphore(%arg16 : memref<!tpu.dma_semaphore, #tpu.memory_space<semaphore_mem>>)
      %dma_wait3A_206 = arith.constant 0 : i32
      %dma_wait3A_207 = arith.constant 0 : i32
      %dma_wait3A_208 = tpu.memref_slice %arg6[%dma_wait3A_206, %dma_wait3A_207] : memref<2x96xi32, #tpu.memory_space<vmem>> -> memref<1x96xi32, #tpu.memory_space<vmem>>
      %dma_wait3A_209 = tpu.memref_squeeze %dma_wait3A_208 : memref<1x96xi32, #tpu.memory_space<vmem>> -> memref<96xi32, #tpu.memory_space<vmem>>
      %dma_wait3A_210 = arith.constant 0 : i32
      %dma_wait3A_211 = arith.constant 0 : i32
      %dma_wait3A_212 = tpu.memref_slice %arg2[%dma_wait3A_210, %dma_wait3A_211] : memref<10000x128xf32, #tpu.memory_space<hbm>> -> memref<10000x128xf32, #tpu.memory_space<hbm>>
      tpu.wait_indirect_dma semaphore(%arg17 : memref<!tpu.dma_semaphore, #tpu.memory_space<semaphore_mem>>) src(%dma_wait3A_212 : memref<10000x128xf32, #tpu.memory_space<hbm>>) dst(%arg11 : memref<96x128xf32, #tpu.memory_space<vmem>>)
      %run_scoped3A_213 = arith.constant 1 : i32
      "tpu.region"() ({
        %run_scoped3A_221 = tpu.sem_alloc : memref<!tpu.dma_semaphore, #tpu.memory_space<semaphore_mem>>
        %dma_start3A_222 = arith.constant 0 : i32
        %dma_start3A_223 = tpu.memref_slice %arg9[%run_scoped3A_213, %dma_start3A_222] : memref<2x96xi32, #tpu.memory_space<vmem>> -> memref<1x96xi32, #tpu.memory_space<vmem>>
        %dma_start3A_224 = tpu.memref_squeeze %dma_start3A_223 : memref<1x96xi32, #tpu.memory_space<vmem>> -> memref<96xi32, #tpu.memory_space<vmem>>
        %dma_start3A_225 = arith.constant 0 : i32
        %dma_start3A_226 = arith.constant 0 : i32
        %dma_start3A_227 = tpu.memref_slice %arg18[%dma_start3A_225, %dma_start3A_226] : memref<10112x128xf32, #tpu.memory_space<vmem_shared>> -> memref<10112x128xf32, #tpu.memory_space<vmem_shared>>
        tpu.enqueue_indirect_dma source(%arg11 : memref<96x128xf32, #tpu.memory_space<vmem>>) target(%dma_start3A_227 : memref<10112x128xf32, #tpu.memory_space<vmem_shared>>) offsets(%dma_start3A_224 : memref<96xi32, #tpu.memory_space<vmem>>) semaphore(%run_scoped3A_221 : memref<!tpu.dma_semaphore, #tpu.memory_space<semaphore_mem>>) {add = true}
        %dma_wait3A_228 = arith.constant 0 : i32
        %dma_wait3A_229 = tpu.memref_slice %arg9[%run_scoped3A_213, %dma_wait3A_228] : memref<2x96xi32, #tpu.memory_space<vmem>> -> memref<1x96xi32, #tpu.memory_space<vmem>>
        %dma_wait3A_230 = tpu.memref_squeeze %dma_wait3A_229 : memref<1x96xi32, #tpu.memory_space<vmem>> -> memref<96xi32, #tpu.memory_space<vmem>>
        %dma_wait3A_231 = arith.constant 0 : i32
        %dma_wait3A_232 = arith.constant 0 : i32
        %dma_wait3A_233 = tpu.memref_slice %arg18[%dma_wait3A_231, %dma_wait3A_232] : memref<10112x128xf32, #tpu.memory_space<vmem_shared>> -> memref<10112x128xf32, #tpu.memory_space<vmem_shared>>
        tpu.wait_indirect_dma semaphore(%run_scoped3A_221 : memref<!tpu.dma_semaphore, #tpu.memory_space<semaphore_mem>>) src(%arg11 : memref<96x128xf32, #tpu.memory_space<vmem>>) dst(%dma_wait3A_233 : memref<10112x128xf32, #tpu.memory_space<vmem_shared>>)
        tpu.yield
      }) : () -> ()
      %add3A_214 = arith.constant 7 : i32
      %add3A_215 = arith.addi %mul3A_103, %add3A_214 : i32
      %lt3A_216 = arith.constant 105 : i32
      %lt3A_217 = arith.cmpi slt, %add3A_215, %lt3A_216 : i32
      %convert_element_type3A_218 = arith.extui %lt3A_217 : i1 to i32
      %cond3A_219 = arith.constant 0 : i32
      %cond3A_220 = arith.cmpi ne, %convert_element_type3A_218, %cond3A_219 : i32
      scf.if %cond3A_220 {
        %add3A_221 = arith.addi %mul3A_2, %add3A_215 : i32
        %dma_start3A_222 = arith.constant 0 : i32
        %dma_start3A_223 = arith.constant 0 : i32
        %dma_start3A_224 = tpu.memref_slice %arg3[%add3A_221, %dma_start3A_222, %dma_start3A_223] : memref<3360x2x96xi32, #tpu.memory_space<hbm>> -> memref<1x2x96xi32, #tpu.memory_space<hbm>>
        %dma_start3A_225 = tpu.memref_squeeze %dma_start3A_224 : memref<1x2x96xi32, #tpu.memory_space<hbm>> -> memref<2x96xi32, #tpu.memory_space<hbm>>
        %dma_start3A_226 = arith.constant 0 : i32
        %dma_start3A_227 = arith.constant 0 : i32
        %dma_start3A_228 = tpu.memref_slice %arg3[%add3A_221, %dma_start3A_226, %dma_start3A_227] : memref<3360x2x96xi32, #tpu.memory_space<hbm>> -> memref<1x2x96xi32, #tpu.memory_space<hbm>>
        %dma_start3A_229 = tpu.memref_squeeze %dma_start3A_228 : memref<1x2x96xi32, #tpu.memory_space<hbm>> -> memref<2x96xi32, #tpu.memory_space<hbm>>
        tpu.enqueue_dma source(%dma_start3A_229 : memref<2x96xi32, #tpu.memory_space<hbm>>) target(%arg9 : memref<2x96xi32, #tpu.memory_space<vmem>>) target_semaphore(%arg15 : memref<!tpu.dma_semaphore, #tpu.memory_space<semaphore_mem>>)
      } else {
      }
    }
    %scan3A_88 = arith.constant 26 : i32
    %dma_wait3A_89 = arith.constant 0 : i32
    %dma_wait3A_90 = arith.constant 0 : i32
    %dma_wait3A_91 = tpu.memref_slice %arg6[%dma_wait3A_89, %dma_wait3A_90] : memref<2x96xi32, #tpu.memory_space<vmem>> -> memref<1x96xi32, #tpu.memory_space<vmem>>
    %dma_wait3A_92 = tpu.memref_squeeze %dma_wait3A_91 : memref<1x96xi32, #tpu.memory_space<vmem>> -> memref<96xi32, #tpu.memory_space<vmem>>
    %dma_wait3A_93 = arith.constant 0 : i32
    %dma_wait3A_94 = arith.constant 0 : i32
    %dma_wait3A_95 = tpu.memref_slice %arg2[%dma_wait3A_93, %dma_wait3A_94] : memref<10000x128xf32, #tpu.memory_space<hbm>> -> memref<10000x128xf32, #tpu.memory_space<hbm>>
    tpu.wait_indirect_dma semaphore(%arg16 : memref<!tpu.dma_semaphore, #tpu.memory_space<semaphore_mem>>) src(%dma_wait3A_95 : memref<10000x128xf32, #tpu.memory_space<hbm>>) dst(%arg10 : memref<96x128xf32, #tpu.memory_space<vmem>>)
    %run_scoped3A = arith.constant 1 : i32
    "tpu.region"() ({
      %run_scoped3A_101 = tpu.sem_alloc : memref<!tpu.dma_semaphore, #tpu.memory_space<semaphore_mem>>
      %dma_start3A_102 = arith.constant 0 : i32
      %dma_start3A_103 = tpu.memref_slice %arg6[%run_scoped3A, %dma_start3A_102] : memref<2x96xi32, #tpu.memory_space<vmem>> -> memref<1x96xi32, #tpu.memory_space<vmem>>
      %dma_start3A_104 = tpu.memref_squeeze %dma_start3A_103 : memref<1x96xi32, #tpu.memory_space<vmem>> -> memref<96xi32, #tpu.memory_space<vmem>>
      %dma_start3A_105 = arith.constant 0 : i32
      %dma_start3A_106 = arith.constant 0 : i32
      %dma_start3A_107 = tpu.memref_slice %arg18[%dma_start3A_105, %dma_start3A_106] : memref<10112x128xf32, #tpu.memory_space<vmem_shared>> -> memref<10112x128xf32, #tpu.memory_space<vmem_shared>>
      tpu.enqueue_indirect_dma source(%arg10 : memref<96x128xf32, #tpu.memory_space<vmem>>) target(%dma_start3A_107 : memref<10112x128xf32, #tpu.memory_space<vmem_shared>>) offsets(%dma_start3A_104 : memref<96xi32, #tpu.memory_space<vmem>>) semaphore(%run_scoped3A_101 : memref<!tpu.dma_semaphore, #tpu.memory_space<semaphore_mem>>) {add = true}
      %dma_wait3A_108 = arith.constant 0 : i32
      %dma_wait3A_109 = tpu.memref_slice %arg6[%run_scoped3A, %dma_wait3A_108] : memref<2x96xi32, #tpu.memory_space<vmem>> -> memref<1x96xi32, #tpu.memory_space<vmem>>
      %dma_wait3A_110 = tpu.memref_squeeze %dma_wait3A_109 : memref<1x96xi32, #tpu.memory_space<vmem>> -> memref<96xi32, #tpu.memory_space<vmem>>
      %dma_wait3A_111 = arith.constant 0 : i32
      %dma_wait3A_112 = arith.constant 0 : i32
      %dma_wait3A_113 = tpu.memref_slice %arg18[%dma_wait3A_111, %dma_wait3A_112] : memref<10112x128xf32, #tpu.memory_space<vmem_shared>> -> memref<10112x128xf32, #tpu.memory_space<vmem_shared>>
      tpu.wait_indirect_dma semaphore(%run_scoped3A_101 : memref<!tpu.dma_semaphore, #tpu.memory_space<semaphore_mem>>) src(%arg10 : memref<96x128xf32, #tpu.memory_space<vmem>>) dst(%dma_wait3A_113 : memref<10112x128xf32, #tpu.memory_space<vmem_shared>>)
      tpu.yield
    }) : () -> ()
    %barrier3A_96 = arith.constant 0 : index
    tpu.barrier barrier_id(%barrier3A_96)
    %mul3A_97 = arith.constant 632 : i32
    %mul3A_98 = arith.muli %arg1, %mul3A_97 : i32
    %mul3A_99 = arith.constant 632 : i32
    %mul3A_100 = arith.muli %arg1, %mul3A_99 : i32
    "tpu.region"() ({
      %run_scoped3A_101 = tpu.sem_alloc : memref<!tpu.dma_semaphore, #tpu.memory_space<semaphore_mem>>
      %dma_start3A_102 = arith.constant 0 : i32
      %dma_start3A_103 = tpu.memref_slice %arg5[%arg0, %mul3A_100, %dma_start3A_102] : memref<2x10112x128xf32, #tpu.memory_space<hbm>> -> memref<1x632x128xf32, #tpu.memory_space<hbm>>
      %dma_start3A_104 = tpu.memref_squeeze %dma_start3A_103 : memref<1x632x128xf32, #tpu.memory_space<hbm>> -> memref<632x128xf32, #tpu.memory_space<hbm>>
      %dma_start3A_105 = arith.constant 0 : i32
      %dma_start3A_106 = tpu.memref_slice %arg18[%mul3A_98, %dma_start3A_105] : memref<10112x128xf32, #tpu.memory_space<vmem_shared>> -> memref<632x128xf32, #tpu.memory_space<vmem_shared>>
      tpu.enqueue_dma source(%dma_start3A_106 : memref<632x128xf32, #tpu.memory_space<vmem_shared>>) target(%dma_start3A_104 : memref<632x128xf32, #tpu.memory_space<hbm>>) target_semaphore(%run_scoped3A_101 : memref<!tpu.dma_semaphore, #tpu.memory_space<semaphore_mem>>)
      %dma_wait3A_107 = arith.constant 0 : i32
      %dma_wait3A_108 = tpu.memref_slice %arg5[%arg0, %mul3A_100, %dma_wait3A_107] : memref<2x10112x128xf32, #tpu.memory_space<hbm>> -> memref<1x632x128xf32, #tpu.memory_space<hbm>>
      %dma_wait3A_109 = tpu.memref_squeeze %dma_wait3A_108 : memref<1x632x128xf32, #tpu.memory_space<hbm>> -> memref<632x128xf32, #tpu.memory_space<hbm>>
      %dma_wait3A_110 = arith.constant 0 : i32
      %dma_wait3A_111 = tpu.memref_slice %arg18[%mul3A_98, %dma_wait3A_110] : memref<10112x128xf32, #tpu.memory_space<vmem_shared>> -> memref<632x128xf32, #tpu.memory_space<vmem_shared>>
      tpu.wait_dma2 semaphore(%run_scoped3A_101 : memref<!tpu.dma_semaphore, #tpu.memory_space<semaphore_mem>>) src(%dma_wait3A_111 : memref<632x128xf32, #tpu.memory_space<vmem_shared>>) dst(%dma_wait3A_109 : memref<632x128xf32, #tpu.memory_space<hbm>>)
      tpu.yield
    }) : () -> ()
    return
  }
}

#map = affine_map<(d0, d1) -> (0, 0)>
#map1 = affine_map<(d0, d1) -> (0, 0, 0)>
module attributes {stable_mosaic.version = 14 : i64} {
  func.func @_msg_body(%arg0: i32, %arg1: i32, %arg2: memref<10000x128xf32, #tpu.memory_space<hbm>>, %arg3: memref<3360x2x96xi32, #tpu.memory_space<hbm>>, %arg4: memref<96x128xf32, #tpu.memory_space<hbm>>, %arg5: memref<2x10112x128xf32, #tpu.memory_space<hbm>>, %arg6: memref<2x96xi32, #tpu.memory_space<vmem>>, %arg7: memref<2x96xi32, #tpu.memory_space<vmem>>, %arg8: memref<2x96xi32, #tpu.memory_space<vmem>>, %arg9: memref<2x96xi32, #tpu.memory_space<vmem>>, %arg10: memref<96x128xf32, #tpu.memory_space<vmem>>, %arg11: memref<96x128xf32, #tpu.memory_space<vmem>>, %arg12: memref<!tpu.dma_semaphore, #tpu.memory_space<semaphore_mem>>, %arg13: memref<!tpu.dma_semaphore, #tpu.memory_space<semaphore_mem>>, %arg14: memref<!tpu.dma_semaphore, #tpu.memory_space<semaphore_mem>>, %arg15: memref<!tpu.dma_semaphore, #tpu.memory_space<semaphore_mem>>, %arg16: memref<!tpu.dma_semaphore, #tpu.memory_space<semaphore_mem>>, %arg17: memref<!tpu.dma_semaphore, #tpu.memory_space<semaphore_mem>>, %arg18: memref<10112x128xf32, #tpu.memory_space<vmem_shared>>) attributes {dimension_semantics = [#tpu.dimension_semantics<core_parallel>, #tpu.dimension_semantics<subcore_parallel>], iteration_bounds = array<i64: 2, 16>, scalar_prefetch = 0 : i64, scratch_operands = 13 : i64, tpu.core_type = #tpu.core_type<sc_vector_subcore>, window_params = [{transform_indices = #map}, {transform_indices = #map1}, {transform_indices = #map}, {transform_indices = #map1}]} {
    %mul3A = arith.constant 2 : i32
    %mul3A_0 = arith.muli %arg1, %mul3A : i32
    %add3A = arith.addi %mul3A_0, %arg0 : i32
    %mul3A_1 = arith.constant 105 : i32
    %mul3A_2 = arith.muli %add3A, %mul3A_1 : i32
    "tpu.region"() ({
      %run_scoped3A_101 = tpu.sem_alloc : memref<!tpu.dma_semaphore, #tpu.memory_space<semaphore_mem>>
      tpu.enqueue_dma source(%arg4 : memref<96x128xf32, #tpu.memory_space<hbm>>) target(%arg10 : memref<96x128xf32, #tpu.memory_space<vmem>>) target_semaphore(%run_scoped3A_101 : memref<!tpu.dma_semaphore, #tpu.memory_space<semaphore_mem>>)
      tpu.wait_dma2 semaphore(%run_scoped3A_101 : memref<!tpu.dma_semaphore, #tpu.memory_space<semaphore_mem>>) src(%arg4 : memref<96x128xf32, #tpu.memory_space<hbm>>) dst(%arg10 : memref<96x128xf32, #tpu.memory_space<vmem>>)
      tpu.yield
    }) : () -> ()
    %mul3A_3 = arith.constant 632 : i32
    %mul3A_4 = arith.muli %arg1, %mul3A_3 : i32
    %add3A_5 = arith.constant 0 : i32
    %add3A_6 = arith.addi %mul3A_4, %add3A_5 : i32
    "tpu.region"() ({
      %run_scoped3A_101 = tpu.sem_alloc : memref<!tpu.dma_semaphore, #tpu.memory_space<semaphore_mem>>
      %dma_start3A_102 = arith.constant 0 : i32
      %dma_start3A_103 = tpu.memref_slice %arg18[%add3A_6, %dma_start3A_102] : memref<10112x128xf32, #tpu.memory_space<vmem_shared>> -> memref<96x128xf32, #tpu.memory_space<vmem_shared>>
      %dma_start3A_104 = arith.constant 0 : i32
      %dma_start3A_105 = tpu.memref_slice %arg18[%add3A_6, %dma_start3A_104] : memref<10112x128xf32, #tpu.memory_space<vmem_shared>> -> memref<96x128xf32, #tpu.memory_space<vmem_shared>>
      tpu.enqueue_dma source(%arg10 : memref<96x128xf32, #tpu.memory_space<vmem>>) target(%dma_start3A_105 : memref<96x128xf32, #tpu.memory_space<vmem_shared>>) target_semaphore(%run_scoped3A_101 : memref<!tpu.dma_semaphore, #tpu.memory_space<semaphore_mem>>)
      %dma_wait3A_106 = arith.constant 0 : i32
      %dma_wait3A_107 = tpu.memref_slice %arg18[%add3A_6, %dma_wait3A_106] : memref<10112x128xf32, #tpu.memory_space<vmem_shared>> -> memref<96x128xf32, #tpu.memory_space<vmem_shared>>
      %dma_wait3A_108 = arith.constant 0 : i32
      %dma_wait3A_109 = tpu.memref_slice %arg18[%add3A_6, %dma_wait3A_108] : memref<10112x128xf32, #tpu.memory_space<vmem_shared>> -> memref<96x128xf32, #tpu.memory_space<vmem_shared>>
      tpu.wait_dma2 semaphore(%run_scoped3A_101 : memref<!tpu.dma_semaphore, #tpu.memory_space<semaphore_mem>>) src(%arg10 : memref<96x128xf32, #tpu.memory_space<vmem>>) dst(%dma_wait3A_109 : memref<96x128xf32, #tpu.memory_space<vmem_shared>>)
      tpu.yield
    }) : () -> ()
    %mul3A_7 = arith.constant 632 : i32
    %mul3A_8 = arith.muli %arg1, %mul3A_7 : i32
    %add3A_9 = arith.constant 96 : i32
    %add3A_10 = arith.addi %mul3A_8, %add3A_9 : i32
    "tpu.region"() ({
      %run_scoped3A_101 = tpu.sem_alloc : memref<!tpu.dma_semaphore, #tpu.memory_space<semaphore_mem>>
      %dma_start3A_102 = arith.constant 0 : i32
      %dma_start3A_103 = tpu.memref_slice %arg18[%add3A_10, %dma_start3A_102] : memref<10112x128xf32, #tpu.memory_space<vmem_shared>> -> memref<96x128xf32, #tpu.memory_space<vmem_shared>>
      %dma_start3A_104 = arith.constant 0 : i32
      %dma_start3A_105 = tpu.memref_slice %arg18[%add3A_10, %dma_start3A_104] : memref<10112x128xf32, #tpu.memory_space<vmem_shared>> -> memref<96x128xf32, #tpu.memory_space<vmem_shared>>
      tpu.enqueue_dma source(%arg10 : memref<96x128xf32, #tpu.memory_space<vmem>>) target(%dma_start3A_105 : memref<96x128xf32, #tpu.memory_space<vmem_shared>>) target_semaphore(%run_scoped3A_101 : memref<!tpu.dma_semaphore, #tpu.memory_space<semaphore_mem>>)
      %dma_wait3A_106 = arith.constant 0 : i32
      %dma_wait3A_107 = tpu.memref_slice %arg18[%add3A_10, %dma_wait3A_106] : memref<10112x128xf32, #tpu.memory_space<vmem_shared>> -> memref<96x128xf32, #tpu.memory_space<vmem_shared>>
      %dma_wait3A_108 = arith.constant 0 : i32
      %dma_wait3A_109 = tpu.memref_slice %arg18[%add3A_10, %dma_wait3A_108] : memref<10112x128xf32, #tpu.memory_space<vmem_shared>> -> memref<96x128xf32, #tpu.memory_space<vmem_shared>>
      tpu.wait_dma2 semaphore(%run_scoped3A_101 : memref<!tpu.dma_semaphore, #tpu.memory_space<semaphore_mem>>) src(%arg10 : memref<96x128xf32, #tpu.memory_space<vmem>>) dst(%dma_wait3A_109 : memref<96x128xf32, #tpu.memory_space<vmem_shared>>)
      tpu.yield
    }) : () -> ()
    %mul3A_11 = arith.constant 632 : i32
    %mul3A_12 = arith.muli %arg1, %mul3A_11 : i32
    %add3A_13 = arith.constant 192 : i32
    %add3A_14 = arith.addi %mul3A_12, %add3A_13 : i32
    "tpu.region"() ({
      %run_scoped3A_101 = tpu.sem_alloc : memref<!tpu.dma_semaphore, #tpu.memory_space<semaphore_mem>>
      %dma_start3A_102 = arith.constant 0 : i32
      %dma_start3A_103 = tpu.memref_slice %arg18[%add3A_14, %dma_start3A_102] : memref<10112x128xf32, #tpu.memory_space<vmem_shared>> -> memref<96x128xf32, #tpu.memory_space<vmem_shared>>
      %dma_start3A_104 = arith.constant 0 : i32
      %dma_start3A_105 = tpu.memref_slice %arg18[%add3A_14, %dma_start3A_104] : memref<10112x128xf32, #tpu.memory_space<vmem_shared>> -> memref<96x128xf32, #tpu.memory_space<vmem_shared>>
      tpu.enqueue_dma source(%arg10 : memref<96x128xf32, #tpu.memory_space<vmem>>) target(%dma_start3A_105 : memref<96x128xf32, #tpu.memory_space<vmem_shared>>) target_semaphore(%run_scoped3A_101 : memref<!tpu.dma_semaphore, #tpu.memory_space<semaphore_mem>>)
      %dma_wait3A_106 = arith.constant 0 : i32
      %dma_wait3A_107 = tpu.memref_slice %arg18[%add3A_14, %dma_wait3A_106] : memref<10112x128xf32, #tpu.memory_space<vmem_shared>> -> memref<96x128xf32, #tpu.memory_space<vmem_shared>>
      %dma_wait3A_108 = arith.constant 0 : i32
      %dma_wait3A_109 = tpu.memref_slice %arg18[%add3A_14, %dma_wait3A_108] : memref<10112x128xf32, #tpu.memory_space<vmem_shared>> -> memref<96x128xf32, #tpu.memory_space<vmem_shared>>
      tpu.wait_dma2 semaphore(%run_scoped3A_101 : memref<!tpu.dma_semaphore, #tpu.memory_space<semaphore_mem>>) src(%arg10 : memref<96x128xf32, #tpu.memory_space<vmem>>) dst(%dma_wait3A_109 : memref<96x128xf32, #tpu.memory_space<vmem_shared>>)
      tpu.yield
    }) : () -> ()
    %mul3A_15 = arith.constant 632 : i32
    %mul3A_16 = arith.muli %arg1, %mul3A_15 : i32
    %add3A_17 = arith.constant 288 : i32
    %add3A_18 = arith.addi %mul3A_16, %add3A_17 : i32
    "tpu.region"() ({
      %run_scoped3A_101 = tpu.sem_alloc : memref<!tpu.dma_semaphore, #tpu.memory_space<semaphore_mem>>
      %dma_start3A_102 = arith.constant 0 : i32
      %dma_start3A_103 = tpu.memref_slice %arg18[%add3A_18, %dma_start3A_102] : memref<10112x128xf32, #tpu.memory_space<vmem_shared>> -> memref<96x128xf32, #tpu.memory_space<vmem_shared>>
      %dma_start3A_104 = arith.constant 0 : i32
      %dma_start3A_105 = tpu.memref_slice %arg18[%add3A_18, %dma_start3A_104] : memref<10112x128xf32, #tpu.memory_space<vmem_shared>> -> memref<96x128xf32, #tpu.memory_space<vmem_shared>>
      tpu.enqueue_dma source(%arg10 : memref<96x128xf32, #tpu.memory_space<vmem>>) target(%dma_start3A_105 : memref<96x128xf32, #tpu.memory_space<vmem_shared>>) target_semaphore(%run_scoped3A_101 : memref<!tpu.dma_semaphore, #tpu.memory_space<semaphore_mem>>)
      %dma_wait3A_106 = arith.constant 0 : i32
      %dma_wait3A_107 = tpu.memref_slice %arg18[%add3A_18, %dma_wait3A_106] : memref<10112x128xf32, #tpu.memory_space<vmem_shared>> -> memref<96x128xf32, #tpu.memory_space<vmem_shared>>
      %dma_wait3A_108 = arith.constant 0 : i32
      %dma_wait3A_109 = tpu.memref_slice %arg18[%add3A_18, %dma_wait3A_108] : memref<10112x128xf32, #tpu.memory_space<vmem_shared>> -> memref<96x128xf32, #tpu.memory_space<vmem_shared>>
      tpu.wait_dma2 semaphore(%run_scoped3A_101 : memref<!tpu.dma_semaphore, #tpu.memory_space<semaphore_mem>>) src(%arg10 : memref<96x128xf32, #tpu.memory_space<vmem>>) dst(%dma_wait3A_109 : memref<96x128xf32, #tpu.memory_space<vmem_shared>>)
      tpu.yield
    }) : () -> ()
    %mul3A_19 = arith.constant 632 : i32
    %mul3A_20 = arith.muli %arg1, %mul3A_19 : i32
    %add3A_21 = arith.constant 384 : i32
    %add3A_22 = arith.addi %mul3A_20, %add3A_21 : i32
    "tpu.region"() ({
      %run_scoped3A_101 = tpu.sem_alloc : memref<!tpu.dma_semaphore, #tpu.memory_space<semaphore_mem>>
      %dma_start3A_102 = arith.constant 0 : i32
      %dma_start3A_103 = tpu.memref_slice %arg18[%add3A_22, %dma_start3A_102] : memref<10112x128xf32, #tpu.memory_space<vmem_shared>> -> memref<96x128xf32, #tpu.memory_space<vmem_shared>>
      %dma_start3A_104 = arith.constant 0 : i32
      %dma_start3A_105 = tpu.memref_slice %arg18[%add3A_22, %dma_start3A_104] : memref<10112x128xf32, #tpu.memory_space<vmem_shared>> -> memref<96x128xf32, #tpu.memory_space<vmem_shared>>
      tpu.enqueue_dma source(%arg10 : memref<96x128xf32, #tpu.memory_space<vmem>>) target(%dma_start3A_105 : memref<96x128xf32, #tpu.memory_space<vmem_shared>>) target_semaphore(%run_scoped3A_101 : memref<!tpu.dma_semaphore, #tpu.memory_space<semaphore_mem>>)
      %dma_wait3A_106 = arith.constant 0 : i32
      %dma_wait3A_107 = tpu.memref_slice %arg18[%add3A_22, %dma_wait3A_106] : memref<10112x128xf32, #tpu.memory_space<vmem_shared>> -> memref<96x128xf32, #tpu.memory_space<vmem_shared>>
      %dma_wait3A_108 = arith.constant 0 : i32
      %dma_wait3A_109 = tpu.memref_slice %arg18[%add3A_22, %dma_wait3A_108] : memref<10112x128xf32, #tpu.memory_space<vmem_shared>> -> memref<96x128xf32, #tpu.memory_space<vmem_shared>>
      tpu.wait_dma2 semaphore(%run_scoped3A_101 : memref<!tpu.dma_semaphore, #tpu.memory_space<semaphore_mem>>) src(%arg10 : memref<96x128xf32, #tpu.memory_space<vmem>>) dst(%dma_wait3A_109 : memref<96x128xf32, #tpu.memory_space<vmem_shared>>)
      tpu.yield
    }) : () -> ()
    %mul3A_23 = arith.constant 632 : i32
    %mul3A_24 = arith.muli %arg1, %mul3A_23 : i32
    %add3A_25 = arith.constant 480 : i32
    %add3A_26 = arith.addi %mul3A_24, %add3A_25 : i32
    "tpu.region"() ({
      %run_scoped3A_101 = tpu.sem_alloc : memref<!tpu.dma_semaphore, #tpu.memory_space<semaphore_mem>>
      %dma_start3A_102 = arith.constant 0 : i32
      %dma_start3A_103 = tpu.memref_slice %arg18[%add3A_26, %dma_start3A_102] : memref<10112x128xf32, #tpu.memory_space<vmem_shared>> -> memref<96x128xf32, #tpu.memory_space<vmem_shared>>
      %dma_start3A_104 = arith.constant 0 : i32
      %dma_start3A_105 = tpu.memref_slice %arg18[%add3A_26, %dma_start3A_104] : memref<10112x128xf32, #tpu.memory_space<vmem_shared>> -> memref<96x128xf32, #tpu.memory_space<vmem_shared>>
      tpu.enqueue_dma source(%arg10 : memref<96x128xf32, #tpu.memory_space<vmem>>) target(%dma_start3A_105 : memref<96x128xf32, #tpu.memory_space<vmem_shared>>) target_semaphore(%run_scoped3A_101 : memref<!tpu.dma_semaphore, #tpu.memory_space<semaphore_mem>>)
      %dma_wait3A_106 = arith.constant 0 : i32
      %dma_wait3A_107 = tpu.memref_slice %arg18[%add3A_26, %dma_wait3A_106] : memref<10112x128xf32, #tpu.memory_space<vmem_shared>> -> memref<96x128xf32, #tpu.memory_space<vmem_shared>>
      %dma_wait3A_108 = arith.constant 0 : i32
      %dma_wait3A_109 = tpu.memref_slice %arg18[%add3A_26, %dma_wait3A_108] : memref<10112x128xf32, #tpu.memory_space<vmem_shared>> -> memref<96x128xf32, #tpu.memory_space<vmem_shared>>
      tpu.wait_dma2 semaphore(%run_scoped3A_101 : memref<!tpu.dma_semaphore, #tpu.memory_space<semaphore_mem>>) src(%arg10 : memref<96x128xf32, #tpu.memory_space<vmem>>) dst(%dma_wait3A_109 : memref<96x128xf32, #tpu.memory_space<vmem_shared>>)
      tpu.yield
    }) : () -> ()
    %mul3A_27 = arith.constant 632 : i32
    %mul3A_28 = arith.muli %arg1, %mul3A_27 : i32
    %add3A_29 = arith.constant 576 : i32
    %add3A_30 = arith.addi %mul3A_28, %add3A_29 : i32
    "tpu.region"() ({
      %run_scoped3A_101 = tpu.sem_alloc : memref<!tpu.dma_semaphore, #tpu.memory_space<semaphore_mem>>
      %dma_start3A_102 = arith.constant 0 : i32
      %dma_start3A_103 = arith.constant 0 : i32
      %dma_start3A_104 = tpu.memref_slice %arg10[%dma_start3A_102, %dma_start3A_103] : memref<96x128xf32, #tpu.memory_space<vmem>> -> memref<56x128xf32, #tpu.memory_space<vmem>>
      %dma_start3A_105 = arith.constant 0 : i32
      %dma_start3A_106 = tpu.memref_slice %arg18[%add3A_30, %dma_start3A_105] : memref<10112x128xf32, #tpu.memory_space<vmem_shared>> -> memref<56x128xf32, #tpu.memory_space<vmem_shared>>
      %dma_start3A_107 = arith.constant 0 : i32
      %dma_start3A_108 = tpu.memref_slice %arg18[%add3A_30, %dma_start3A_107] : memref<10112x128xf32, #tpu.memory_space<vmem_shared>> -> memref<56x128xf32, #tpu.memory_space<vmem_shared>>
      %dma_start3A_109 = arith.constant 0 : i32
      %dma_start3A_110 = arith.constant 0 : i32
      %dma_start3A_111 = tpu.memref_slice %arg10[%dma_start3A_109, %dma_start3A_110] : memref<96x128xf32, #tpu.memory_space<vmem>> -> memref<56x128xf32, #tpu.memory_space<vmem>>
      tpu.enqueue_dma source(%dma_start3A_111 : memref<56x128xf32, #tpu.memory_space<vmem>>) target(%dma_start3A_108 : memref<56x128xf32, #tpu.memory_space<vmem_shared>>) target_semaphore(%run_scoped3A_101 : memref<!tpu.dma_semaphore, #tpu.memory_space<semaphore_mem>>)
      %dma_wait3A_112 = arith.constant 0 : i32
      %dma_wait3A_113 = arith.constant 0 : i32
      %dma_wait3A_114 = tpu.memref_slice %arg10[%dma_wait3A_112, %dma_wait3A_113] : memref<96x128xf32, #tpu.memory_space<vmem>> -> memref<56x128xf32, #tpu.memory_space<vmem>>
      %dma_wait3A_115 = arith.constant 0 : i32
      %dma_wait3A_116 = tpu.memref_slice %arg18[%add3A_30, %dma_wait3A_115] : memref<10112x128xf32, #tpu.memory_space<vmem_shared>> -> memref<56x128xf32, #tpu.memory_space<vmem_shared>>
      %dma_wait3A_117 = arith.constant 0 : i32
      %dma_wait3A_118 = tpu.memref_slice %arg18[%add3A_30, %dma_wait3A_117] : memref<10112x128xf32, #tpu.memory_space<vmem_shared>> -> memref<56x128xf32, #tpu.memory_space<vmem_shared>>
      %dma_wait3A_119 = arith.constant 0 : i32
      %dma_wait3A_120 = arith.constant 0 : i32
      %dma_wait3A_121 = tpu.memref_slice %arg10[%dma_wait3A_119, %dma_wait3A_120] : memref<96x128xf32, #tpu.memory_space<vmem>> -> memref<56x128xf32, #tpu.memory_space<vmem>>
      tpu.wait_dma2 semaphore(%run_scoped3A_101 : memref<!tpu.dma_semaphore, #tpu.memory_space<semaphore_mem>>) src(%dma_wait3A_121 : memref<56x128xf32, #tpu.memory_space<vmem>>) dst(%dma_wait3A_118 : memref<56x128xf32, #tpu.memory_space<vmem_shared>>)
      tpu.yield
    }) : () -> ()
    %barrier3A = arith.constant 0 : index
    tpu.barrier barrier_id(%barrier3A)
    %add3A_31 = arith.constant 0 : i32
    %add3A_32 = arith.addi %mul3A_2, %add3A_31 : i32
    %dma_start3A = arith.constant 0 : i32
    %dma_start3A_33 = arith.constant 0 : i32
    %dma_start3A_34 = tpu.memref_slice %arg3[%add3A_32, %dma_start3A, %dma_start3A_33] : memref<3360x2x96xi32, #tpu.memory_space<hbm>> -> memref<1x2x96xi32, #tpu.memory_space<hbm>>
    %dma_start3A_35 = tpu.memref_squeeze %dma_start3A_34 : memref<1x2x96xi32, #tpu.memory_space<hbm>> -> memref<2x96xi32, #tpu.memory_space<hbm>>
    %dma_start3A_36 = arith.constant 0 : i32
    %dma_start3A_37 = arith.constant 0 : i32
    %dma_start3A_38 = tpu.memref_slice %arg3[%add3A_32, %dma_start3A_36, %dma_start3A_37] : memref<3360x2x96xi32, #tpu.memory_space<hbm>> -> memref<1x2x96xi32, #tpu.memory_space<hbm>>
    %dma_start3A_39 = tpu.memref_squeeze %dma_start3A_38 : memref<1x2x96xi32, #tpu.memory_space<hbm>> -> memref<2x96xi32, #tpu.memory_space<hbm>>
    tpu.enqueue_dma source(%dma_start3A_39 : memref<2x96xi32, #tpu.memory_space<hbm>>) target(%arg6 : memref<2x96xi32, #tpu.memory_space<vmem>>) target_semaphore(%arg12 : memref<!tpu.dma_semaphore, #tpu.memory_space<semaphore_mem>>)
    %add3A_40 = arith.constant 1 : i32
    %add3A_41 = arith.addi %mul3A_2, %add3A_40 : i32
    %dma_start3A_42 = arith.constant 0 : i32
    %dma_start3A_43 = arith.constant 0 : i32
    %dma_start3A_44 = tpu.memref_slice %arg3[%add3A_41, %dma_start3A_42, %dma_start3A_43] : memref<3360x2x96xi32, #tpu.memory_space<hbm>> -> memref<1x2x96xi32, #tpu.memory_space<hbm>>
    %dma_start3A_45 = tpu.memref_squeeze %dma_start3A_44 : memref<1x2x96xi32, #tpu.memory_space<hbm>> -> memref<2x96xi32, #tpu.memory_space<hbm>>
    %dma_start3A_46 = arith.constant 0 : i32
    %dma_start3A_47 = arith.constant 0 : i32
    %dma_start3A_48 = tpu.memref_slice %arg3[%add3A_41, %dma_start3A_46, %dma_start3A_47] : memref<3360x2x96xi32, #tpu.memory_space<hbm>> -> memref<1x2x96xi32, #tpu.memory_space<hbm>>
    %dma_start3A_49 = tpu.memref_squeeze %dma_start3A_48 : memref<1x2x96xi32, #tpu.memory_space<hbm>> -> memref<2x96xi32, #tpu.memory_space<hbm>>
    tpu.enqueue_dma source(%dma_start3A_49 : memref<2x96xi32, #tpu.memory_space<hbm>>) target(%arg7 : memref<2x96xi32, #tpu.memory_space<vmem>>) target_semaphore(%arg13 : memref<!tpu.dma_semaphore, #tpu.memory_space<semaphore_mem>>)
    %add3A_50 = arith.constant 2 : i32
    %add3A_51 = arith.addi %mul3A_2, %add3A_50 : i32
    %dma_start3A_52 = arith.constant 0 : i32
    %dma_start3A_53 = arith.constant 0 : i32
    %dma_start3A_54 = tpu.memref_slice %arg3[%add3A_51, %dma_start3A_52, %dma_start3A_53] : memref<3360x2x96xi32, #tpu.memory_space<hbm>> -> memref<1x2x96xi32, #tpu.memory_space<hbm>>
    %dma_start3A_55 = tpu.memref_squeeze %dma_start3A_54 : memref<1x2x96xi32, #tpu.memory_space<hbm>> -> memref<2x96xi32, #tpu.memory_space<hbm>>
    %dma_start3A_56 = arith.constant 0 : i32
    %dma_start3A_57 = arith.constant 0 : i32
    %dma_start3A_58 = tpu.memref_slice %arg3[%add3A_51, %dma_start3A_56, %dma_start3A_57] : memref<3360x2x96xi32, #tpu.memory_space<hbm>> -> memref<1x2x96xi32, #tpu.memory_space<hbm>>
    %dma_start3A_59 = tpu.memref_squeeze %dma_start3A_58 : memref<1x2x96xi32, #tpu.memory_space<hbm>> -> memref<2x96xi32, #tpu.memory_space<hbm>>
    tpu.enqueue_dma source(%dma_start3A_59 : memref<2x96xi32, #tpu.memory_space<hbm>>) target(%arg8 : memref<2x96xi32, #tpu.memory_space<vmem>>) target_semaphore(%arg14 : memref<!tpu.dma_semaphore, #tpu.memory_space<semaphore_mem>>)
    %add3A_60 = arith.constant 3 : i32
    %add3A_61 = arith.addi %mul3A_2, %add3A_60 : i32
    %dma_start3A_62 = arith.constant 0 : i32
    %dma_start3A_63 = arith.constant 0 : i32
    %dma_start3A_64 = tpu.memref_slice %arg3[%add3A_61, %dma_start3A_62, %dma_start3A_63] : memref<3360x2x96xi32, #tpu.memory_space<hbm>> -> memref<1x2x96xi32, #tpu.memory_space<hbm>>
    %dma_start3A_65 = tpu.memref_squeeze %dma_start3A_64 : memref<1x2x96xi32, #tpu.memory_space<hbm>> -> memref<2x96xi32, #tpu.memory_space<hbm>>
    %dma_start3A_66 = arith.constant 0 : i32
    %dma_start3A_67 = arith.constant 0 : i32
    %dma_start3A_68 = tpu.memref_slice %arg3[%add3A_61, %dma_start3A_66, %dma_start3A_67] : memref<3360x2x96xi32, #tpu.memory_space<hbm>> -> memref<1x2x96xi32, #tpu.memory_space<hbm>>
    %dma_start3A_69 = tpu.memref_squeeze %dma_start3A_68 : memref<1x2x96xi32, #tpu.memory_space<hbm>> -> memref<2x96xi32, #tpu.memory_space<hbm>>
    tpu.enqueue_dma source(%dma_start3A_69 : memref<2x96xi32, #tpu.memory_space<hbm>>) target(%arg9 : memref<2x96xi32, #tpu.memory_space<vmem>>) target_semaphore(%arg15 : memref<!tpu.dma_semaphore, #tpu.memory_space<semaphore_mem>>)
    %dma_wait3A = arith.constant 0 : i32
    %dma_wait3A_70 = arith.constant 0 : i32
    %dma_wait3A_71 = tpu.memref_slice %arg3[%mul3A_2, %dma_wait3A, %dma_wait3A_70] : memref<3360x2x96xi32, #tpu.memory_space<hbm>> -> memref<1x2x96xi32, #tpu.memory_space<hbm>>
    %dma_wait3A_72 = tpu.memref_squeeze %dma_wait3A_71 : memref<1x2x96xi32, #tpu.memory_space<hbm>> -> memref<2x96xi32, #tpu.memory_space<hbm>>
    %dma_wait3A_73 = arith.constant 0 : i32
    %dma_wait3A_74 = arith.constant 0 : i32
    %dma_wait3A_75 = tpu.memref_slice %arg3[%mul3A_2, %dma_wait3A_73, %dma_wait3A_74] : memref<3360x2x96xi32, #tpu.memory_space<hbm>> -> memref<1x2x96xi32, #tpu.memory_space<hbm>>
    %dma_wait3A_76 = tpu.memref_squeeze %dma_wait3A_75 : memref<1x2x96xi32, #tpu.memory_space<hbm>> -> memref<2x96xi32, #tpu.memory_space<hbm>>
    tpu.wait_dma2 semaphore(%arg12 : memref<!tpu.dma_semaphore, #tpu.memory_space<semaphore_mem>>) src(%dma_wait3A_76 : memref<2x96xi32, #tpu.memory_space<hbm>>) dst(%arg6 : memref<2x96xi32, #tpu.memory_space<vmem>>)
    %dma_start3A_77 = arith.constant 0 : i32
    %dma_start3A_78 = arith.constant 0 : i32
    %dma_start3A_79 = tpu.memref_slice %arg6[%dma_start3A_77, %dma_start3A_78] : memref<2x96xi32, #tpu.memory_space<vmem>> -> memref<1x96xi32, #tpu.memory_space<vmem>>
    %dma_start3A_80 = tpu.memref_squeeze %dma_start3A_79 : memref<1x96xi32, #tpu.memory_space<vmem>> -> memref<96xi32, #tpu.memory_space<vmem>>
    %dma_start3A_81 = arith.constant 0 : i32
    %dma_start3A_82 = arith.constant 0 : i32
    %dma_start3A_83 = tpu.memref_slice %arg2[%dma_start3A_81, %dma_start3A_82] : memref<10000x128xf32, #tpu.memory_space<hbm>> -> memref<10000x128xf32, #tpu.memory_space<hbm>>
    tpu.enqueue_indirect_dma source(%dma_start3A_83 : memref<10000x128xf32, #tpu.memory_space<hbm>>) target(%arg10 : memref<96x128xf32, #tpu.memory_space<vmem>>) offsets(%dma_start3A_80 : memref<96xi32, #tpu.memory_space<vmem>>) semaphore(%arg16 : memref<!tpu.dma_semaphore, #tpu.memory_space<semaphore_mem>>)
    %scan3A = arith.constant 0 : i32
    %scan3A_84 = arith.constant 0 : i32
    %scan3A_85 = arith.constant 26 : i32
    %scan3A_86 = arith.addi %scan3A_84, %scan3A_85 : i32
    %scan3A_87 = arith.constant 1 : i32
    scf.for %scan3A_101 = %scan3A_84 to %scan3A_86 step %scan3A_87  : i32 {
      %mul3A_102 = arith.constant 4 : i32
      %mul3A_103 = arith.muli %mul3A_102, %scan3A_101 : i32
      %dma_wait3A_104 = arith.constant 0 : i32
      %dma_wait3A_105 = arith.constant 0 : i32
      %dma_wait3A_106 = tpu.memref_slice %arg3[%mul3A_2, %dma_wait3A_104, %dma_wait3A_105] : memref<3360x2x96xi32, #tpu.memory_space<hbm>> -> memref<1x2x96xi32, #tpu.memory_space<hbm>>
      %dma_wait3A_107 = tpu.memref_squeeze %dma_wait3A_106 : memref<1x2x96xi32, #tpu.memory_space<hbm>> -> memref<2x96xi32, #tpu.memory_space<hbm>>
      %dma_wait3A_108 = arith.constant 0 : i32
      %dma_wait3A_109 = arith.constant 0 : i32
      %dma_wait3A_110 = tpu.memref_slice %arg3[%mul3A_2, %dma_wait3A_108, %dma_wait3A_109] : memref<3360x2x96xi32, #tpu.memory_space<hbm>> -> memref<1x2x96xi32, #tpu.memory_space<hbm>>
      %dma_wait3A_111 = tpu.memref_squeeze %dma_wait3A_110 : memref<1x2x96xi32, #tpu.memory_space<hbm>> -> memref<2x96xi32, #tpu.memory_space<hbm>>
      tpu.wait_dma2 semaphore(%arg13 : memref<!tpu.dma_semaphore, #tpu.memory_space<semaphore_mem>>) src(%dma_wait3A_111 : memref<2x96xi32, #tpu.memory_space<hbm>>) dst(%arg7 : memref<2x96xi32, #tpu.memory_space<vmem>>)
      %dma_start3A_112 = arith.constant 0 : i32
      %dma_start3A_113 = arith.constant 0 : i32
      %dma_start3A_114 = tpu.memref_slice %arg7[%dma_start3A_112, %dma_start3A_113] : memref<2x96xi32, #tpu.memory_space<vmem>> -> memref<1x96xi32, #tpu.memory_space<vmem>>
      %dma_start3A_115 = tpu.memref_squeeze %dma_start3A_114 : memref<1x96xi32, #tpu.memory_space<vmem>> -> memref<96xi32, #tpu.memory_space<vmem>>
      %dma_start3A_116 = arith.constant 0 : i32
      %dma_start3A_117 = arith.constant 0 : i32
      %dma_start3A_118 = tpu.memref_slice %arg2[%dma_start3A_116, %dma_start3A_117] : memref<10000x128xf32, #tpu.memory_space<hbm>> -> memref<10000x128xf32, #tpu.memory_space<hbm>>
      tpu.enqueue_indirect_dma source(%dma_start3A_118 : memref<10000x128xf32, #tpu.memory_space<hbm>>) target(%arg11 : memref<96x128xf32, #tpu.memory_space<vmem>>) offsets(%dma_start3A_115 : memref<96xi32, #tpu.memory_space<vmem>>) semaphore(%arg17 : memref<!tpu.dma_semaphore, #tpu.memory_space<semaphore_mem>>)
      %dma_wait3A_119 = arith.constant 0 : i32
      %dma_wait3A_120 = arith.constant 0 : i32
      %dma_wait3A_121 = tpu.memref_slice %arg6[%dma_wait3A_119, %dma_wait3A_120] : memref<2x96xi32, #tpu.memory_space<vmem>> -> memref<1x96xi32, #tpu.memory_space<vmem>>
      %dma_wait3A_122 = tpu.memref_squeeze %dma_wait3A_121 : memref<1x96xi32, #tpu.memory_space<vmem>> -> memref<96xi32, #tpu.memory_space<vmem>>
      %dma_wait3A_123 = arith.constant 0 : i32
      %dma_wait3A_124 = arith.constant 0 : i32
      %dma_wait3A_125 = tpu.memref_slice %arg2[%dma_wait3A_123, %dma_wait3A_124] : memref<10000x128xf32, #tpu.memory_space<hbm>> -> memref<10000x128xf32, #tpu.memory_space<hbm>>
      tpu.wait_indirect_dma semaphore(%arg16 : memref<!tpu.dma_semaphore, #tpu.memory_space<semaphore_mem>>) src(%dma_wait3A_125 : memref<10000x128xf32, #tpu.memory_space<hbm>>) dst(%arg10 : memref<96x128xf32, #tpu.memory_space<vmem>>)
      %run_scoped3A_126 = arith.constant 1 : i32
      "tpu.region"() ({
        %run_scoped3A_221 = tpu.sem_alloc : memref<!tpu.dma_semaphore, #tpu.memory_space<semaphore_mem>>
        %dma_start3A_222 = arith.constant 0 : i32
        %dma_start3A_223 = tpu.memref_slice %arg6[%run_scoped3A_126, %dma_start3A_222] : memref<2x96xi32, #tpu.memory_space<vmem>> -> memref<1x96xi32, #tpu.memory_space<vmem>>
        %dma_start3A_224 = tpu.memref_squeeze %dma_start3A_223 : memref<1x96xi32, #tpu.memory_space<vmem>> -> memref<96xi32, #tpu.memory_space<vmem>>
        %dma_start3A_225 = arith.constant 0 : i32
        %dma_start3A_226 = arith.constant 0 : i32
        %dma_start3A_227 = tpu.memref_slice %arg18[%dma_start3A_225, %dma_start3A_226] : memref<10112x128xf32, #tpu.memory_space<vmem_shared>> -> memref<10112x128xf32, #tpu.memory_space<vmem_shared>>
        tpu.enqueue_indirect_dma source(%arg10 : memref<96x128xf32, #tpu.memory_space<vmem>>) target(%dma_start3A_227 : memref<10112x128xf32, #tpu.memory_space<vmem_shared>>) offsets(%dma_start3A_224 : memref<96xi32, #tpu.memory_space<vmem>>) semaphore(%run_scoped3A_221 : memref<!tpu.dma_semaphore, #tpu.memory_space<semaphore_mem>>) {add = true}
        %dma_wait3A_228 = arith.constant 0 : i32
        %dma_wait3A_229 = tpu.memref_slice %arg6[%run_scoped3A_126, %dma_wait3A_228] : memref<2x96xi32, #tpu.memory_space<vmem>> -> memref<1x96xi32, #tpu.memory_space<vmem>>
        %dma_wait3A_230 = tpu.memref_squeeze %dma_wait3A_229 : memref<1x96xi32, #tpu.memory_space<vmem>> -> memref<96xi32, #tpu.memory_space<vmem>>
        %dma_wait3A_231 = arith.constant 0 : i32
        %dma_wait3A_232 = arith.constant 0 : i32
        %dma_wait3A_233 = tpu.memref_slice %arg18[%dma_wait3A_231, %dma_wait3A_232] : memref<10112x128xf32, #tpu.memory_space<vmem_shared>> -> memref<10112x128xf32, #tpu.memory_space<vmem_shared>>
        tpu.wait_indirect_dma semaphore(%run_scoped3A_221 : memref<!tpu.dma_semaphore, #tpu.memory_space<semaphore_mem>>) src(%arg10 : memref<96x128xf32, #tpu.memory_space<vmem>>) dst(%dma_wait3A_233 : memref<10112x128xf32, #tpu.memory_space<vmem_shared>>)
        tpu.yield
      }) : () -> ()
      %add3A_127 = arith.constant 4 : i32
      %add3A_128 = arith.addi %mul3A_103, %add3A_127 : i32
      %lt3A = arith.constant 105 : i32
      %lt3A_129 = arith.cmpi slt, %add3A_128, %lt3A : i32
      %convert_element_type3A = arith.extui %lt3A_129 : i1 to i32
      %cond3A = arith.constant 0 : i32
      %cond3A_130 = arith.cmpi ne, %convert_element_type3A, %cond3A : i32
      scf.if %cond3A_130 {
        %add3A_221 = arith.addi %mul3A_2, %add3A_128 : i32
        %dma_start3A_222 = arith.constant 0 : i32
        %dma_start3A_223 = arith.constant 0 : i32
        %dma_start3A_224 = tpu.memref_slice %arg3[%add3A_221, %dma_start3A_222, %dma_start3A_223] : memref<3360x2x96xi32, #tpu.memory_space<hbm>> -> memref<1x2x96xi32, #tpu.memory_space<hbm>>
        %dma_start3A_225 = tpu.memref_squeeze %dma_start3A_224 : memref<1x2x96xi32, #tpu.memory_space<hbm>> -> memref<2x96xi32, #tpu.memory_space<hbm>>
        %dma_start3A_226 = arith.constant 0 : i32
        %dma_start3A_227 = arith.constant 0 : i32
        %dma_start3A_228 = tpu.memref_slice %arg3[%add3A_221, %dma_start3A_226, %dma_start3A_227] : memref<3360x2x96xi32, #tpu.memory_space<hbm>> -> memref<1x2x96xi32, #tpu.memory_space<hbm>>
        %dma_start3A_229 = tpu.memref_squeeze %dma_start3A_228 : memref<1x2x96xi32, #tpu.memory_space<hbm>> -> memref<2x96xi32, #tpu.memory_space<hbm>>
        tpu.enqueue_dma source(%dma_start3A_229 : memref<2x96xi32, #tpu.memory_space<hbm>>) target(%arg6 : memref<2x96xi32, #tpu.memory_space<vmem>>) target_semaphore(%arg12 : memref<!tpu.dma_semaphore, #tpu.memory_space<semaphore_mem>>)
      } else {
      }
      %dma_wait3A_131 = arith.constant 0 : i32
      %dma_wait3A_132 = arith.constant 0 : i32
      %dma_wait3A_133 = tpu.memref_slice %arg3[%mul3A_2, %dma_wait3A_131, %dma_wait3A_132] : memref<3360x2x96xi32, #tpu.memory_space<hbm>> -> memref<1x2x96xi32, #tpu.memory_space<hbm>>
      %dma_wait3A_134 = tpu.memref_squeeze %dma_wait3A_133 : memref<1x2x96xi32, #tpu.memory_space<hbm>> -> memref<2x96xi32, #tpu.memory_space<hbm>>
      %dma_wait3A_135 = arith.constant 0 : i32
      %dma_wait3A_136 = arith.constant 0 : i32
      %dma_wait3A_137 = tpu.memref_slice %arg3[%mul3A_2, %dma_wait3A_135, %dma_wait3A_136] : memref<3360x2x96xi32, #tpu.memory_space<hbm>> -> memref<1x2x96xi32, #tpu.memory_space<hbm>>
      %dma_wait3A_138 = tpu.memref_squeeze %dma_wait3A_137 : memref<1x2x96xi32, #tpu.memory_space<hbm>> -> memref<2x96xi32, #tpu.memory_space<hbm>>
      tpu.wait_dma2 semaphore(%arg14 : memref<!tpu.dma_semaphore, #tpu.memory_space<semaphore_mem>>) src(%dma_wait3A_138 : memref<2x96xi32, #tpu.memory_space<hbm>>) dst(%arg8 : memref<2x96xi32, #tpu.memory_space<vmem>>)
      %dma_start3A_139 = arith.constant 0 : i32
      %dma_start3A_140 = arith.constant 0 : i32
      %dma_start3A_141 = tpu.memref_slice %arg8[%dma_start3A_139, %dma_start3A_140] : memref<2x96xi32, #tpu.memory_space<vmem>> -> memref<1x96xi32, #tpu.memory_space<vmem>>
      %dma_start3A_142 = tpu.memref_squeeze %dma_start3A_141 : memref<1x96xi32, #tpu.memory_space<vmem>> -> memref<96xi32, #tpu.memory_space<vmem>>
      %dma_start3A_143 = arith.constant 0 : i32
      %dma_start3A_144 = arith.constant 0 : i32
      %dma_start3A_145 = tpu.memref_slice %arg2[%dma_start3A_143, %dma_start3A_144] : memref<10000x128xf32, #tpu.memory_space<hbm>> -> memref<10000x128xf32, #tpu.memory_space<hbm>>
      tpu.enqueue_indirect_dma source(%dma_start3A_145 : memref<10000x128xf32, #tpu.memory_space<hbm>>) target(%arg10 : memref<96x128xf32, #tpu.memory_space<vmem>>) offsets(%dma_start3A_142 : memref<96xi32, #tpu.memory_space<vmem>>) semaphore(%arg16 : memref<!tpu.dma_semaphore, #tpu.memory_space<semaphore_mem>>)
      %dma_wait3A_146 = arith.constant 0 : i32
      %dma_wait3A_147 = arith.constant 0 : i32
      %dma_wait3A_148 = tpu.memref_slice %arg6[%dma_wait3A_146, %dma_wait3A_147] : memref<2x96xi32, #tpu.memory_space<vmem>> -> memref<1x96xi32, #tpu.memory_space<vmem>>
      %dma_wait3A_149 = tpu.memref_squeeze %dma_wait3A_148 : memref<1x96xi32, #tpu.memory_space<vmem>> -> memref<96xi32, #tpu.memory_space<vmem>>
      %dma_wait3A_150 = arith.constant 0 : i32
      %dma_wait3A_151 = arith.constant 0 : i32
      %dma_wait3A_152 = tpu.memref_slice %arg2[%dma_wait3A_150, %dma_wait3A_151] : memref<10000x128xf32, #tpu.memory_space<hbm>> -> memref<10000x128xf32, #tpu.memory_space<hbm>>
      tpu.wait_indirect_dma semaphore(%arg17 : memref<!tpu.dma_semaphore, #tpu.memory_space<semaphore_mem>>) src(%dma_wait3A_152 : memref<10000x128xf32, #tpu.memory_space<hbm>>) dst(%arg11 : memref<96x128xf32, #tpu.memory_space<vmem>>)
      %run_scoped3A_153 = arith.constant 1 : i32
      "tpu.region"() ({
        %run_scoped3A_221 = tpu.sem_alloc : memref<!tpu.dma_semaphore, #tpu.memory_space<semaphore_mem>>
        %dma_start3A_222 = arith.constant 0 : i32
        %dma_start3A_223 = tpu.memref_slice %arg7[%run_scoped3A_153, %dma_start3A_222] : memref<2x96xi32, #tpu.memory_space<vmem>> -> memref<1x96xi32, #tpu.memory_space<vmem>>
        %dma_start3A_224 = tpu.memref_squeeze %dma_start3A_223 : memref<1x96xi32, #tpu.memory_space<vmem>> -> memref<96xi32, #tpu.memory_space<vmem>>
        %dma_start3A_225 = arith.constant 0 : i32
        %dma_start3A_226 = arith.constant 0 : i32
        %dma_start3A_227 = tpu.memref_slice %arg18[%dma_start3A_225, %dma_start3A_226] : memref<10112x128xf32, #tpu.memory_space<vmem_shared>> -> memref<10112x128xf32, #tpu.memory_space<vmem_shared>>
        tpu.enqueue_indirect_dma source(%arg11 : memref<96x128xf32, #tpu.memory_space<vmem>>) target(%dma_start3A_227 : memref<10112x128xf32, #tpu.memory_space<vmem_shared>>) offsets(%dma_start3A_224 : memref<96xi32, #tpu.memory_space<vmem>>) semaphore(%run_scoped3A_221 : memref<!tpu.dma_semaphore, #tpu.memory_space<semaphore_mem>>) {add = true}
        %dma_wait3A_228 = arith.constant 0 : i32
        %dma_wait3A_229 = tpu.memref_slice %arg7[%run_scoped3A_153, %dma_wait3A_228] : memref<2x96xi32, #tpu.memory_space<vmem>> -> memref<1x96xi32, #tpu.memory_space<vmem>>
        %dma_wait3A_230 = tpu.memref_squeeze %dma_wait3A_229 : memref<1x96xi32, #tpu.memory_space<vmem>> -> memref<96xi32, #tpu.memory_space<vmem>>
        %dma_wait3A_231 = arith.constant 0 : i32
        %dma_wait3A_232 = arith.constant 0 : i32
        %dma_wait3A_233 = tpu.memref_slice %arg18[%dma_wait3A_231, %dma_wait3A_232] : memref<10112x128xf32, #tpu.memory_space<vmem_shared>> -> memref<10112x128xf32, #tpu.memory_space<vmem_shared>>
        tpu.wait_indirect_dma semaphore(%run_scoped3A_221 : memref<!tpu.dma_semaphore, #tpu.memory_space<semaphore_mem>>) src(%arg11 : memref<96x128xf32, #tpu.memory_space<vmem>>) dst(%dma_wait3A_233 : memref<10112x128xf32, #tpu.memory_space<vmem_shared>>)
        tpu.yield
      }) : () -> ()
      %add3A_154 = arith.constant 5 : i32
      %add3A_155 = arith.addi %mul3A_103, %add3A_154 : i32
      %lt3A_156 = arith.constant 105 : i32
      %lt3A_157 = arith.cmpi slt, %add3A_155, %lt3A_156 : i32
      %convert_element_type3A_158 = arith.extui %lt3A_157 : i1 to i32
      %cond3A_159 = arith.constant 0 : i32
      %cond3A_160 = arith.cmpi ne, %convert_element_type3A_158, %cond3A_159 : i32
      scf.if %cond3A_160 {
        %add3A_221 = arith.addi %mul3A_2, %add3A_155 : i32
        %dma_start3A_222 = arith.constant 0 : i32
        %dma_start3A_223 = arith.constant 0 : i32
        %dma_start3A_224 = tpu.memref_slice %arg3[%add3A_221, %dma_start3A_222, %dma_start3A_223] : memref<3360x2x96xi32, #tpu.memory_space<hbm>> -> memref<1x2x96xi32, #tpu.memory_space<hbm>>
        %dma_start3A_225 = tpu.memref_squeeze %dma_start3A_224 : memref<1x2x96xi32, #tpu.memory_space<hbm>> -> memref<2x96xi32, #tpu.memory_space<hbm>>
        %dma_start3A_226 = arith.constant 0 : i32
        %dma_start3A_227 = arith.constant 0 : i32
        %dma_start3A_228 = tpu.memref_slice %arg3[%add3A_221, %dma_start3A_226, %dma_start3A_227] : memref<3360x2x96xi32, #tpu.memory_space<hbm>> -> memref<1x2x96xi32, #tpu.memory_space<hbm>>
        %dma_start3A_229 = tpu.memref_squeeze %dma_start3A_228 : memref<1x2x96xi32, #tpu.memory_space<hbm>> -> memref<2x96xi32, #tpu.memory_space<hbm>>
        tpu.enqueue_dma source(%dma_start3A_229 : memref<2x96xi32, #tpu.memory_space<hbm>>) target(%arg7 : memref<2x96xi32, #tpu.memory_space<vmem>>) target_semaphore(%arg13 : memref<!tpu.dma_semaphore, #tpu.memory_space<semaphore_mem>>)
      } else {
      }
      %dma_wait3A_161 = arith.constant 0 : i32
      %dma_wait3A_162 = arith.constant 0 : i32
      %dma_wait3A_163 = tpu.memref_slice %arg3[%mul3A_2, %dma_wait3A_161, %dma_wait3A_162] : memref<3360x2x96xi32, #tpu.memory_space<hbm>> -> memref<1x2x96xi32, #tpu.memory_space<hbm>>
      %dma_wait3A_164 = tpu.memref_squeeze %dma_wait3A_163 : memref<1x2x96xi32, #tpu.memory_space<hbm>> -> memref<2x96xi32, #tpu.memory_space<hbm>>
      %dma_wait3A_165 = arith.constant 0 : i32
      %dma_wait3A_166 = arith.constant 0 : i32
      %dma_wait3A_167 = tpu.memref_slice %arg3[%mul3A_2, %dma_wait3A_165, %dma_wait3A_166] : memref<3360x2x96xi32, #tpu.memory_space<hbm>> -> memref<1x2x96xi32, #tpu.memory_space<hbm>>
      %dma_wait3A_168 = tpu.memref_squeeze %dma_wait3A_167 : memref<1x2x96xi32, #tpu.memory_space<hbm>> -> memref<2x96xi32, #tpu.memory_space<hbm>>
      tpu.wait_dma2 semaphore(%arg15 : memref<!tpu.dma_semaphore, #tpu.memory_space<semaphore_mem>>) src(%dma_wait3A_168 : memref<2x96xi32, #tpu.memory_space<hbm>>) dst(%arg9 : memref<2x96xi32, #tpu.memory_space<vmem>>)
      %dma_start3A_169 = arith.constant 0 : i32
      %dma_start3A_170 = arith.constant 0 : i32
      %dma_start3A_171 = tpu.memref_slice %arg9[%dma_start3A_169, %dma_start3A_170] : memref<2x96xi32, #tpu.memory_space<vmem>> -> memref<1x96xi32, #tpu.memory_space<vmem>>
      %dma_start3A_172 = tpu.memref_squeeze %dma_start3A_171 : memref<1x96xi32, #tpu.memory_space<vmem>> -> memref<96xi32, #tpu.memory_space<vmem>>
      %dma_start3A_173 = arith.constant 0 : i32
      %dma_start3A_174 = arith.constant 0 : i32
      %dma_start3A_175 = tpu.memref_slice %arg2[%dma_start3A_173, %dma_start3A_174] : memref<10000x128xf32, #tpu.memory_space<hbm>> -> memref<10000x128xf32, #tpu.memory_space<hbm>>
      tpu.enqueue_indirect_dma source(%dma_start3A_175 : memref<10000x128xf32, #tpu.memory_space<hbm>>) target(%arg11 : memref<96x128xf32, #tpu.memory_space<vmem>>) offsets(%dma_start3A_172 : memref<96xi32, #tpu.memory_space<vmem>>) semaphore(%arg17 : memref<!tpu.dma_semaphore, #tpu.memory_space<semaphore_mem>>)
      %dma_wait3A_176 = arith.constant 0 : i32
      %dma_wait3A_177 = arith.constant 0 : i32
      %dma_wait3A_178 = tpu.memref_slice %arg6[%dma_wait3A_176, %dma_wait3A_177] : memref<2x96xi32, #tpu.memory_space<vmem>> -> memref<1x96xi32, #tpu.memory_space<vmem>>
      %dma_wait3A_179 = tpu.memref_squeeze %dma_wait3A_178 : memref<1x96xi32, #tpu.memory_space<vmem>> -> memref<96xi32, #tpu.memory_space<vmem>>
      %dma_wait3A_180 = arith.constant 0 : i32
      %dma_wait3A_181 = arith.constant 0 : i32
      %dma_wait3A_182 = tpu.memref_slice %arg2[%dma_wait3A_180, %dma_wait3A_181] : memref<10000x128xf32, #tpu.memory_space<hbm>> -> memref<10000x128xf32, #tpu.memory_space<hbm>>
      tpu.wait_indirect_dma semaphore(%arg16 : memref<!tpu.dma_semaphore, #tpu.memory_space<semaphore_mem>>) src(%dma_wait3A_182 : memref<10000x128xf32, #tpu.memory_space<hbm>>) dst(%arg10 : memref<96x128xf32, #tpu.memory_space<vmem>>)
      %run_scoped3A_183 = arith.constant 1 : i32
      "tpu.region"() ({
        %run_scoped3A_221 = tpu.sem_alloc : memref<!tpu.dma_semaphore, #tpu.memory_space<semaphore_mem>>
        %dma_start3A_222 = arith.constant 0 : i32
        %dma_start3A_223 = tpu.memref_slice %arg8[%run_scoped3A_183, %dma_start3A_222] : memref<2x96xi32, #tpu.memory_space<vmem>> -> memref<1x96xi32, #tpu.memory_space<vmem>>
        %dma_start3A_224 = tpu.memref_squeeze %dma_start3A_223 : memref<1x96xi32, #tpu.memory_space<vmem>> -> memref<96xi32, #tpu.memory_space<vmem>>
        %dma_start3A_225 = arith.constant 0 : i32
        %dma_start3A_226 = arith.constant 0 : i32
        %dma_start3A_227 = tpu.memref_slice %arg18[%dma_start3A_225, %dma_start3A_226] : memref<10112x128xf32, #tpu.memory_space<vmem_shared>> -> memref<10112x128xf32, #tpu.memory_space<vmem_shared>>
        tpu.enqueue_indirect_dma source(%arg10 : memref<96x128xf32, #tpu.memory_space<vmem>>) target(%dma_start3A_227 : memref<10112x128xf32, #tpu.memory_space<vmem_shared>>) offsets(%dma_start3A_224 : memref<96xi32, #tpu.memory_space<vmem>>) semaphore(%run_scoped3A_221 : memref<!tpu.dma_semaphore, #tpu.memory_space<semaphore_mem>>) {add = true}
        %dma_wait3A_228 = arith.constant 0 : i32
        %dma_wait3A_229 = tpu.memref_slice %arg8[%run_scoped3A_183, %dma_wait3A_228] : memref<2x96xi32, #tpu.memory_space<vmem>> -> memref<1x96xi32, #tpu.memory_space<vmem>>
        %dma_wait3A_230 = tpu.memref_squeeze %dma_wait3A_229 : memref<1x96xi32, #tpu.memory_space<vmem>> -> memref<96xi32, #tpu.memory_space<vmem>>
        %dma_wait3A_231 = arith.constant 0 : i32
        %dma_wait3A_232 = arith.constant 0 : i32
        %dma_wait3A_233 = tpu.memref_slice %arg18[%dma_wait3A_231, %dma_wait3A_232] : memref<10112x128xf32, #tpu.memory_space<vmem_shared>> -> memref<10112x128xf32, #tpu.memory_space<vmem_shared>>
        tpu.wait_indirect_dma semaphore(%run_scoped3A_221 : memref<!tpu.dma_semaphore, #tpu.memory_space<semaphore_mem>>) src(%arg10 : memref<96x128xf32, #tpu.memory_space<vmem>>) dst(%dma_wait3A_233 : memref<10112x128xf32, #tpu.memory_space<vmem_shared>>)
        tpu.yield
      }) : () -> ()
      %add3A_184 = arith.constant 6 : i32
      %add3A_185 = arith.addi %mul3A_103, %add3A_184 : i32
      %lt3A_186 = arith.constant 105 : i32
      %lt3A_187 = arith.cmpi slt, %add3A_185, %lt3A_186 : i32
      %convert_element_type3A_188 = arith.extui %lt3A_187 : i1 to i32
      %cond3A_189 = arith.constant 0 : i32
      %cond3A_190 = arith.cmpi ne, %convert_element_type3A_188, %cond3A_189 : i32
      scf.if %cond3A_190 {
        %add3A_221 = arith.addi %mul3A_2, %add3A_185 : i32
        %dma_start3A_222 = arith.constant 0 : i32
        %dma_start3A_223 = arith.constant 0 : i32
        %dma_start3A_224 = tpu.memref_slice %arg3[%add3A_221, %dma_start3A_222, %dma_start3A_223] : memref<3360x2x96xi32, #tpu.memory_space<hbm>> -> memref<1x2x96xi32, #tpu.memory_space<hbm>>
        %dma_start3A_225 = tpu.memref_squeeze %dma_start3A_224 : memref<1x2x96xi32, #tpu.memory_space<hbm>> -> memref<2x96xi32, #tpu.memory_space<hbm>>
        %dma_start3A_226 = arith.constant 0 : i32
        %dma_start3A_227 = arith.constant 0 : i32
        %dma_start3A_228 = tpu.memref_slice %arg3[%add3A_221, %dma_start3A_226, %dma_start3A_227] : memref<3360x2x96xi32, #tpu.memory_space<hbm>> -> memref<1x2x96xi32, #tpu.memory_space<hbm>>
        %dma_start3A_229 = tpu.memref_squeeze %dma_start3A_228 : memref<1x2x96xi32, #tpu.memory_space<hbm>> -> memref<2x96xi32, #tpu.memory_space<hbm>>
        tpu.enqueue_dma source(%dma_start3A_229 : memref<2x96xi32, #tpu.memory_space<hbm>>) target(%arg8 : memref<2x96xi32, #tpu.memory_space<vmem>>) target_semaphore(%arg14 : memref<!tpu.dma_semaphore, #tpu.memory_space<semaphore_mem>>)
      } else {
      }
      %dma_wait3A_191 = arith.constant 0 : i32
      %dma_wait3A_192 = arith.constant 0 : i32
      %dma_wait3A_193 = tpu.memref_slice %arg3[%mul3A_2, %dma_wait3A_191, %dma_wait3A_192] : memref<3360x2x96xi32, #tpu.memory_space<hbm>> -> memref<1x2x96xi32, #tpu.memory_space<hbm>>
      %dma_wait3A_194 = tpu.memref_squeeze %dma_wait3A_193 : memref<1x2x96xi32, #tpu.memory_space<hbm>> -> memref<2x96xi32, #tpu.memory_space<hbm>>
      %dma_wait3A_195 = arith.constant 0 : i32
      %dma_wait3A_196 = arith.constant 0 : i32
      %dma_wait3A_197 = tpu.memref_slice %arg3[%mul3A_2, %dma_wait3A_195, %dma_wait3A_196] : memref<3360x2x96xi32, #tpu.memory_space<hbm>> -> memref<1x2x96xi32, #tpu.memory_space<hbm>>
      %dma_wait3A_198 = tpu.memref_squeeze %dma_wait3A_197 : memref<1x2x96xi32, #tpu.memory_space<hbm>> -> memref<2x96xi32, #tpu.memory_space<hbm>>
      tpu.wait_dma2 semaphore(%arg12 : memref<!tpu.dma_semaphore, #tpu.memory_space<semaphore_mem>>) src(%dma_wait3A_198 : memref<2x96xi32, #tpu.memory_space<hbm>>) dst(%arg6 : memref<2x96xi32, #tpu.memory_space<vmem>>)
      %dma_start3A_199 = arith.constant 0 : i32
      %dma_start3A_200 = arith.constant 0 : i32
      %dma_start3A_201 = tpu.memref_slice %arg6[%dma_start3A_199, %dma_start3A_200] : memref<2x96xi32, #tpu.memory_space<vmem>> -> memref<1x96xi32, #tpu.memory_space<vmem>>
      %dma_start3A_202 = tpu.memref_squeeze %dma_start3A_201 : memref<1x96xi32, #tpu.memory_space<vmem>> -> memref<96xi32, #tpu.memory_space<vmem>>
      %dma_start3A_203 = arith.constant 0 : i32
      %dma_start3A_204 = arith.constant 0 : i32
      %dma_start3A_205 = tpu.memref_slice %arg2[%dma_start3A_203, %dma_start3A_204] : memref<10000x128xf32, #tpu.memory_space<hbm>> -> memref<10000x128xf32, #tpu.memory_space<hbm>>
      tpu.enqueue_indirect_dma source(%dma_start3A_205 : memref<10000x128xf32, #tpu.memory_space<hbm>>) target(%arg10 : memref<96x128xf32, #tpu.memory_space<vmem>>) offsets(%dma_start3A_202 : memref<96xi32, #tpu.memory_space<vmem>>) semaphore(%arg16 : memref<!tpu.dma_semaphore, #tpu.memory_space<semaphore_mem>>)
      %dma_wait3A_206 = arith.constant 0 : i32
      %dma_wait3A_207 = arith.constant 0 : i32
      %dma_wait3A_208 = tpu.memref_slice %arg6[%dma_wait3A_206, %dma_wait3A_207] : memref<2x96xi32, #tpu.memory_space<vmem>> -> memref<1x96xi32, #tpu.memory_space<vmem>>
      %dma_wait3A_209 = tpu.memref_squeeze %dma_wait3A_208 : memref<1x96xi32, #tpu.memory_space<vmem>> -> memref<96xi32, #tpu.memory_space<vmem>>
      %dma_wait3A_210 = arith.constant 0 : i32
      %dma_wait3A_211 = arith.constant 0 : i32
      %dma_wait3A_212 = tpu.memref_slice %arg2[%dma_wait3A_210, %dma_wait3A_211] : memref<10000x128xf32, #tpu.memory_space<hbm>> -> memref<10000x128xf32, #tpu.memory_space<hbm>>
      tpu.wait_indirect_dma semaphore(%arg17 : memref<!tpu.dma_semaphore, #tpu.memory_space<semaphore_mem>>) src(%dma_wait3A_212 : memref<10000x128xf32, #tpu.memory_space<hbm>>) dst(%arg11 : memref<96x128xf32, #tpu.memory_space<vmem>>)
      %run_scoped3A_213 = arith.constant 1 : i32
      "tpu.region"() ({
        %run_scoped3A_221 = tpu.sem_alloc : memref<!tpu.dma_semaphore, #tpu.memory_space<semaphore_mem>>
        %dma_start3A_222 = arith.constant 0 : i32
        %dma_start3A_223 = tpu.memref_slice %arg9[%run_scoped3A_213, %dma_start3A_222] : memref<2x96xi32, #tpu.memory_space<vmem>> -> memref<1x96xi32, #tpu.memory_space<vmem>>
        %dma_start3A_224 = tpu.memref_squeeze %dma_start3A_223 : memref<1x96xi32, #tpu.memory_space<vmem>> -> memref<96xi32, #tpu.memory_space<vmem>>
        %dma_start3A_225 = arith.constant 0 : i32
        %dma_start3A_226 = arith.constant 0 : i32
        %dma_start3A_227 = tpu.memref_slice %arg18[%dma_start3A_225, %dma_start3A_226] : memref<10112x128xf32, #tpu.memory_space<vmem_shared>> -> memref<10112x128xf32, #tpu.memory_space<vmem_shared>>
        tpu.enqueue_indirect_dma source(%arg11 : memref<96x128xf32, #tpu.memory_space<vmem>>) target(%dma_start3A_227 : memref<10112x128xf32, #tpu.memory_space<vmem_shared>>) offsets(%dma_start3A_224 : memref<96xi32, #tpu.memory_space<vmem>>) semaphore(%run_scoped3A_221 : memref<!tpu.dma_semaphore, #tpu.memory_space<semaphore_mem>>) {add = true}
        %dma_wait3A_228 = arith.constant 0 : i32
        %dma_wait3A_229 = tpu.memref_slice %arg9[%run_scoped3A_213, %dma_wait3A_228] : memref<2x96xi32, #tpu.memory_space<vmem>> -> memref<1x96xi32, #tpu.memory_space<vmem>>
        %dma_wait3A_230 = tpu.memref_squeeze %dma_wait3A_229 : memref<1x96xi32, #tpu.memory_space<vmem>> -> memref<96xi32, #tpu.memory_space<vmem>>
        %dma_wait3A_231 = arith.constant 0 : i32
        %dma_wait3A_232 = arith.constant 0 : i32
        %dma_wait3A_233 = tpu.memref_slice %arg18[%dma_wait3A_231, %dma_wait3A_232] : memref<10112x128xf32, #tpu.memory_space<vmem_shared>> -> memref<10112x128xf32, #tpu.memory_space<vmem_shared>>
        tpu.wait_indirect_dma semaphore(%run_scoped3A_221 : memref<!tpu.dma_semaphore, #tpu.memory_space<semaphore_mem>>) src(%arg11 : memref<96x128xf32, #tpu.memory_space<vmem>>) dst(%dma_wait3A_233 : memref<10112x128xf32, #tpu.memory_space<vmem_shared>>)
        tpu.yield
      }) : () -> ()
      %add3A_214 = arith.constant 7 : i32
      %add3A_215 = arith.addi %mul3A_103, %add3A_214 : i32
      %lt3A_216 = arith.constant 105 : i32
      %lt3A_217 = arith.cmpi slt, %add3A_215, %lt3A_216 : i32
      %convert_element_type3A_218 = arith.extui %lt3A_217 : i1 to i32
      %cond3A_219 = arith.constant 0 : i32
      %cond3A_220 = arith.cmpi ne, %convert_element_type3A_218, %cond3A_219 : i32
      scf.if %cond3A_220 {
        %add3A_221 = arith.addi %mul3A_2, %add3A_215 : i32
        %dma_start3A_222 = arith.constant 0 : i32
        %dma_start3A_223 = arith.constant 0 : i32
        %dma_start3A_224 = tpu.memref_slice %arg3[%add3A_221, %dma_start3A_222, %dma_start3A_223] : memref<3360x2x96xi32, #tpu.memory_space<hbm>> -> memref<1x2x96xi32, #tpu.memory_space<hbm>>
        %dma_start3A_225 = tpu.memref_squeeze %dma_start3A_224 : memref<1x2x96xi32, #tpu.memory_space<hbm>> -> memref<2x96xi32, #tpu.memory_space<hbm>>
        %dma_start3A_226 = arith.constant 0 : i32
        %dma_start3A_227 = arith.constant 0 : i32
        %dma_start3A_228 = tpu.memref_slice %arg3[%add3A_221, %dma_start3A_226, %dma_start3A_227] : memref<3360x2x96xi32, #tpu.memory_space<hbm>> -> memref<1x2x96xi32, #tpu.memory_space<hbm>>
        %dma_start3A_229 = tpu.memref_squeeze %dma_start3A_228 : memref<1x2x96xi32, #tpu.memory_space<hbm>> -> memref<2x96xi32, #tpu.memory_space<hbm>>
        tpu.enqueue_dma source(%dma_start3A_229 : memref<2x96xi32, #tpu.memory_space<hbm>>) target(%arg9 : memref<2x96xi32, #tpu.memory_space<vmem>>) target_semaphore(%arg15 : memref<!tpu.dma_semaphore, #tpu.memory_space<semaphore_mem>>)
      } else {
      }
    }
    %scan3A_88 = arith.constant 26 : i32
    %dma_wait3A_89 = arith.constant 0 : i32
    %dma_wait3A_90 = arith.constant 0 : i32
    %dma_wait3A_91 = tpu.memref_slice %arg6[%dma_wait3A_89, %dma_wait3A_90] : memref<2x96xi32, #tpu.memory_space<vmem>> -> memref<1x96xi32, #tpu.memory_space<vmem>>
    %dma_wait3A_92 = tpu.memref_squeeze %dma_wait3A_91 : memref<1x96xi32, #tpu.memory_space<vmem>> -> memref<96xi32, #tpu.memory_space<vmem>>
    %dma_wait3A_93 = arith.constant 0 : i32
    %dma_wait3A_94 = arith.constant 0 : i32
    %dma_wait3A_95 = tpu.memref_slice %arg2[%dma_wait3A_93, %dma_wait3A_94] : memref<10000x128xf32, #tpu.memory_space<hbm>> -> memref<10000x128xf32, #tpu.memory_space<hbm>>
    tpu.wait_indirect_dma semaphore(%arg16 : memref<!tpu.dma_semaphore, #tpu.memory_space<semaphore_mem>>) src(%dma_wait3A_95 : memref<10000x128xf32, #tpu.memory_space<hbm>>) dst(%arg10 : memref<96x128xf32, #tpu.memory_space<vmem>>)
    %run_scoped3A = arith.constant 1 : i32
    "tpu.region"() ({
      %run_scoped3A_101 = tpu.sem_alloc : memref<!tpu.dma_semaphore, #tpu.memory_space<semaphore_mem>>
      %dma_start3A_102 = arith.constant 0 : i32
      %dma_start3A_103 = tpu.memref_slice %arg6[%run_scoped3A, %dma_start3A_102] : memref<2x96xi32, #tpu.memory_space<vmem>> -> memref<1x96xi32, #tpu.memory_space<vmem>>
      %dma_start3A_104 = tpu.memref_squeeze %dma_start3A_103 : memref<1x96xi32, #tpu.memory_space<vmem>> -> memref<96xi32, #tpu.memory_space<vmem>>
      %dma_start3A_105 = arith.constant 0 : i32
      %dma_start3A_106 = arith.constant 0 : i32
      %dma_start3A_107 = tpu.memref_slice %arg18[%dma_start3A_105, %dma_start3A_106] : memref<10112x128xf32, #tpu.memory_space<vmem_shared>> -> memref<10112x128xf32, #tpu.memory_space<vmem_shared>>
      tpu.enqueue_indirect_dma source(%arg10 : memref<96x128xf32, #tpu.memory_space<vmem>>) target(%dma_start3A_107 : memref<10112x128xf32, #tpu.memory_space<vmem_shared>>) offsets(%dma_start3A_104 : memref<96xi32, #tpu.memory_space<vmem>>) semaphore(%run_scoped3A_101 : memref<!tpu.dma_semaphore, #tpu.memory_space<semaphore_mem>>) {add = true}
      %dma_wait3A_108 = arith.constant 0 : i32
      %dma_wait3A_109 = tpu.memref_slice %arg6[%run_scoped3A, %dma_wait3A_108] : memref<2x96xi32, #tpu.memory_space<vmem>> -> memref<1x96xi32, #tpu.memory_space<vmem>>
      %dma_wait3A_110 = tpu.memref_squeeze %dma_wait3A_109 : memref<1x96xi32, #tpu.memory_space<vmem>> -> memref<96xi32, #tpu.memory_space<vmem>>
      %dma_wait3A_111 = arith.constant 0 : i32
      %dma_wait3A_112 = arith.constant 0 : i32
      %dma_wait3A_113 = tpu.memref_slice %arg18[%dma_wait3A_111, %dma_wait3A_112] : memref<10112x128xf32, #tpu.memory_space<vmem_shared>> -> memref<10112x128xf32, #tpu.memory_space<vmem_shared>>
      tpu.wait_indirect_dma semaphore(%run_scoped3A_101 : memref<!tpu.dma_semaphore, #tpu.memory_space<semaphore_mem>>) src(%arg10 : memref<96x128xf32, #tpu.memory_space<vmem>>) dst(%dma_wait3A_113 : memref<10112x128xf32, #tpu.memory_space<vmem_shared>>)
      tpu.yield
    }) : () -> ()
    %barrier3A_96 = arith.constant 0 : index
    tpu.barrier barrier_id(%barrier3A_96)
    %mul3A_97 = arith.constant 632 : i32
    %mul3A_98 = arith.muli %arg1, %mul3A_97 : i32
    %mul3A_99 = arith.constant 632 : i32
    %mul3A_100 = arith.muli %arg1, %mul3A_99 : i32
    "tpu.region"() ({
      %run_scoped3A_101 = tpu.sem_alloc : memref<!tpu.dma_semaphore, #tpu.memory_space<semaphore_mem>>
      %dma_start3A_102 = arith.constant 0 : i32
      %dma_start3A_103 = tpu.memref_slice %arg5[%arg0, %mul3A_100, %dma_start3A_102] : memref<2x10112x128xf32, #tpu.memory_space<hbm>> -> memref<1x632x128xf32, #tpu.memory_space<hbm>>
      %dma_start3A_104 = tpu.memref_squeeze %dma_start3A_103 : memref<1x632x128xf32, #tpu.memory_space<hbm>> -> memref<632x128xf32, #tpu.memory_space<hbm>>
      %dma_start3A_105 = arith.constant 0 : i32
      %dma_start3A_106 = tpu.memref_slice %arg18[%mul3A_98, %dma_start3A_105] : memref<10112x128xf32, #tpu.memory_space<vmem_shared>> -> memref<632x128xf32, #tpu.memory_space<vmem_shared>>
      tpu.enqueue_dma source(%dma_start3A_106 : memref<632x128xf32, #tpu.memory_space<vmem_shared>>) target(%dma_start3A_104 : memref<632x128xf32, #tpu.memory_space<hbm>>) target_semaphore(%run_scoped3A_101 : memref<!tpu.dma_semaphore, #tpu.memory_space<semaphore_mem>>)
      %dma_wait3A_107 = arith.constant 0 : i32
      %dma_wait3A_108 = tpu.memref_slice %arg5[%arg0, %mul3A_100, %dma_wait3A_107] : memref<2x10112x128xf32, #tpu.memory_space<hbm>> -> memref<1x632x128xf32, #tpu.memory_space<hbm>>
      %dma_wait3A_109 = tpu.memref_squeeze %dma_wait3A_108 : memref<1x632x128xf32, #tpu.memory_space<hbm>> -> memref<632x128xf32, #tpu.memory_space<hbm>>
      %dma_wait3A_110 = arith.constant 0 : i32
      %dma_wait3A_111 = tpu.memref_slice %arg18[%mul3A_98, %dma_wait3A_110] : memref<10112x128xf32, #tpu.memory_space<vmem_shared>> -> memref<632x128xf32, #tpu.memory_space<vmem_shared>>
      tpu.wait_dma2 semaphore(%run_scoped3A_101 : memref<!tpu.dma_semaphore, #tpu.memory_space<semaphore_mem>>) src(%dma_wait3A_111 : memref<632x128xf32, #tpu.memory_space<vmem_shared>>) dst(%dma_wait3A_109 : memref<632x128xf32, #tpu.memory_space<hbm>>)
      tpu.yield
    }) : () -> ()
    return
  }
}

#map = affine_map<(d0, d1) -> (0, 0)>
#map1 = affine_map<(d0, d1) -> (0, 0, 0)>
module attributes {stable_mosaic.version = 14 : i64} {
  func.func @_msg_body(%arg0: i32, %arg1: i32, %arg2: memref<10000x128xf32, #tpu.memory_space<hbm>>, %arg3: memref<3360x2x96xi32, #tpu.memory_space<hbm>>, %arg4: memref<96x128xf32, #tpu.memory_space<hbm>>, %arg5: memref<2x10112x128xf32, #tpu.memory_space<hbm>>, %arg6: memref<2x96xi32, #tpu.memory_space<vmem>>, %arg7: memref<2x96xi32, #tpu.memory_space<vmem>>, %arg8: memref<2x96xi32, #tpu.memory_space<vmem>>, %arg9: memref<2x96xi32, #tpu.memory_space<vmem>>, %arg10: memref<96x128xf32, #tpu.memory_space<vmem>>, %arg11: memref<96x128xf32, #tpu.memory_space<vmem>>, %arg12: memref<!tpu.dma_semaphore, #tpu.memory_space<semaphore_mem>>, %arg13: memref<!tpu.dma_semaphore, #tpu.memory_space<semaphore_mem>>, %arg14: memref<!tpu.dma_semaphore, #tpu.memory_space<semaphore_mem>>, %arg15: memref<!tpu.dma_semaphore, #tpu.memory_space<semaphore_mem>>, %arg16: memref<!tpu.dma_semaphore, #tpu.memory_space<semaphore_mem>>, %arg17: memref<!tpu.dma_semaphore, #tpu.memory_space<semaphore_mem>>, %arg18: memref<10112x128xf32, #tpu.memory_space<vmem_shared>>) attributes {dimension_semantics = [#tpu.dimension_semantics<core_parallel>, #tpu.dimension_semantics<subcore_parallel>], iteration_bounds = array<i64: 2, 16>, scalar_prefetch = 0 : i64, scratch_operands = 13 : i64, tpu.core_type = #tpu.core_type<sc_vector_subcore>, window_params = [{transform_indices = #map}, {transform_indices = #map1}, {transform_indices = #map}, {transform_indices = #map1}]} {
    %mul3A = arith.constant 2 : i32
    %mul3A_0 = arith.muli %arg1, %mul3A : i32
    %add3A = arith.addi %mul3A_0, %arg0 : i32
    %mul3A_1 = arith.constant 105 : i32
    %mul3A_2 = arith.muli %add3A, %mul3A_1 : i32
    "tpu.region"() ({
      %run_scoped3A_101 = tpu.sem_alloc : memref<!tpu.dma_semaphore, #tpu.memory_space<semaphore_mem>>
      tpu.enqueue_dma source(%arg4 : memref<96x128xf32, #tpu.memory_space<hbm>>) target(%arg10 : memref<96x128xf32, #tpu.memory_space<vmem>>) target_semaphore(%run_scoped3A_101 : memref<!tpu.dma_semaphore, #tpu.memory_space<semaphore_mem>>)
      tpu.wait_dma2 semaphore(%run_scoped3A_101 : memref<!tpu.dma_semaphore, #tpu.memory_space<semaphore_mem>>) src(%arg4 : memref<96x128xf32, #tpu.memory_space<hbm>>) dst(%arg10 : memref<96x128xf32, #tpu.memory_space<vmem>>)
      tpu.yield
    }) : () -> ()
    %mul3A_3 = arith.constant 632 : i32
    %mul3A_4 = arith.muli %arg1, %mul3A_3 : i32
    %add3A_5 = arith.constant 0 : i32
    %add3A_6 = arith.addi %mul3A_4, %add3A_5 : i32
    "tpu.region"() ({
      %run_scoped3A_101 = tpu.sem_alloc : memref<!tpu.dma_semaphore, #tpu.memory_space<semaphore_mem>>
      %dma_start3A_102 = arith.constant 0 : i32
      %dma_start3A_103 = tpu.memref_slice %arg18[%add3A_6, %dma_start3A_102] : memref<10112x128xf32, #tpu.memory_space<vmem_shared>> -> memref<96x128xf32, #tpu.memory_space<vmem_shared>>
      %dma_start3A_104 = arith.constant 0 : i32
      %dma_start3A_105 = tpu.memref_slice %arg18[%add3A_6, %dma_start3A_104] : memref<10112x128xf32, #tpu.memory_space<vmem_shared>> -> memref<96x128xf32, #tpu.memory_space<vmem_shared>>
      tpu.enqueue_dma source(%arg10 : memref<96x128xf32, #tpu.memory_space<vmem>>) target(%dma_start3A_105 : memref<96x128xf32, #tpu.memory_space<vmem_shared>>) target_semaphore(%run_scoped3A_101 : memref<!tpu.dma_semaphore, #tpu.memory_space<semaphore_mem>>)
      %dma_wait3A_106 = arith.constant 0 : i32
      %dma_wait3A_107 = tpu.memref_slice %arg18[%add3A_6, %dma_wait3A_106] : memref<10112x128xf32, #tpu.memory_space<vmem_shared>> -> memref<96x128xf32, #tpu.memory_space<vmem_shared>>
      %dma_wait3A_108 = arith.constant 0 : i32
      %dma_wait3A_109 = tpu.memref_slice %arg18[%add3A_6, %dma_wait3A_108] : memref<10112x128xf32, #tpu.memory_space<vmem_shared>> -> memref<96x128xf32, #tpu.memory_space<vmem_shared>>
      tpu.wait_dma2 semaphore(%run_scoped3A_101 : memref<!tpu.dma_semaphore, #tpu.memory_space<semaphore_mem>>) src(%arg10 : memref<96x128xf32, #tpu.memory_space<vmem>>) dst(%dma_wait3A_109 : memref<96x128xf32, #tpu.memory_space<vmem_shared>>)
      tpu.yield
    }) : () -> ()
    %mul3A_7 = arith.constant 632 : i32
    %mul3A_8 = arith.muli %arg1, %mul3A_7 : i32
    %add3A_9 = arith.constant 96 : i32
    %add3A_10 = arith.addi %mul3A_8, %add3A_9 : i32
    "tpu.region"() ({
      %run_scoped3A_101 = tpu.sem_alloc : memref<!tpu.dma_semaphore, #tpu.memory_space<semaphore_mem>>
      %dma_start3A_102 = arith.constant 0 : i32
      %dma_start3A_103 = tpu.memref_slice %arg18[%add3A_10, %dma_start3A_102] : memref<10112x128xf32, #tpu.memory_space<vmem_shared>> -> memref<96x128xf32, #tpu.memory_space<vmem_shared>>
      %dma_start3A_104 = arith.constant 0 : i32
      %dma_start3A_105 = tpu.memref_slice %arg18[%add3A_10, %dma_start3A_104] : memref<10112x128xf32, #tpu.memory_space<vmem_shared>> -> memref<96x128xf32, #tpu.memory_space<vmem_shared>>
      tpu.enqueue_dma source(%arg10 : memref<96x128xf32, #tpu.memory_space<vmem>>) target(%dma_start3A_105 : memref<96x128xf32, #tpu.memory_space<vmem_shared>>) target_semaphore(%run_scoped3A_101 : memref<!tpu.dma_semaphore, #tpu.memory_space<semaphore_mem>>)
      %dma_wait3A_106 = arith.constant 0 : i32
      %dma_wait3A_107 = tpu.memref_slice %arg18[%add3A_10, %dma_wait3A_106] : memref<10112x128xf32, #tpu.memory_space<vmem_shared>> -> memref<96x128xf32, #tpu.memory_space<vmem_shared>>
      %dma_wait3A_108 = arith.constant 0 : i32
      %dma_wait3A_109 = tpu.memref_slice %arg18[%add3A_10, %dma_wait3A_108] : memref<10112x128xf32, #tpu.memory_space<vmem_shared>> -> memref<96x128xf32, #tpu.memory_space<vmem_shared>>
      tpu.wait_dma2 semaphore(%run_scoped3A_101 : memref<!tpu.dma_semaphore, #tpu.memory_space<semaphore_mem>>) src(%arg10 : memref<96x128xf32, #tpu.memory_space<vmem>>) dst(%dma_wait3A_109 : memref<96x128xf32, #tpu.memory_space<vmem_shared>>)
      tpu.yield
    }) : () -> ()
    %mul3A_11 = arith.constant 632 : i32
    %mul3A_12 = arith.muli %arg1, %mul3A_11 : i32
    %add3A_13 = arith.constant 192 : i32
    %add3A_14 = arith.addi %mul3A_12, %add3A_13 : i32
    "tpu.region"() ({
      %run_scoped3A_101 = tpu.sem_alloc : memref<!tpu.dma_semaphore, #tpu.memory_space<semaphore_mem>>
      %dma_start3A_102 = arith.constant 0 : i32
      %dma_start3A_103 = tpu.memref_slice %arg18[%add3A_14, %dma_start3A_102] : memref<10112x128xf32, #tpu.memory_space<vmem_shared>> -> memref<96x128xf32, #tpu.memory_space<vmem_shared>>
      %dma_start3A_104 = arith.constant 0 : i32
      %dma_start3A_105 = tpu.memref_slice %arg18[%add3A_14, %dma_start3A_104] : memref<10112x128xf32, #tpu.memory_space<vmem_shared>> -> memref<96x128xf32, #tpu.memory_space<vmem_shared>>
      tpu.enqueue_dma source(%arg10 : memref<96x128xf32, #tpu.memory_space<vmem>>) target(%dma_start3A_105 : memref<96x128xf32, #tpu.memory_space<vmem_shared>>) target_semaphore(%run_scoped3A_101 : memref<!tpu.dma_semaphore, #tpu.memory_space<semaphore_mem>>)
      %dma_wait3A_106 = arith.constant 0 : i32
      %dma_wait3A_107 = tpu.memref_slice %arg18[%add3A_14, %dma_wait3A_106] : memref<10112x128xf32, #tpu.memory_space<vmem_shared>> -> memref<96x128xf32, #tpu.memory_space<vmem_shared>>
      %dma_wait3A_108 = arith.constant 0 : i32
      %dma_wait3A_109 = tpu.memref_slice %arg18[%add3A_14, %dma_wait3A_108] : memref<10112x128xf32, #tpu.memory_space<vmem_shared>> -> memref<96x128xf32, #tpu.memory_space<vmem_shared>>
      tpu.wait_dma2 semaphore(%run_scoped3A_101 : memref<!tpu.dma_semaphore, #tpu.memory_space<semaphore_mem>>) src(%arg10 : memref<96x128xf32, #tpu.memory_space<vmem>>) dst(%dma_wait3A_109 : memref<96x128xf32, #tpu.memory_space<vmem_shared>>)
      tpu.yield
    }) : () -> ()
    %mul3A_15 = arith.constant 632 : i32
    %mul3A_16 = arith.muli %arg1, %mul3A_15 : i32
    %add3A_17 = arith.constant 288 : i32
    %add3A_18 = arith.addi %mul3A_16, %add3A_17 : i32
    "tpu.region"() ({
      %run_scoped3A_101 = tpu.sem_alloc : memref<!tpu.dma_semaphore, #tpu.memory_space<semaphore_mem>>
      %dma_start3A_102 = arith.constant 0 : i32
      %dma_start3A_103 = tpu.memref_slice %arg18[%add3A_18, %dma_start3A_102] : memref<10112x128xf32, #tpu.memory_space<vmem_shared>> -> memref<96x128xf32, #tpu.memory_space<vmem_shared>>
      %dma_start3A_104 = arith.constant 0 : i32
      %dma_start3A_105 = tpu.memref_slice %arg18[%add3A_18, %dma_start3A_104] : memref<10112x128xf32, #tpu.memory_space<vmem_shared>> -> memref<96x128xf32, #tpu.memory_space<vmem_shared>>
      tpu.enqueue_dma source(%arg10 : memref<96x128xf32, #tpu.memory_space<vmem>>) target(%dma_start3A_105 : memref<96x128xf32, #tpu.memory_space<vmem_shared>>) target_semaphore(%run_scoped3A_101 : memref<!tpu.dma_semaphore, #tpu.memory_space<semaphore_mem>>)
      %dma_wait3A_106 = arith.constant 0 : i32
      %dma_wait3A_107 = tpu.memref_slice %arg18[%add3A_18, %dma_wait3A_106] : memref<10112x128xf32, #tpu.memory_space<vmem_shared>> -> memref<96x128xf32, #tpu.memory_space<vmem_shared>>
      %dma_wait3A_108 = arith.constant 0 : i32
      %dma_wait3A_109 = tpu.memref_slice %arg18[%add3A_18, %dma_wait3A_108] : memref<10112x128xf32, #tpu.memory_space<vmem_shared>> -> memref<96x128xf32, #tpu.memory_space<vmem_shared>>
      tpu.wait_dma2 semaphore(%run_scoped3A_101 : memref<!tpu.dma_semaphore, #tpu.memory_space<semaphore_mem>>) src(%arg10 : memref<96x128xf32, #tpu.memory_space<vmem>>) dst(%dma_wait3A_109 : memref<96x128xf32, #tpu.memory_space<vmem_shared>>)
      tpu.yield
    }) : () -> ()
    %mul3A_19 = arith.constant 632 : i32
    %mul3A_20 = arith.muli %arg1, %mul3A_19 : i32
    %add3A_21 = arith.constant 384 : i32
    %add3A_22 = arith.addi %mul3A_20, %add3A_21 : i32
    "tpu.region"() ({
      %run_scoped3A_101 = tpu.sem_alloc : memref<!tpu.dma_semaphore, #tpu.memory_space<semaphore_mem>>
      %dma_start3A_102 = arith.constant 0 : i32
      %dma_start3A_103 = tpu.memref_slice %arg18[%add3A_22, %dma_start3A_102] : memref<10112x128xf32, #tpu.memory_space<vmem_shared>> -> memref<96x128xf32, #tpu.memory_space<vmem_shared>>
      %dma_start3A_104 = arith.constant 0 : i32
      %dma_start3A_105 = tpu.memref_slice %arg18[%add3A_22, %dma_start3A_104] : memref<10112x128xf32, #tpu.memory_space<vmem_shared>> -> memref<96x128xf32, #tpu.memory_space<vmem_shared>>
      tpu.enqueue_dma source(%arg10 : memref<96x128xf32, #tpu.memory_space<vmem>>) target(%dma_start3A_105 : memref<96x128xf32, #tpu.memory_space<vmem_shared>>) target_semaphore(%run_scoped3A_101 : memref<!tpu.dma_semaphore, #tpu.memory_space<semaphore_mem>>)
      %dma_wait3A_106 = arith.constant 0 : i32
      %dma_wait3A_107 = tpu.memref_slice %arg18[%add3A_22, %dma_wait3A_106] : memref<10112x128xf32, #tpu.memory_space<vmem_shared>> -> memref<96x128xf32, #tpu.memory_space<vmem_shared>>
      %dma_wait3A_108 = arith.constant 0 : i32
      %dma_wait3A_109 = tpu.memref_slice %arg18[%add3A_22, %dma_wait3A_108] : memref<10112x128xf32, #tpu.memory_space<vmem_shared>> -> memref<96x128xf32, #tpu.memory_space<vmem_shared>>
      tpu.wait_dma2 semaphore(%run_scoped3A_101 : memref<!tpu.dma_semaphore, #tpu.memory_space<semaphore_mem>>) src(%arg10 : memref<96x128xf32, #tpu.memory_space<vmem>>) dst(%dma_wait3A_109 : memref<96x128xf32, #tpu.memory_space<vmem_shared>>)
      tpu.yield
    }) : () -> ()
    %mul3A_23 = arith.constant 632 : i32
    %mul3A_24 = arith.muli %arg1, %mul3A_23 : i32
    %add3A_25 = arith.constant 480 : i32
    %add3A_26 = arith.addi %mul3A_24, %add3A_25 : i32
    "tpu.region"() ({
      %run_scoped3A_101 = tpu.sem_alloc : memref<!tpu.dma_semaphore, #tpu.memory_space<semaphore_mem>>
      %dma_start3A_102 = arith.constant 0 : i32
      %dma_start3A_103 = tpu.memref_slice %arg18[%add3A_26, %dma_start3A_102] : memref<10112x128xf32, #tpu.memory_space<vmem_shared>> -> memref<96x128xf32, #tpu.memory_space<vmem_shared>>
      %dma_start3A_104 = arith.constant 0 : i32
      %dma_start3A_105 = tpu.memref_slice %arg18[%add3A_26, %dma_start3A_104] : memref<10112x128xf32, #tpu.memory_space<vmem_shared>> -> memref<96x128xf32, #tpu.memory_space<vmem_shared>>
      tpu.enqueue_dma source(%arg10 : memref<96x128xf32, #tpu.memory_space<vmem>>) target(%dma_start3A_105 : memref<96x128xf32, #tpu.memory_space<vmem_shared>>) target_semaphore(%run_scoped3A_101 : memref<!tpu.dma_semaphore, #tpu.memory_space<semaphore_mem>>)
      %dma_wait3A_106 = arith.constant 0 : i32
      %dma_wait3A_107 = tpu.memref_slice %arg18[%add3A_26, %dma_wait3A_106] : memref<10112x128xf32, #tpu.memory_space<vmem_shared>> -> memref<96x128xf32, #tpu.memory_space<vmem_shared>>
      %dma_wait3A_108 = arith.constant 0 : i32
      %dma_wait3A_109 = tpu.memref_slice %arg18[%add3A_26, %dma_wait3A_108] : memref<10112x128xf32, #tpu.memory_space<vmem_shared>> -> memref<96x128xf32, #tpu.memory_space<vmem_shared>>
      tpu.wait_dma2 semaphore(%run_scoped3A_101 : memref<!tpu.dma_semaphore, #tpu.memory_space<semaphore_mem>>) src(%arg10 : memref<96x128xf32, #tpu.memory_space<vmem>>) dst(%dma_wait3A_109 : memref<96x128xf32, #tpu.memory_space<vmem_shared>>)
      tpu.yield
    }) : () -> ()
    %mul3A_27 = arith.constant 632 : i32
    %mul3A_28 = arith.muli %arg1, %mul3A_27 : i32
    %add3A_29 = arith.constant 576 : i32
    %add3A_30 = arith.addi %mul3A_28, %add3A_29 : i32
    "tpu.region"() ({
      %run_scoped3A_101 = tpu.sem_alloc : memref<!tpu.dma_semaphore, #tpu.memory_space<semaphore_mem>>
      %dma_start3A_102 = arith.constant 0 : i32
      %dma_start3A_103 = arith.constant 0 : i32
      %dma_start3A_104 = tpu.memref_slice %arg10[%dma_start3A_102, %dma_start3A_103] : memref<96x128xf32, #tpu.memory_space<vmem>> -> memref<56x128xf32, #tpu.memory_space<vmem>>
      %dma_start3A_105 = arith.constant 0 : i32
      %dma_start3A_106 = tpu.memref_slice %arg18[%add3A_30, %dma_start3A_105] : memref<10112x128xf32, #tpu.memory_space<vmem_shared>> -> memref<56x128xf32, #tpu.memory_space<vmem_shared>>
      %dma_start3A_107 = arith.constant 0 : i32
      %dma_start3A_108 = tpu.memref_slice %arg18[%add3A_30, %dma_start3A_107] : memref<10112x128xf32, #tpu.memory_space<vmem_shared>> -> memref<56x128xf32, #tpu.memory_space<vmem_shared>>
      %dma_start3A_109 = arith.constant 0 : i32
      %dma_start3A_110 = arith.constant 0 : i32
      %dma_start3A_111 = tpu.memref_slice %arg10[%dma_start3A_109, %dma_start3A_110] : memref<96x128xf32, #tpu.memory_space<vmem>> -> memref<56x128xf32, #tpu.memory_space<vmem>>
      tpu.enqueue_dma source(%dma_start3A_111 : memref<56x128xf32, #tpu.memory_space<vmem>>) target(%dma_start3A_108 : memref<56x128xf32, #tpu.memory_space<vmem_shared>>) target_semaphore(%run_scoped3A_101 : memref<!tpu.dma_semaphore, #tpu.memory_space<semaphore_mem>>)
      %dma_wait3A_112 = arith.constant 0 : i32
      %dma_wait3A_113 = arith.constant 0 : i32
      %dma_wait3A_114 = tpu.memref_slice %arg10[%dma_wait3A_112, %dma_wait3A_113] : memref<96x128xf32, #tpu.memory_space<vmem>> -> memref<56x128xf32, #tpu.memory_space<vmem>>
      %dma_wait3A_115 = arith.constant 0 : i32
      %dma_wait3A_116 = tpu.memref_slice %arg18[%add3A_30, %dma_wait3A_115] : memref<10112x128xf32, #tpu.memory_space<vmem_shared>> -> memref<56x128xf32, #tpu.memory_space<vmem_shared>>
      %dma_wait3A_117 = arith.constant 0 : i32
      %dma_wait3A_118 = tpu.memref_slice %arg18[%add3A_30, %dma_wait3A_117] : memref<10112x128xf32, #tpu.memory_space<vmem_shared>> -> memref<56x128xf32, #tpu.memory_space<vmem_shared>>
      %dma_wait3A_119 = arith.constant 0 : i32
      %dma_wait3A_120 = arith.constant 0 : i32
      %dma_wait3A_121 = tpu.memref_slice %arg10[%dma_wait3A_119, %dma_wait3A_120] : memref<96x128xf32, #tpu.memory_space<vmem>> -> memref<56x128xf32, #tpu.memory_space<vmem>>
      tpu.wait_dma2 semaphore(%run_scoped3A_101 : memref<!tpu.dma_semaphore, #tpu.memory_space<semaphore_mem>>) src(%dma_wait3A_121 : memref<56x128xf32, #tpu.memory_space<vmem>>) dst(%dma_wait3A_118 : memref<56x128xf32, #tpu.memory_space<vmem_shared>>)
      tpu.yield
    }) : () -> ()
    %barrier3A = arith.constant 0 : index
    tpu.barrier barrier_id(%barrier3A)
    %add3A_31 = arith.constant 0 : i32
    %add3A_32 = arith.addi %mul3A_2, %add3A_31 : i32
    %dma_start3A = arith.constant 0 : i32
    %dma_start3A_33 = arith.constant 0 : i32
    %dma_start3A_34 = tpu.memref_slice %arg3[%add3A_32, %dma_start3A, %dma_start3A_33] : memref<3360x2x96xi32, #tpu.memory_space<hbm>> -> memref<1x2x96xi32, #tpu.memory_space<hbm>>
    %dma_start3A_35 = tpu.memref_squeeze %dma_start3A_34 : memref<1x2x96xi32, #tpu.memory_space<hbm>> -> memref<2x96xi32, #tpu.memory_space<hbm>>
    %dma_start3A_36 = arith.constant 0 : i32
    %dma_start3A_37 = arith.constant 0 : i32
    %dma_start3A_38 = tpu.memref_slice %arg3[%add3A_32, %dma_start3A_36, %dma_start3A_37] : memref<3360x2x96xi32, #tpu.memory_space<hbm>> -> memref<1x2x96xi32, #tpu.memory_space<hbm>>
    %dma_start3A_39 = tpu.memref_squeeze %dma_start3A_38 : memref<1x2x96xi32, #tpu.memory_space<hbm>> -> memref<2x96xi32, #tpu.memory_space<hbm>>
    tpu.enqueue_dma source(%dma_start3A_39 : memref<2x96xi32, #tpu.memory_space<hbm>>) target(%arg6 : memref<2x96xi32, #tpu.memory_space<vmem>>) target_semaphore(%arg12 : memref<!tpu.dma_semaphore, #tpu.memory_space<semaphore_mem>>)
    %add3A_40 = arith.constant 1 : i32
    %add3A_41 = arith.addi %mul3A_2, %add3A_40 : i32
    %dma_start3A_42 = arith.constant 0 : i32
    %dma_start3A_43 = arith.constant 0 : i32
    %dma_start3A_44 = tpu.memref_slice %arg3[%add3A_41, %dma_start3A_42, %dma_start3A_43] : memref<3360x2x96xi32, #tpu.memory_space<hbm>> -> memref<1x2x96xi32, #tpu.memory_space<hbm>>
    %dma_start3A_45 = tpu.memref_squeeze %dma_start3A_44 : memref<1x2x96xi32, #tpu.memory_space<hbm>> -> memref<2x96xi32, #tpu.memory_space<hbm>>
    %dma_start3A_46 = arith.constant 0 : i32
    %dma_start3A_47 = arith.constant 0 : i32
    %dma_start3A_48 = tpu.memref_slice %arg3[%add3A_41, %dma_start3A_46, %dma_start3A_47] : memref<3360x2x96xi32, #tpu.memory_space<hbm>> -> memref<1x2x96xi32, #tpu.memory_space<hbm>>
    %dma_start3A_49 = tpu.memref_squeeze %dma_start3A_48 : memref<1x2x96xi32, #tpu.memory_space<hbm>> -> memref<2x96xi32, #tpu.memory_space<hbm>>
    tpu.enqueue_dma source(%dma_start3A_49 : memref<2x96xi32, #tpu.memory_space<hbm>>) target(%arg7 : memref<2x96xi32, #tpu.memory_space<vmem>>) target_semaphore(%arg13 : memref<!tpu.dma_semaphore, #tpu.memory_space<semaphore_mem>>)
    %add3A_50 = arith.constant 2 : i32
    %add3A_51 = arith.addi %mul3A_2, %add3A_50 : i32
    %dma_start3A_52 = arith.constant 0 : i32
    %dma_start3A_53 = arith.constant 0 : i32
    %dma_start3A_54 = tpu.memref_slice %arg3[%add3A_51, %dma_start3A_52, %dma_start3A_53] : memref<3360x2x96xi32, #tpu.memory_space<hbm>> -> memref<1x2x96xi32, #tpu.memory_space<hbm>>
    %dma_start3A_55 = tpu.memref_squeeze %dma_start3A_54 : memref<1x2x96xi32, #tpu.memory_space<hbm>> -> memref<2x96xi32, #tpu.memory_space<hbm>>
    %dma_start3A_56 = arith.constant 0 : i32
    %dma_start3A_57 = arith.constant 0 : i32
    %dma_start3A_58 = tpu.memref_slice %arg3[%add3A_51, %dma_start3A_56, %dma_start3A_57] : memref<3360x2x96xi32, #tpu.memory_space<hbm>> -> memref<1x2x96xi32, #tpu.memory_space<hbm>>
    %dma_start3A_59 = tpu.memref_squeeze %dma_start3A_58 : memref<1x2x96xi32, #tpu.memory_space<hbm>> -> memref<2x96xi32, #tpu.memory_space<hbm>>
    tpu.enqueue_dma source(%dma_start3A_59 : memref<2x96xi32, #tpu.memory_space<hbm>>) target(%arg8 : memref<2x96xi32, #tpu.memory_space<vmem>>) target_semaphore(%arg14 : memref<!tpu.dma_semaphore, #tpu.memory_space<semaphore_mem>>)
    %add3A_60 = arith.constant 3 : i32
    %add3A_61 = arith.addi %mul3A_2, %add3A_60 : i32
    %dma_start3A_62 = arith.constant 0 : i32
    %dma_start3A_63 = arith.constant 0 : i32
    %dma_start3A_64 = tpu.memref_slice %arg3[%add3A_61, %dma_start3A_62, %dma_start3A_63] : memref<3360x2x96xi32, #tpu.memory_space<hbm>> -> memref<1x2x96xi32, #tpu.memory_space<hbm>>
    %dma_start3A_65 = tpu.memref_squeeze %dma_start3A_64 : memref<1x2x96xi32, #tpu.memory_space<hbm>> -> memref<2x96xi32, #tpu.memory_space<hbm>>
    %dma_start3A_66 = arith.constant 0 : i32
    %dma_start3A_67 = arith.constant 0 : i32
    %dma_start3A_68 = tpu.memref_slice %arg3[%add3A_61, %dma_start3A_66, %dma_start3A_67] : memref<3360x2x96xi32, #tpu.memory_space<hbm>> -> memref<1x2x96xi32, #tpu.memory_space<hbm>>
    %dma_start3A_69 = tpu.memref_squeeze %dma_start3A_68 : memref<1x2x96xi32, #tpu.memory_space<hbm>> -> memref<2x96xi32, #tpu.memory_space<hbm>>
    tpu.enqueue_dma source(%dma_start3A_69 : memref<2x96xi32, #tpu.memory_space<hbm>>) target(%arg9 : memref<2x96xi32, #tpu.memory_space<vmem>>) target_semaphore(%arg15 : memref<!tpu.dma_semaphore, #tpu.memory_space<semaphore_mem>>)
    %dma_wait3A = arith.constant 0 : i32
    %dma_wait3A_70 = arith.constant 0 : i32
    %dma_wait3A_71 = tpu.memref_slice %arg3[%mul3A_2, %dma_wait3A, %dma_wait3A_70] : memref<3360x2x96xi32, #tpu.memory_space<hbm>> -> memref<1x2x96xi32, #tpu.memory_space<hbm>>
    %dma_wait3A_72 = tpu.memref_squeeze %dma_wait3A_71 : memref<1x2x96xi32, #tpu.memory_space<hbm>> -> memref<2x96xi32, #tpu.memory_space<hbm>>
    %dma_wait3A_73 = arith.constant 0 : i32
    %dma_wait3A_74 = arith.constant 0 : i32
    %dma_wait3A_75 = tpu.memref_slice %arg3[%mul3A_2, %dma_wait3A_73, %dma_wait3A_74] : memref<3360x2x96xi32, #tpu.memory_space<hbm>> -> memref<1x2x96xi32, #tpu.memory_space<hbm>>
    %dma_wait3A_76 = tpu.memref_squeeze %dma_wait3A_75 : memref<1x2x96xi32, #tpu.memory_space<hbm>> -> memref<2x96xi32, #tpu.memory_space<hbm>>
    tpu.wait_dma2 semaphore(%arg12 : memref<!tpu.dma_semaphore, #tpu.memory_space<semaphore_mem>>) src(%dma_wait3A_76 : memref<2x96xi32, #tpu.memory_space<hbm>>) dst(%arg6 : memref<2x96xi32, #tpu.memory_space<vmem>>)
    %dma_start3A_77 = arith.constant 0 : i32
    %dma_start3A_78 = arith.constant 0 : i32
    %dma_start3A_79 = tpu.memref_slice %arg6[%dma_start3A_77, %dma_start3A_78] : memref<2x96xi32, #tpu.memory_space<vmem>> -> memref<1x96xi32, #tpu.memory_space<vmem>>
    %dma_start3A_80 = tpu.memref_squeeze %dma_start3A_79 : memref<1x96xi32, #tpu.memory_space<vmem>> -> memref<96xi32, #tpu.memory_space<vmem>>
    %dma_start3A_81 = arith.constant 0 : i32
    %dma_start3A_82 = arith.constant 0 : i32
    %dma_start3A_83 = tpu.memref_slice %arg2[%dma_start3A_81, %dma_start3A_82] : memref<10000x128xf32, #tpu.memory_space<hbm>> -> memref<10000x128xf32, #tpu.memory_space<hbm>>
    tpu.enqueue_indirect_dma source(%dma_start3A_83 : memref<10000x128xf32, #tpu.memory_space<hbm>>) target(%arg10 : memref<96x128xf32, #tpu.memory_space<vmem>>) offsets(%dma_start3A_80 : memref<96xi32, #tpu.memory_space<vmem>>) semaphore(%arg16 : memref<!tpu.dma_semaphore, #tpu.memory_space<semaphore_mem>>)
    %scan3A = arith.constant 0 : i32
    %scan3A_84 = arith.constant 0 : i32
    %scan3A_85 = arith.constant 26 : i32
    %scan3A_86 = arith.addi %scan3A_84, %scan3A_85 : i32
    %scan3A_87 = arith.constant 1 : i32
    scf.for %scan3A_101 = %scan3A_84 to %scan3A_86 step %scan3A_87  : i32 {
      %mul3A_102 = arith.constant 4 : i32
      %mul3A_103 = arith.muli %mul3A_102, %scan3A_101 : i32
      %dma_wait3A_104 = arith.constant 0 : i32
      %dma_wait3A_105 = arith.constant 0 : i32
      %dma_wait3A_106 = tpu.memref_slice %arg3[%mul3A_2, %dma_wait3A_104, %dma_wait3A_105] : memref<3360x2x96xi32, #tpu.memory_space<hbm>> -> memref<1x2x96xi32, #tpu.memory_space<hbm>>
      %dma_wait3A_107 = tpu.memref_squeeze %dma_wait3A_106 : memref<1x2x96xi32, #tpu.memory_space<hbm>> -> memref<2x96xi32, #tpu.memory_space<hbm>>
      %dma_wait3A_108 = arith.constant 0 : i32
      %dma_wait3A_109 = arith.constant 0 : i32
      %dma_wait3A_110 = tpu.memref_slice %arg3[%mul3A_2, %dma_wait3A_108, %dma_wait3A_109] : memref<3360x2x96xi32, #tpu.memory_space<hbm>> -> memref<1x2x96xi32, #tpu.memory_space<hbm>>
      %dma_wait3A_111 = tpu.memref_squeeze %dma_wait3A_110 : memref<1x2x96xi32, #tpu.memory_space<hbm>> -> memref<2x96xi32, #tpu.memory_space<hbm>>
      tpu.wait_dma2 semaphore(%arg13 : memref<!tpu.dma_semaphore, #tpu.memory_space<semaphore_mem>>) src(%dma_wait3A_111 : memref<2x96xi32, #tpu.memory_space<hbm>>) dst(%arg7 : memref<2x96xi32, #tpu.memory_space<vmem>>)
      %dma_start3A_112 = arith.constant 0 : i32
      %dma_start3A_113 = arith.constant 0 : i32
      %dma_start3A_114 = tpu.memref_slice %arg7[%dma_start3A_112, %dma_start3A_113] : memref<2x96xi32, #tpu.memory_space<vmem>> -> memref<1x96xi32, #tpu.memory_space<vmem>>
      %dma_start3A_115 = tpu.memref_squeeze %dma_start3A_114 : memref<1x96xi32, #tpu.memory_space<vmem>> -> memref<96xi32, #tpu.memory_space<vmem>>
      %dma_start3A_116 = arith.constant 0 : i32
      %dma_start3A_117 = arith.constant 0 : i32
      %dma_start3A_118 = tpu.memref_slice %arg2[%dma_start3A_116, %dma_start3A_117] : memref<10000x128xf32, #tpu.memory_space<hbm>> -> memref<10000x128xf32, #tpu.memory_space<hbm>>
      tpu.enqueue_indirect_dma source(%dma_start3A_118 : memref<10000x128xf32, #tpu.memory_space<hbm>>) target(%arg11 : memref<96x128xf32, #tpu.memory_space<vmem>>) offsets(%dma_start3A_115 : memref<96xi32, #tpu.memory_space<vmem>>) semaphore(%arg17 : memref<!tpu.dma_semaphore, #tpu.memory_space<semaphore_mem>>)
      %dma_wait3A_119 = arith.constant 0 : i32
      %dma_wait3A_120 = arith.constant 0 : i32
      %dma_wait3A_121 = tpu.memref_slice %arg6[%dma_wait3A_119, %dma_wait3A_120] : memref<2x96xi32, #tpu.memory_space<vmem>> -> memref<1x96xi32, #tpu.memory_space<vmem>>
      %dma_wait3A_122 = tpu.memref_squeeze %dma_wait3A_121 : memref<1x96xi32, #tpu.memory_space<vmem>> -> memref<96xi32, #tpu.memory_space<vmem>>
      %dma_wait3A_123 = arith.constant 0 : i32
      %dma_wait3A_124 = arith.constant 0 : i32
      %dma_wait3A_125 = tpu.memref_slice %arg2[%dma_wait3A_123, %dma_wait3A_124] : memref<10000x128xf32, #tpu.memory_space<hbm>> -> memref<10000x128xf32, #tpu.memory_space<hbm>>
      tpu.wait_indirect_dma semaphore(%arg16 : memref<!tpu.dma_semaphore, #tpu.memory_space<semaphore_mem>>) src(%dma_wait3A_125 : memref<10000x128xf32, #tpu.memory_space<hbm>>) dst(%arg10 : memref<96x128xf32, #tpu.memory_space<vmem>>)
      %run_scoped3A_126 = arith.constant 1 : i32
      "tpu.region"() ({
        %run_scoped3A_221 = tpu.sem_alloc : memref<!tpu.dma_semaphore, #tpu.memory_space<semaphore_mem>>
        %dma_start3A_222 = arith.constant 0 : i32
        %dma_start3A_223 = tpu.memref_slice %arg6[%run_scoped3A_126, %dma_start3A_222] : memref<2x96xi32, #tpu.memory_space<vmem>> -> memref<1x96xi32, #tpu.memory_space<vmem>>
        %dma_start3A_224 = tpu.memref_squeeze %dma_start3A_223 : memref<1x96xi32, #tpu.memory_space<vmem>> -> memref<96xi32, #tpu.memory_space<vmem>>
        %dma_start3A_225 = arith.constant 0 : i32
        %dma_start3A_226 = arith.constant 0 : i32
        %dma_start3A_227 = tpu.memref_slice %arg18[%dma_start3A_225, %dma_start3A_226] : memref<10112x128xf32, #tpu.memory_space<vmem_shared>> -> memref<10112x128xf32, #tpu.memory_space<vmem_shared>>
        tpu.enqueue_indirect_dma source(%arg10 : memref<96x128xf32, #tpu.memory_space<vmem>>) target(%dma_start3A_227 : memref<10112x128xf32, #tpu.memory_space<vmem_shared>>) offsets(%dma_start3A_224 : memref<96xi32, #tpu.memory_space<vmem>>) semaphore(%run_scoped3A_221 : memref<!tpu.dma_semaphore, #tpu.memory_space<semaphore_mem>>) {add = true}
        %dma_wait3A_228 = arith.constant 0 : i32
        %dma_wait3A_229 = tpu.memref_slice %arg6[%run_scoped3A_126, %dma_wait3A_228] : memref<2x96xi32, #tpu.memory_space<vmem>> -> memref<1x96xi32, #tpu.memory_space<vmem>>
        %dma_wait3A_230 = tpu.memref_squeeze %dma_wait3A_229 : memref<1x96xi32, #tpu.memory_space<vmem>> -> memref<96xi32, #tpu.memory_space<vmem>>
        %dma_wait3A_231 = arith.constant 0 : i32
        %dma_wait3A_232 = arith.constant 0 : i32
        %dma_wait3A_233 = tpu.memref_slice %arg18[%dma_wait3A_231, %dma_wait3A_232] : memref<10112x128xf32, #tpu.memory_space<vmem_shared>> -> memref<10112x128xf32, #tpu.memory_space<vmem_shared>>
        tpu.wait_indirect_dma semaphore(%run_scoped3A_221 : memref<!tpu.dma_semaphore, #tpu.memory_space<semaphore_mem>>) src(%arg10 : memref<96x128xf32, #tpu.memory_space<vmem>>) dst(%dma_wait3A_233 : memref<10112x128xf32, #tpu.memory_space<vmem_shared>>)
        tpu.yield
      }) : () -> ()
      %add3A_127 = arith.constant 4 : i32
      %add3A_128 = arith.addi %mul3A_103, %add3A_127 : i32
      %lt3A = arith.constant 105 : i32
      %lt3A_129 = arith.cmpi slt, %add3A_128, %lt3A : i32
      %convert_element_type3A = arith.extui %lt3A_129 : i1 to i32
      %cond3A = arith.constant 0 : i32
      %cond3A_130 = arith.cmpi ne, %convert_element_type3A, %cond3A : i32
      scf.if %cond3A_130 {
        %add3A_221 = arith.addi %mul3A_2, %add3A_128 : i32
        %dma_start3A_222 = arith.constant 0 : i32
        %dma_start3A_223 = arith.constant 0 : i32
        %dma_start3A_224 = tpu.memref_slice %arg3[%add3A_221, %dma_start3A_222, %dma_start3A_223] : memref<3360x2x96xi32, #tpu.memory_space<hbm>> -> memref<1x2x96xi32, #tpu.memory_space<hbm>>
        %dma_start3A_225 = tpu.memref_squeeze %dma_start3A_224 : memref<1x2x96xi32, #tpu.memory_space<hbm>> -> memref<2x96xi32, #tpu.memory_space<hbm>>
        %dma_start3A_226 = arith.constant 0 : i32
        %dma_start3A_227 = arith.constant 0 : i32
        %dma_start3A_228 = tpu.memref_slice %arg3[%add3A_221, %dma_start3A_226, %dma_start3A_227] : memref<3360x2x96xi32, #tpu.memory_space<hbm>> -> memref<1x2x96xi32, #tpu.memory_space<hbm>>
        %dma_start3A_229 = tpu.memref_squeeze %dma_start3A_228 : memref<1x2x96xi32, #tpu.memory_space<hbm>> -> memref<2x96xi32, #tpu.memory_space<hbm>>
        tpu.enqueue_dma source(%dma_start3A_229 : memref<2x96xi32, #tpu.memory_space<hbm>>) target(%arg6 : memref<2x96xi32, #tpu.memory_space<vmem>>) target_semaphore(%arg12 : memref<!tpu.dma_semaphore, #tpu.memory_space<semaphore_mem>>)
      } else {
      }
      %dma_wait3A_131 = arith.constant 0 : i32
      %dma_wait3A_132 = arith.constant 0 : i32
      %dma_wait3A_133 = tpu.memref_slice %arg3[%mul3A_2, %dma_wait3A_131, %dma_wait3A_132] : memref<3360x2x96xi32, #tpu.memory_space<hbm>> -> memref<1x2x96xi32, #tpu.memory_space<hbm>>
      %dma_wait3A_134 = tpu.memref_squeeze %dma_wait3A_133 : memref<1x2x96xi32, #tpu.memory_space<hbm>> -> memref<2x96xi32, #tpu.memory_space<hbm>>
      %dma_wait3A_135 = arith.constant 0 : i32
      %dma_wait3A_136 = arith.constant 0 : i32
      %dma_wait3A_137 = tpu.memref_slice %arg3[%mul3A_2, %dma_wait3A_135, %dma_wait3A_136] : memref<3360x2x96xi32, #tpu.memory_space<hbm>> -> memref<1x2x96xi32, #tpu.memory_space<hbm>>
      %dma_wait3A_138 = tpu.memref_squeeze %dma_wait3A_137 : memref<1x2x96xi32, #tpu.memory_space<hbm>> -> memref<2x96xi32, #tpu.memory_space<hbm>>
      tpu.wait_dma2 semaphore(%arg14 : memref<!tpu.dma_semaphore, #tpu.memory_space<semaphore_mem>>) src(%dma_wait3A_138 : memref<2x96xi32, #tpu.memory_space<hbm>>) dst(%arg8 : memref<2x96xi32, #tpu.memory_space<vmem>>)
      %dma_start3A_139 = arith.constant 0 : i32
      %dma_start3A_140 = arith.constant 0 : i32
      %dma_start3A_141 = tpu.memref_slice %arg8[%dma_start3A_139, %dma_start3A_140] : memref<2x96xi32, #tpu.memory_space<vmem>> -> memref<1x96xi32, #tpu.memory_space<vmem>>
      %dma_start3A_142 = tpu.memref_squeeze %dma_start3A_141 : memref<1x96xi32, #tpu.memory_space<vmem>> -> memref<96xi32, #tpu.memory_space<vmem>>
      %dma_start3A_143 = arith.constant 0 : i32
      %dma_start3A_144 = arith.constant 0 : i32
      %dma_start3A_145 = tpu.memref_slice %arg2[%dma_start3A_143, %dma_start3A_144] : memref<10000x128xf32, #tpu.memory_space<hbm>> -> memref<10000x128xf32, #tpu.memory_space<hbm>>
      tpu.enqueue_indirect_dma source(%dma_start3A_145 : memref<10000x128xf32, #tpu.memory_space<hbm>>) target(%arg10 : memref<96x128xf32, #tpu.memory_space<vmem>>) offsets(%dma_start3A_142 : memref<96xi32, #tpu.memory_space<vmem>>) semaphore(%arg16 : memref<!tpu.dma_semaphore, #tpu.memory_space<semaphore_mem>>)
      %dma_wait3A_146 = arith.constant 0 : i32
      %dma_wait3A_147 = arith.constant 0 : i32
      %dma_wait3A_148 = tpu.memref_slice %arg6[%dma_wait3A_146, %dma_wait3A_147] : memref<2x96xi32, #tpu.memory_space<vmem>> -> memref<1x96xi32, #tpu.memory_space<vmem>>
      %dma_wait3A_149 = tpu.memref_squeeze %dma_wait3A_148 : memref<1x96xi32, #tpu.memory_space<vmem>> -> memref<96xi32, #tpu.memory_space<vmem>>
      %dma_wait3A_150 = arith.constant 0 : i32
      %dma_wait3A_151 = arith.constant 0 : i32
      %dma_wait3A_152 = tpu.memref_slice %arg2[%dma_wait3A_150, %dma_wait3A_151] : memref<10000x128xf32, #tpu.memory_space<hbm>> -> memref<10000x128xf32, #tpu.memory_space<hbm>>
      tpu.wait_indirect_dma semaphore(%arg17 : memref<!tpu.dma_semaphore, #tpu.memory_space<semaphore_mem>>) src(%dma_wait3A_152 : memref<10000x128xf32, #tpu.memory_space<hbm>>) dst(%arg11 : memref<96x128xf32, #tpu.memory_space<vmem>>)
      %run_scoped3A_153 = arith.constant 1 : i32
      "tpu.region"() ({
        %run_scoped3A_221 = tpu.sem_alloc : memref<!tpu.dma_semaphore, #tpu.memory_space<semaphore_mem>>
        %dma_start3A_222 = arith.constant 0 : i32
        %dma_start3A_223 = tpu.memref_slice %arg7[%run_scoped3A_153, %dma_start3A_222] : memref<2x96xi32, #tpu.memory_space<vmem>> -> memref<1x96xi32, #tpu.memory_space<vmem>>
        %dma_start3A_224 = tpu.memref_squeeze %dma_start3A_223 : memref<1x96xi32, #tpu.memory_space<vmem>> -> memref<96xi32, #tpu.memory_space<vmem>>
        %dma_start3A_225 = arith.constant 0 : i32
        %dma_start3A_226 = arith.constant 0 : i32
        %dma_start3A_227 = tpu.memref_slice %arg18[%dma_start3A_225, %dma_start3A_226] : memref<10112x128xf32, #tpu.memory_space<vmem_shared>> -> memref<10112x128xf32, #tpu.memory_space<vmem_shared>>
        tpu.enqueue_indirect_dma source(%arg11 : memref<96x128xf32, #tpu.memory_space<vmem>>) target(%dma_start3A_227 : memref<10112x128xf32, #tpu.memory_space<vmem_shared>>) offsets(%dma_start3A_224 : memref<96xi32, #tpu.memory_space<vmem>>) semaphore(%run_scoped3A_221 : memref<!tpu.dma_semaphore, #tpu.memory_space<semaphore_mem>>) {add = true}
        %dma_wait3A_228 = arith.constant 0 : i32
        %dma_wait3A_229 = tpu.memref_slice %arg7[%run_scoped3A_153, %dma_wait3A_228] : memref<2x96xi32, #tpu.memory_space<vmem>> -> memref<1x96xi32, #tpu.memory_space<vmem>>
        %dma_wait3A_230 = tpu.memref_squeeze %dma_wait3A_229 : memref<1x96xi32, #tpu.memory_space<vmem>> -> memref<96xi32, #tpu.memory_space<vmem>>
        %dma_wait3A_231 = arith.constant 0 : i32
        %dma_wait3A_232 = arith.constant 0 : i32
        %dma_wait3A_233 = tpu.memref_slice %arg18[%dma_wait3A_231, %dma_wait3A_232] : memref<10112x128xf32, #tpu.memory_space<vmem_shared>> -> memref<10112x128xf32, #tpu.memory_space<vmem_shared>>
        tpu.wait_indirect_dma semaphore(%run_scoped3A_221 : memref<!tpu.dma_semaphore, #tpu.memory_space<semaphore_mem>>) src(%arg11 : memref<96x128xf32, #tpu.memory_space<vmem>>) dst(%dma_wait3A_233 : memref<10112x128xf32, #tpu.memory_space<vmem_shared>>)
        tpu.yield
      }) : () -> ()
      %add3A_154 = arith.constant 5 : i32
      %add3A_155 = arith.addi %mul3A_103, %add3A_154 : i32
      %lt3A_156 = arith.constant 105 : i32
      %lt3A_157 = arith.cmpi slt, %add3A_155, %lt3A_156 : i32
      %convert_element_type3A_158 = arith.extui %lt3A_157 : i1 to i32
      %cond3A_159 = arith.constant 0 : i32
      %cond3A_160 = arith.cmpi ne, %convert_element_type3A_158, %cond3A_159 : i32
      scf.if %cond3A_160 {
        %add3A_221 = arith.addi %mul3A_2, %add3A_155 : i32
        %dma_start3A_222 = arith.constant 0 : i32
        %dma_start3A_223 = arith.constant 0 : i32
        %dma_start3A_224 = tpu.memref_slice %arg3[%add3A_221, %dma_start3A_222, %dma_start3A_223] : memref<3360x2x96xi32, #tpu.memory_space<hbm>> -> memref<1x2x96xi32, #tpu.memory_space<hbm>>
        %dma_start3A_225 = tpu.memref_squeeze %dma_start3A_224 : memref<1x2x96xi32, #tpu.memory_space<hbm>> -> memref<2x96xi32, #tpu.memory_space<hbm>>
        %dma_start3A_226 = arith.constant 0 : i32
        %dma_start3A_227 = arith.constant 0 : i32
        %dma_start3A_228 = tpu.memref_slice %arg3[%add3A_221, %dma_start3A_226, %dma_start3A_227] : memref<3360x2x96xi32, #tpu.memory_space<hbm>> -> memref<1x2x96xi32, #tpu.memory_space<hbm>>
        %dma_start3A_229 = tpu.memref_squeeze %dma_start3A_228 : memref<1x2x96xi32, #tpu.memory_space<hbm>> -> memref<2x96xi32, #tpu.memory_space<hbm>>
        tpu.enqueue_dma source(%dma_start3A_229 : memref<2x96xi32, #tpu.memory_space<hbm>>) target(%arg7 : memref<2x96xi32, #tpu.memory_space<vmem>>) target_semaphore(%arg13 : memref<!tpu.dma_semaphore, #tpu.memory_space<semaphore_mem>>)
      } else {
      }
      %dma_wait3A_161 = arith.constant 0 : i32
      %dma_wait3A_162 = arith.constant 0 : i32
      %dma_wait3A_163 = tpu.memref_slice %arg3[%mul3A_2, %dma_wait3A_161, %dma_wait3A_162] : memref<3360x2x96xi32, #tpu.memory_space<hbm>> -> memref<1x2x96xi32, #tpu.memory_space<hbm>>
      %dma_wait3A_164 = tpu.memref_squeeze %dma_wait3A_163 : memref<1x2x96xi32, #tpu.memory_space<hbm>> -> memref<2x96xi32, #tpu.memory_space<hbm>>
      %dma_wait3A_165 = arith.constant 0 : i32
      %dma_wait3A_166 = arith.constant 0 : i32
      %dma_wait3A_167 = tpu.memref_slice %arg3[%mul3A_2, %dma_wait3A_165, %dma_wait3A_166] : memref<3360x2x96xi32, #tpu.memory_space<hbm>> -> memref<1x2x96xi32, #tpu.memory_space<hbm>>
      %dma_wait3A_168 = tpu.memref_squeeze %dma_wait3A_167 : memref<1x2x96xi32, #tpu.memory_space<hbm>> -> memref<2x96xi32, #tpu.memory_space<hbm>>
      tpu.wait_dma2 semaphore(%arg15 : memref<!tpu.dma_semaphore, #tpu.memory_space<semaphore_mem>>) src(%dma_wait3A_168 : memref<2x96xi32, #tpu.memory_space<hbm>>) dst(%arg9 : memref<2x96xi32, #tpu.memory_space<vmem>>)
      %dma_start3A_169 = arith.constant 0 : i32
      %dma_start3A_170 = arith.constant 0 : i32
      %dma_start3A_171 = tpu.memref_slice %arg9[%dma_start3A_169, %dma_start3A_170] : memref<2x96xi32, #tpu.memory_space<vmem>> -> memref<1x96xi32, #tpu.memory_space<vmem>>
      %dma_start3A_172 = tpu.memref_squeeze %dma_start3A_171 : memref<1x96xi32, #tpu.memory_space<vmem>> -> memref<96xi32, #tpu.memory_space<vmem>>
      %dma_start3A_173 = arith.constant 0 : i32
      %dma_start3A_174 = arith.constant 0 : i32
      %dma_start3A_175 = tpu.memref_slice %arg2[%dma_start3A_173, %dma_start3A_174] : memref<10000x128xf32, #tpu.memory_space<hbm>> -> memref<10000x128xf32, #tpu.memory_space<hbm>>
      tpu.enqueue_indirect_dma source(%dma_start3A_175 : memref<10000x128xf32, #tpu.memory_space<hbm>>) target(%arg11 : memref<96x128xf32, #tpu.memory_space<vmem>>) offsets(%dma_start3A_172 : memref<96xi32, #tpu.memory_space<vmem>>) semaphore(%arg17 : memref<!tpu.dma_semaphore, #tpu.memory_space<semaphore_mem>>)
      %dma_wait3A_176 = arith.constant 0 : i32
      %dma_wait3A_177 = arith.constant 0 : i32
      %dma_wait3A_178 = tpu.memref_slice %arg6[%dma_wait3A_176, %dma_wait3A_177] : memref<2x96xi32, #tpu.memory_space<vmem>> -> memref<1x96xi32, #tpu.memory_space<vmem>>
      %dma_wait3A_179 = tpu.memref_squeeze %dma_wait3A_178 : memref<1x96xi32, #tpu.memory_space<vmem>> -> memref<96xi32, #tpu.memory_space<vmem>>
      %dma_wait3A_180 = arith.constant 0 : i32
      %dma_wait3A_181 = arith.constant 0 : i32
      %dma_wait3A_182 = tpu.memref_slice %arg2[%dma_wait3A_180, %dma_wait3A_181] : memref<10000x128xf32, #tpu.memory_space<hbm>> -> memref<10000x128xf32, #tpu.memory_space<hbm>>
      tpu.wait_indirect_dma semaphore(%arg16 : memref<!tpu.dma_semaphore, #tpu.memory_space<semaphore_mem>>) src(%dma_wait3A_182 : memref<10000x128xf32, #tpu.memory_space<hbm>>) dst(%arg10 : memref<96x128xf32, #tpu.memory_space<vmem>>)
      %run_scoped3A_183 = arith.constant 1 : i32
      "tpu.region"() ({
        %run_scoped3A_221 = tpu.sem_alloc : memref<!tpu.dma_semaphore, #tpu.memory_space<semaphore_mem>>
        %dma_start3A_222 = arith.constant 0 : i32
        %dma_start3A_223 = tpu.memref_slice %arg8[%run_scoped3A_183, %dma_start3A_222] : memref<2x96xi32, #tpu.memory_space<vmem>> -> memref<1x96xi32, #tpu.memory_space<vmem>>
        %dma_start3A_224 = tpu.memref_squeeze %dma_start3A_223 : memref<1x96xi32, #tpu.memory_space<vmem>> -> memref<96xi32, #tpu.memory_space<vmem>>
        %dma_start3A_225 = arith.constant 0 : i32
        %dma_start3A_226 = arith.constant 0 : i32
        %dma_start3A_227 = tpu.memref_slice %arg18[%dma_start3A_225, %dma_start3A_226] : memref<10112x128xf32, #tpu.memory_space<vmem_shared>> -> memref<10112x128xf32, #tpu.memory_space<vmem_shared>>
        tpu.enqueue_indirect_dma source(%arg10 : memref<96x128xf32, #tpu.memory_space<vmem>>) target(%dma_start3A_227 : memref<10112x128xf32, #tpu.memory_space<vmem_shared>>) offsets(%dma_start3A_224 : memref<96xi32, #tpu.memory_space<vmem>>) semaphore(%run_scoped3A_221 : memref<!tpu.dma_semaphore, #tpu.memory_space<semaphore_mem>>) {add = true}
        %dma_wait3A_228 = arith.constant 0 : i32
        %dma_wait3A_229 = tpu.memref_slice %arg8[%run_scoped3A_183, %dma_wait3A_228] : memref<2x96xi32, #tpu.memory_space<vmem>> -> memref<1x96xi32, #tpu.memory_space<vmem>>
        %dma_wait3A_230 = tpu.memref_squeeze %dma_wait3A_229 : memref<1x96xi32, #tpu.memory_space<vmem>> -> memref<96xi32, #tpu.memory_space<vmem>>
        %dma_wait3A_231 = arith.constant 0 : i32
        %dma_wait3A_232 = arith.constant 0 : i32
        %dma_wait3A_233 = tpu.memref_slice %arg18[%dma_wait3A_231, %dma_wait3A_232] : memref<10112x128xf32, #tpu.memory_space<vmem_shared>> -> memref<10112x128xf32, #tpu.memory_space<vmem_shared>>
        tpu.wait_indirect_dma semaphore(%run_scoped3A_221 : memref<!tpu.dma_semaphore, #tpu.memory_space<semaphore_mem>>) src(%arg10 : memref<96x128xf32, #tpu.memory_space<vmem>>) dst(%dma_wait3A_233 : memref<10112x128xf32, #tpu.memory_space<vmem_shared>>)
        tpu.yield
      }) : () -> ()
      %add3A_184 = arith.constant 6 : i32
      %add3A_185 = arith.addi %mul3A_103, %add3A_184 : i32
      %lt3A_186 = arith.constant 105 : i32
      %lt3A_187 = arith.cmpi slt, %add3A_185, %lt3A_186 : i32
      %convert_element_type3A_188 = arith.extui %lt3A_187 : i1 to i32
      %cond3A_189 = arith.constant 0 : i32
      %cond3A_190 = arith.cmpi ne, %convert_element_type3A_188, %cond3A_189 : i32
      scf.if %cond3A_190 {
        %add3A_221 = arith.addi %mul3A_2, %add3A_185 : i32
        %dma_start3A_222 = arith.constant 0 : i32
        %dma_start3A_223 = arith.constant 0 : i32
        %dma_start3A_224 = tpu.memref_slice %arg3[%add3A_221, %dma_start3A_222, %dma_start3A_223] : memref<3360x2x96xi32, #tpu.memory_space<hbm>> -> memref<1x2x96xi32, #tpu.memory_space<hbm>>
        %dma_start3A_225 = tpu.memref_squeeze %dma_start3A_224 : memref<1x2x96xi32, #tpu.memory_space<hbm>> -> memref<2x96xi32, #tpu.memory_space<hbm>>
        %dma_start3A_226 = arith.constant 0 : i32
        %dma_start3A_227 = arith.constant 0 : i32
        %dma_start3A_228 = tpu.memref_slice %arg3[%add3A_221, %dma_start3A_226, %dma_start3A_227] : memref<3360x2x96xi32, #tpu.memory_space<hbm>> -> memref<1x2x96xi32, #tpu.memory_space<hbm>>
        %dma_start3A_229 = tpu.memref_squeeze %dma_start3A_228 : memref<1x2x96xi32, #tpu.memory_space<hbm>> -> memref<2x96xi32, #tpu.memory_space<hbm>>
        tpu.enqueue_dma source(%dma_start3A_229 : memref<2x96xi32, #tpu.memory_space<hbm>>) target(%arg8 : memref<2x96xi32, #tpu.memory_space<vmem>>) target_semaphore(%arg14 : memref<!tpu.dma_semaphore, #tpu.memory_space<semaphore_mem>>)
      } else {
      }
      %dma_wait3A_191 = arith.constant 0 : i32
      %dma_wait3A_192 = arith.constant 0 : i32
      %dma_wait3A_193 = tpu.memref_slice %arg3[%mul3A_2, %dma_wait3A_191, %dma_wait3A_192] : memref<3360x2x96xi32, #tpu.memory_space<hbm>> -> memref<1x2x96xi32, #tpu.memory_space<hbm>>
      %dma_wait3A_194 = tpu.memref_squeeze %dma_wait3A_193 : memref<1x2x96xi32, #tpu.memory_space<hbm>> -> memref<2x96xi32, #tpu.memory_space<hbm>>
      %dma_wait3A_195 = arith.constant 0 : i32
      %dma_wait3A_196 = arith.constant 0 : i32
      %dma_wait3A_197 = tpu.memref_slice %arg3[%mul3A_2, %dma_wait3A_195, %dma_wait3A_196] : memref<3360x2x96xi32, #tpu.memory_space<hbm>> -> memref<1x2x96xi32, #tpu.memory_space<hbm>>
      %dma_wait3A_198 = tpu.memref_squeeze %dma_wait3A_197 : memref<1x2x96xi32, #tpu.memory_space<hbm>> -> memref<2x96xi32, #tpu.memory_space<hbm>>
      tpu.wait_dma2 semaphore(%arg12 : memref<!tpu.dma_semaphore, #tpu.memory_space<semaphore_mem>>) src(%dma_wait3A_198 : memref<2x96xi32, #tpu.memory_space<hbm>>) dst(%arg6 : memref<2x96xi32, #tpu.memory_space<vmem>>)
      %dma_start3A_199 = arith.constant 0 : i32
      %dma_start3A_200 = arith.constant 0 : i32
      %dma_start3A_201 = tpu.memref_slice %arg6[%dma_start3A_199, %dma_start3A_200] : memref<2x96xi32, #tpu.memory_space<vmem>> -> memref<1x96xi32, #tpu.memory_space<vmem>>
      %dma_start3A_202 = tpu.memref_squeeze %dma_start3A_201 : memref<1x96xi32, #tpu.memory_space<vmem>> -> memref<96xi32, #tpu.memory_space<vmem>>
      %dma_start3A_203 = arith.constant 0 : i32
      %dma_start3A_204 = arith.constant 0 : i32
      %dma_start3A_205 = tpu.memref_slice %arg2[%dma_start3A_203, %dma_start3A_204] : memref<10000x128xf32, #tpu.memory_space<hbm>> -> memref<10000x128xf32, #tpu.memory_space<hbm>>
      tpu.enqueue_indirect_dma source(%dma_start3A_205 : memref<10000x128xf32, #tpu.memory_space<hbm>>) target(%arg10 : memref<96x128xf32, #tpu.memory_space<vmem>>) offsets(%dma_start3A_202 : memref<96xi32, #tpu.memory_space<vmem>>) semaphore(%arg16 : memref<!tpu.dma_semaphore, #tpu.memory_space<semaphore_mem>>)
      %dma_wait3A_206 = arith.constant 0 : i32
      %dma_wait3A_207 = arith.constant 0 : i32
      %dma_wait3A_208 = tpu.memref_slice %arg6[%dma_wait3A_206, %dma_wait3A_207] : memref<2x96xi32, #tpu.memory_space<vmem>> -> memref<1x96xi32, #tpu.memory_space<vmem>>
      %dma_wait3A_209 = tpu.memref_squeeze %dma_wait3A_208 : memref<1x96xi32, #tpu.memory_space<vmem>> -> memref<96xi32, #tpu.memory_space<vmem>>
      %dma_wait3A_210 = arith.constant 0 : i32
      %dma_wait3A_211 = arith.constant 0 : i32
      %dma_wait3A_212 = tpu.memref_slice %arg2[%dma_wait3A_210, %dma_wait3A_211] : memref<10000x128xf32, #tpu.memory_space<hbm>> -> memref<10000x128xf32, #tpu.memory_space<hbm>>
      tpu.wait_indirect_dma semaphore(%arg17 : memref<!tpu.dma_semaphore, #tpu.memory_space<semaphore_mem>>) src(%dma_wait3A_212 : memref<10000x128xf32, #tpu.memory_space<hbm>>) dst(%arg11 : memref<96x128xf32, #tpu.memory_space<vmem>>)
      %run_scoped3A_213 = arith.constant 1 : i32
      "tpu.region"() ({
        %run_scoped3A_221 = tpu.sem_alloc : memref<!tpu.dma_semaphore, #tpu.memory_space<semaphore_mem>>
        %dma_start3A_222 = arith.constant 0 : i32
        %dma_start3A_223 = tpu.memref_slice %arg9[%run_scoped3A_213, %dma_start3A_222] : memref<2x96xi32, #tpu.memory_space<vmem>> -> memref<1x96xi32, #tpu.memory_space<vmem>>
        %dma_start3A_224 = tpu.memref_squeeze %dma_start3A_223 : memref<1x96xi32, #tpu.memory_space<vmem>> -> memref<96xi32, #tpu.memory_space<vmem>>
        %dma_start3A_225 = arith.constant 0 : i32
        %dma_start3A_226 = arith.constant 0 : i32
        %dma_start3A_227 = tpu.memref_slice %arg18[%dma_start3A_225, %dma_start3A_226] : memref<10112x128xf32, #tpu.memory_space<vmem_shared>> -> memref<10112x128xf32, #tpu.memory_space<vmem_shared>>
        tpu.enqueue_indirect_dma source(%arg11 : memref<96x128xf32, #tpu.memory_space<vmem>>) target(%dma_start3A_227 : memref<10112x128xf32, #tpu.memory_space<vmem_shared>>) offsets(%dma_start3A_224 : memref<96xi32, #tpu.memory_space<vmem>>) semaphore(%run_scoped3A_221 : memref<!tpu.dma_semaphore, #tpu.memory_space<semaphore_mem>>) {add = true}
        %dma_wait3A_228 = arith.constant 0 : i32
        %dma_wait3A_229 = tpu.memref_slice %arg9[%run_scoped3A_213, %dma_wait3A_228] : memref<2x96xi32, #tpu.memory_space<vmem>> -> memref<1x96xi32, #tpu.memory_space<vmem>>
        %dma_wait3A_230 = tpu.memref_squeeze %dma_wait3A_229 : memref<1x96xi32, #tpu.memory_space<vmem>> -> memref<96xi32, #tpu.memory_space<vmem>>
        %dma_wait3A_231 = arith.constant 0 : i32
        %dma_wait3A_232 = arith.constant 0 : i32
        %dma_wait3A_233 = tpu.memref_slice %arg18[%dma_wait3A_231, %dma_wait3A_232] : memref<10112x128xf32, #tpu.memory_space<vmem_shared>> -> memref<10112x128xf32, #tpu.memory_space<vmem_shared>>
        tpu.wait_indirect_dma semaphore(%run_scoped3A_221 : memref<!tpu.dma_semaphore, #tpu.memory_space<semaphore_mem>>) src(%arg11 : memref<96x128xf32, #tpu.memory_space<vmem>>) dst(%dma_wait3A_233 : memref<10112x128xf32, #tpu.memory_space<vmem_shared>>)
        tpu.yield
      }) : () -> ()
      %add3A_214 = arith.constant 7 : i32
      %add3A_215 = arith.addi %mul3A_103, %add3A_214 : i32
      %lt3A_216 = arith.constant 105 : i32
      %lt3A_217 = arith.cmpi slt, %add3A_215, %lt3A_216 : i32
      %convert_element_type3A_218 = arith.extui %lt3A_217 : i1 to i32
      %cond3A_219 = arith.constant 0 : i32
      %cond3A_220 = arith.cmpi ne, %convert_element_type3A_218, %cond3A_219 : i32
      scf.if %cond3A_220 {
        %add3A_221 = arith.addi %mul3A_2, %add3A_215 : i32
        %dma_start3A_222 = arith.constant 0 : i32
        %dma_start3A_223 = arith.constant 0 : i32
        %dma_start3A_224 = tpu.memref_slice %arg3[%add3A_221, %dma_start3A_222, %dma_start3A_223] : memref<3360x2x96xi32, #tpu.memory_space<hbm>> -> memref<1x2x96xi32, #tpu.memory_space<hbm>>
        %dma_start3A_225 = tpu.memref_squeeze %dma_start3A_224 : memref<1x2x96xi32, #tpu.memory_space<hbm>> -> memref<2x96xi32, #tpu.memory_space<hbm>>
        %dma_start3A_226 = arith.constant 0 : i32
        %dma_start3A_227 = arith.constant 0 : i32
        %dma_start3A_228 = tpu.memref_slice %arg3[%add3A_221, %dma_start3A_226, %dma_start3A_227] : memref<3360x2x96xi32, #tpu.memory_space<hbm>> -> memref<1x2x96xi32, #tpu.memory_space<hbm>>
        %dma_start3A_229 = tpu.memref_squeeze %dma_start3A_228 : memref<1x2x96xi32, #tpu.memory_space<hbm>> -> memref<2x96xi32, #tpu.memory_space<hbm>>
        tpu.enqueue_dma source(%dma_start3A_229 : memref<2x96xi32, #tpu.memory_space<hbm>>) target(%arg9 : memref<2x96xi32, #tpu.memory_space<vmem>>) target_semaphore(%arg15 : memref<!tpu.dma_semaphore, #tpu.memory_space<semaphore_mem>>)
      } else {
      }
    }
    %scan3A_88 = arith.constant 26 : i32
    %dma_wait3A_89 = arith.constant 0 : i32
    %dma_wait3A_90 = arith.constant 0 : i32
    %dma_wait3A_91 = tpu.memref_slice %arg6[%dma_wait3A_89, %dma_wait3A_90] : memref<2x96xi32, #tpu.memory_space<vmem>> -> memref<1x96xi32, #tpu.memory_space<vmem>>
    %dma_wait3A_92 = tpu.memref_squeeze %dma_wait3A_91 : memref<1x96xi32, #tpu.memory_space<vmem>> -> memref<96xi32, #tpu.memory_space<vmem>>
    %dma_wait3A_93 = arith.constant 0 : i32
    %dma_wait3A_94 = arith.constant 0 : i32
    %dma_wait3A_95 = tpu.memref_slice %arg2[%dma_wait3A_93, %dma_wait3A_94] : memref<10000x128xf32, #tpu.memory_space<hbm>> -> memref<10000x128xf32, #tpu.memory_space<hbm>>
    tpu.wait_indirect_dma semaphore(%arg16 : memref<!tpu.dma_semaphore, #tpu.memory_space<semaphore_mem>>) src(%dma_wait3A_95 : memref<10000x128xf32, #tpu.memory_space<hbm>>) dst(%arg10 : memref<96x128xf32, #tpu.memory_space<vmem>>)
    %run_scoped3A = arith.constant 1 : i32
    "tpu.region"() ({
      %run_scoped3A_101 = tpu.sem_alloc : memref<!tpu.dma_semaphore, #tpu.memory_space<semaphore_mem>>
      %dma_start3A_102 = arith.constant 0 : i32
      %dma_start3A_103 = tpu.memref_slice %arg6[%run_scoped3A, %dma_start3A_102] : memref<2x96xi32, #tpu.memory_space<vmem>> -> memref<1x96xi32, #tpu.memory_space<vmem>>
      %dma_start3A_104 = tpu.memref_squeeze %dma_start3A_103 : memref<1x96xi32, #tpu.memory_space<vmem>> -> memref<96xi32, #tpu.memory_space<vmem>>
      %dma_start3A_105 = arith.constant 0 : i32
      %dma_start3A_106 = arith.constant 0 : i32
      %dma_start3A_107 = tpu.memref_slice %arg18[%dma_start3A_105, %dma_start3A_106] : memref<10112x128xf32, #tpu.memory_space<vmem_shared>> -> memref<10112x128xf32, #tpu.memory_space<vmem_shared>>
      tpu.enqueue_indirect_dma source(%arg10 : memref<96x128xf32, #tpu.memory_space<vmem>>) target(%dma_start3A_107 : memref<10112x128xf32, #tpu.memory_space<vmem_shared>>) offsets(%dma_start3A_104 : memref<96xi32, #tpu.memory_space<vmem>>) semaphore(%run_scoped3A_101 : memref<!tpu.dma_semaphore, #tpu.memory_space<semaphore_mem>>) {add = true}
      %dma_wait3A_108 = arith.constant 0 : i32
      %dma_wait3A_109 = tpu.memref_slice %arg6[%run_scoped3A, %dma_wait3A_108] : memref<2x96xi32, #tpu.memory_space<vmem>> -> memref<1x96xi32, #tpu.memory_space<vmem>>
      %dma_wait3A_110 = tpu.memref_squeeze %dma_wait3A_109 : memref<1x96xi32, #tpu.memory_space<vmem>> -> memref<96xi32, #tpu.memory_space<vmem>>
      %dma_wait3A_111 = arith.constant 0 : i32
      %dma_wait3A_112 = arith.constant 0 : i32
      %dma_wait3A_113 = tpu.memref_slice %arg18[%dma_wait3A_111, %dma_wait3A_112] : memref<10112x128xf32, #tpu.memory_space<vmem_shared>> -> memref<10112x128xf32, #tpu.memory_space<vmem_shared>>
      tpu.wait_indirect_dma semaphore(%run_scoped3A_101 : memref<!tpu.dma_semaphore, #tpu.memory_space<semaphore_mem>>) src(%arg10 : memref<96x128xf32, #tpu.memory_space<vmem>>) dst(%dma_wait3A_113 : memref<10112x128xf32, #tpu.memory_space<vmem_shared>>)
      tpu.yield
    }) : () -> ()
    %barrier3A_96 = arith.constant 0 : index
    tpu.barrier barrier_id(%barrier3A_96)
    %mul3A_97 = arith.constant 632 : i32
    %mul3A_98 = arith.muli %arg1, %mul3A_97 : i32
    %mul3A_99 = arith.constant 632 : i32
    %mul3A_100 = arith.muli %arg1, %mul3A_99 : i32
    "tpu.region"() ({
      %run_scoped3A_101 = tpu.sem_alloc : memref<!tpu.dma_semaphore, #tpu.memory_space<semaphore_mem>>
      %dma_start3A_102 = arith.constant 0 : i32
      %dma_start3A_103 = tpu.memref_slice %arg5[%arg0, %mul3A_100, %dma_start3A_102] : memref<2x10112x128xf32, #tpu.memory_space<hbm>> -> memref<1x632x128xf32, #tpu.memory_space<hbm>>
      %dma_start3A_104 = tpu.memref_squeeze %dma_start3A_103 : memref<1x632x128xf32, #tpu.memory_space<hbm>> -> memref<632x128xf32, #tpu.memory_space<hbm>>
      %dma_start3A_105 = arith.constant 0 : i32
      %dma_start3A_106 = tpu.memref_slice %arg18[%mul3A_98, %dma_start3A_105] : memref<10112x128xf32, #tpu.memory_space<vmem_shared>> -> memref<632x128xf32, #tpu.memory_space<vmem_shared>>
      tpu.enqueue_dma source(%dma_start3A_106 : memref<632x128xf32, #tpu.memory_space<vmem_shared>>) target(%dma_start3A_104 : memref<632x128xf32, #tpu.memory_space<hbm>>) target_semaphore(%run_scoped3A_101 : memref<!tpu.dma_semaphore, #tpu.memory_space<semaphore_mem>>)
      %dma_wait3A_107 = arith.constant 0 : i32
      %dma_wait3A_108 = tpu.memref_slice %arg5[%arg0, %mul3A_100, %dma_wait3A_107] : memref<2x10112x128xf32, #tpu.memory_space<hbm>> -> memref<1x632x128xf32, #tpu.memory_space<hbm>>
      %dma_wait3A_109 = tpu.memref_squeeze %dma_wait3A_108 : memref<1x632x128xf32, #tpu.memory_space<hbm>> -> memref<632x128xf32, #tpu.memory_space<hbm>>
      %dma_wait3A_110 = arith.constant 0 : i32
      %dma_wait3A_111 = tpu.memref_slice %arg18[%mul3A_98, %dma_wait3A_110] : memref<10112x128xf32, #tpu.memory_space<vmem_shared>> -> memref<632x128xf32, #tpu.memory_space<vmem_shared>>
      tpu.wait_dma2 semaphore(%run_scoped3A_101 : memref<!tpu.dma_semaphore, #tpu.memory_space<semaphore_mem>>) src(%dma_wait3A_111 : memref<632x128xf32, #tpu.memory_space<vmem_shared>>) dst(%dma_wait3A_109 : memref<632x128xf32, #tpu.memory_space<hbm>>)
      tpu.yield
    }) : () -> ()
    return
  }
}

module attributes {stable_mosaic.version = 14 : i64} {
  func.func @_mlp_body(%arg0: i32, %arg1: memref<1000x128xf32, #tpu.memory_space<vmem>>, %arg2: memref<1000x128xf32, #tpu.memory_space<vmem>>, %arg3: memref<1000x128xf32, #tpu.memory_space<vmem>>, %arg4: memref<128x128xf32, #tpu.memory_space<vmem>>, %arg5: memref<1x128xf32, #tpu.memory_space<vmem>>, %arg6: memref<128x128xf32, #tpu.memory_space<vmem>>, %arg7: memref<1x128xf32, #tpu.memory_space<vmem>>, %arg8: memref<1000x128xf32, #tpu.memory_space<vmem>>) attributes {dimension_semantics = [#tpu.dimension_semantics<arbitrary>], iteration_bounds = array<i64: 10>, scalar_prefetch = 0 : i64, scratch_operands = 0 : i64, tpu.core_type = #tpu.core_type<tc>, window_params = [{transform_indices = @transform_0, window_bounds = array<i64: 1000, 128>}, {transform_indices = @transform_1, window_bounds = array<i64: 1000, 128>}, {transform_indices = @transform_2, window_bounds = array<i64: 1000, 128>}, {pipeline_mode = #tpu.pipeline_mode<synchronous>, transform_indices = @transform_3, window_bounds = array<i64: 128, 128>}, {pipeline_mode = #tpu.pipeline_mode<synchronous>, transform_indices = @transform_4, window_bounds = array<i64: 1, 128>}, {pipeline_mode = #tpu.pipeline_mode<synchronous>, transform_indices = @transform_5, window_bounds = array<i64: 128, 128>}, {pipeline_mode = #tpu.pipeline_mode<synchronous>, transform_indices = @transform_6, window_bounds = array<i64: 1, 128>}, {transform_indices = @transform_7, window_bounds = array<i64: 1000, 128>}]} {
    %get3A = arith.constant 0 : index
    %get3A_0 = arith.constant 0 : index
    %get3A_1 = vector.load %arg1[%get3A, %get3A_0] : memref<1000x128xf32, #tpu.memory_space<vmem>>, vector<1000x128xf32>
    %get3A_2 = arith.constant 0 : index
    %get3A_3 = arith.constant 0 : index
    %get3A_4 = vector.load %arg2[%get3A_2, %get3A_3] : memref<1000x128xf32, #tpu.memory_space<vmem>>, vector<1000x128xf32>
    %add3A = arith.addf %get3A_1, %get3A_4 : vector<1000x128xf32>
    %get3A_5 = arith.constant 0 : index
    %get3A_6 = arith.constant 0 : index
    %get3A_7 = vector.load %arg3[%get3A_5, %get3A_6] : memref<1000x128xf32, #tpu.memory_space<vmem>>, vector<1000x128xf32>
    %add3A_8 = arith.addf %add3A, %get3A_7 : vector<1000x128xf32>
    %get3A_9 = arith.constant 0 : index
    %get3A_10 = arith.constant 0 : index
    %get3A_11 = vector.load %arg4[%get3A_9, %get3A_10] : memref<128x128xf32, #tpu.memory_space<vmem>>, vector<128x128xf32>
    %dot_general3A = arith.constant dense<0.000000e+00> : vector<1000x128xf32>
    %dot_general3A_12 = tpu.matmul %add3A_8, %get3A_11, %dot_general3A {dimension_numbers = #tpu.dot_dimension_numbers<[1], [0], [0], [1], [0, 0, 1, 1], [], []>, transpose_lhs_hint = false} : vector<1000x128xf32>, vector<128x128xf32>, vector<1000x128xf32> -> vector<1000x128xf32>
    %get3A_13 = arith.constant 0 : index
    %get3A_14 = arith.constant 0 : index
    %get3A_15 = vector.load %arg5[%get3A_13, %get3A_14] : memref<1x128xf32, #tpu.memory_space<vmem>>, vector<1x128xf32>
    %add3A_16 = vector.broadcast %get3A_15 : vector<1x128xf32> to vector<1000x128xf32>
    %add3A_17 = arith.addf %dot_general3A_12, %add3A_16 : vector<1000x128xf32>
    %max3A = arith.constant 0.000000e+00 : f32
    %max3A_18 = vector.broadcast %max3A : f32 to vector<1000x128xf32>
    %max3A_19 = arith.maximumf %add3A_17, %max3A_18 : vector<1000x128xf32>
    %get3A_20 = arith.constant 0 : index
    %get3A_21 = arith.constant 0 : index
    %get3A_22 = vector.load %arg6[%get3A_20, %get3A_21] : memref<128x128xf32, #tpu.memory_space<vmem>>, vector<128x128xf32>
    %dot_general3A_23 = arith.constant dense<0.000000e+00> : vector<1000x128xf32>
    %dot_general3A_24 = tpu.matmul %max3A_19, %get3A_22, %dot_general3A_23 {dimension_numbers = #tpu.dot_dimension_numbers<[1], [0], [0], [1], [0, 0, 1, 1], [], []>, transpose_lhs_hint = false} : vector<1000x128xf32>, vector<128x128xf32>, vector<1000x128xf32> -> vector<1000x128xf32>
    %get3A_25 = arith.constant 0 : index
    %get3A_26 = arith.constant 0 : index
    %get3A_27 = vector.load %arg7[%get3A_25, %get3A_26] : memref<1x128xf32, #tpu.memory_space<vmem>>, vector<1x128xf32>
    %add3A_28 = vector.broadcast %get3A_27 : vector<1x128xf32> to vector<1000x128xf32>
    %add3A_29 = arith.addf %dot_general3A_24, %add3A_28 : vector<1000x128xf32>
    %max3A_30 = arith.constant 0.000000e+00 : f32
    %max3A_31 = vector.broadcast %max3A_30 : f32 to vector<1000x128xf32>
    %max3A_32 = arith.maximumf %add3A_29, %max3A_31 : vector<1000x128xf32>
    %swap3A = arith.constant 0 : index
    %swap3A_33 = arith.constant 0 : index
    %swap3A_34 = vector.load %arg8[%swap3A, %swap3A_33] : memref<1000x128xf32, #tpu.memory_space<vmem>>, vector<1000x128xf32>
    tpu.vector_store %arg8[%swap3A, %swap3A_33], %max3A_32 {strides = array<i32>} : memref<1000x128xf32, #tpu.memory_space<vmem>>, vector<1000x128xf32>,
    return
  }
  func.func @transform_0(%arg0: i32) -> (i32, i32) {
    %c0_i32 = arith.constant 0 : i32
    %c0_i32_0 = arith.constant 0 : i32
    return %arg0, %c0_i32 : i32, i32
  }
  func.func @transform_1(%arg0: i32) -> (i32, i32) {
    %c0_i32 = arith.constant 0 : i32
    %c0_i32_0 = arith.constant 0 : i32
    return %arg0, %c0_i32 : i32, i32
  }
  func.func @transform_2(%arg0: i32) -> (i32, i32) {
    %c0_i32 = arith.constant 0 : i32
    %c0_i32_0 = arith.constant 0 : i32
    return %arg0, %c0_i32 : i32, i32
  }
  func.func @transform_3(%arg0: i32) -> (i32, i32) {
    %c0_i32 = arith.constant 0 : i32
    %c0_i32_0 = arith.constant 0 : i32
    %c0_i32_1 = arith.constant 0 : i32
    return %c0_i32, %c0_i32_0 : i32, i32
  }
  func.func @transform_4(%arg0: i32) -> (i32, i32) {
    %c0_i32 = arith.constant 0 : i32
    %c0_i32_0 = arith.constant 0 : i32
    %c0_i32_1 = arith.constant 0 : i32
    return %c0_i32, %c0_i32_0 : i32, i32
  }
  func.func @transform_5(%arg0: i32) -> (i32, i32) {
    %c0_i32 = arith.constant 0 : i32
    %c0_i32_0 = arith.constant 0 : i32
    %c0_i32_1 = arith.constant 0 : i32
    return %c0_i32, %c0_i32_0 : i32, i32
  }
  func.func @transform_6(%arg0: i32) -> (i32, i32) {
    %c0_i32 = arith.constant 0 : i32
    %c0_i32_0 = arith.constant 0 : i32
    %c0_i32_1 = arith.constant 0 : i32
    return %c0_i32, %c0_i32_0 : i32, i32
  }
  func.func @transform_7(%arg0: i32) -> (i32, i32) {
    %c0_i32 = arith.constant 0 : i32
    %c0_i32_0 = arith.constant 0 : i32
    return %arg0, %c0_i32 : i32, i32
  }
}

module attributes {stable_mosaic.version = 14 : i64} {
  func.func @_mlp_pool_body(%arg0: i32, %arg1: memref<1000x128xf32, #tpu.memory_space<vmem>>, %arg2: memref<1000x128xf32, #tpu.memory_space<vmem>>, %arg3: memref<1000x128xf32, #tpu.memory_space<vmem>>, %arg4: memref<128x128xf32, #tpu.memory_space<vmem>>, %arg5: memref<1x128xf32, #tpu.memory_space<vmem>>, %arg6: memref<128x128xf32, #tpu.memory_space<vmem>>, %arg7: memref<1x128xf32, #tpu.memory_space<vmem>>, %arg8: memref<1x1x1000xi32, #tpu.memory_space<vmem>>, %arg9: memref<64x128xf32, #tpu.memory_space<vmem>>, %arg10: memref<64x128xf32, #tpu.memory_space<vmem>>, %arg11: memref<64x1xf32, #tpu.memory_space<vmem>>) attributes {dimension_semantics = [#tpu.dimension_semantics<arbitrary>], iteration_bounds = array<i64: 10>, scalar_prefetch = 0 : i64, scratch_operands = 2 : i64, tpu.core_type = #tpu.core_type<tc>, window_params = [{transform_indices = @transform_0, window_bounds = array<i64: 1000, 128>}, {transform_indices = @transform_1, window_bounds = array<i64: 1000, 128>}, {transform_indices = @transform_2, window_bounds = array<i64: 1000, 128>}, {pipeline_mode = #tpu.pipeline_mode<synchronous>, transform_indices = @transform_3, window_bounds = array<i64: 128, 128>}, {pipeline_mode = #tpu.pipeline_mode<synchronous>, transform_indices = @transform_4, window_bounds = array<i64: 1, 128>}, {pipeline_mode = #tpu.pipeline_mode<synchronous>, transform_indices = @transform_5, window_bounds = array<i64: 128, 128>}, {pipeline_mode = #tpu.pipeline_mode<synchronous>, transform_indices = @transform_6, window_bounds = array<i64: 1, 128>}, {transform_indices = @transform_7, window_bounds = array<i64: 1, 1, 1000>}, {pipeline_mode = #tpu.pipeline_mode<synchronous>, transform_indices = @transform_8, window_bounds = array<i64: 64, 128>}]} {
    %eq3A = arith.constant 0 : i32
    %eq3A_0 = arith.cmpi eq, %arg0, %eq3A : i32
    %convert_element_type3A = arith.extui %eq3A_0 : i1 to i32
    %cond3A = arith.constant 0 : i32
    %cond3A_1 = arith.cmpi ne, %convert_element_type3A, %cond3A : i32
    scf.if %cond3A_1 {
      %broadcast_in_dim3A_61 = arith.constant 0.000000e+00 : f32
      %broadcast_in_dim3A_62 = vector.broadcast %broadcast_in_dim3A_61 : f32 to vector<64x128xf32>
      %swap3A_63 = arith.constant 0 : index
      %swap3A_64 = arith.constant 0 : index
      %swap3A_65 = vector.load %arg10[%swap3A_63, %swap3A_64] : memref<64x128xf32, #tpu.memory_space<vmem>>, vector<64x128xf32>
      tpu.vector_store %arg10[%swap3A_63, %swap3A_64], %broadcast_in_dim3A_62 {strides = array<i32>} : memref<64x128xf32, #tpu.memory_space<vmem>>, vector<64x128xf32>,
      %broadcast_in_dim3A_66 = arith.constant 0.000000e+00 : f32
      %broadcast_in_dim3A_67 = vector.broadcast %broadcast_in_dim3A_66 : f32 to vector<64x1xf32>
      %swap3A_68 = arith.constant 0 : index
      %swap3A_69 = arith.constant 0 : index
      %swap3A_70 = vector.load %arg11[%swap3A_68, %swap3A_69] : memref<64x1xf32, #tpu.memory_space<vmem>>, vector<64x1xf32>
      tpu.vector_store %arg11[%swap3A_68, %swap3A_69], %broadcast_in_dim3A_67 {strides = array<i32>} : memref<64x1xf32, #tpu.memory_space<vmem>>, vector<64x1xf32>,
    } else {
    }
    %get3A = arith.constant 0 : index
    %get3A_2 = arith.constant 0 : index
    %get3A_3 = vector.load %arg1[%get3A, %get3A_2] : memref<1000x128xf32, #tpu.memory_space<vmem>>, vector<1000x128xf32>
    %get3A_4 = arith.constant 0 : index
    %get3A_5 = arith.constant 0 : index
    %get3A_6 = vector.load %arg2[%get3A_4, %get3A_5] : memref<1000x128xf32, #tpu.memory_space<vmem>>, vector<1000x128xf32>
    %add3A = arith.addf %get3A_3, %get3A_6 : vector<1000x128xf32>
    %get3A_7 = arith.constant 0 : index
    %get3A_8 = arith.constant 0 : index
    %get3A_9 = vector.load %arg3[%get3A_7, %get3A_8] : memref<1000x128xf32, #tpu.memory_space<vmem>>, vector<1000x128xf32>
    %add3A_10 = arith.addf %add3A, %get3A_9 : vector<1000x128xf32>
    %get3A_11 = arith.constant 0 : index
    %get3A_12 = arith.constant 0 : index
    %get3A_13 = vector.load %arg4[%get3A_11, %get3A_12] : memref<128x128xf32, #tpu.memory_space<vmem>>, vector<128x128xf32>
    %dot_general3A = arith.constant dense<0.000000e+00> : vector<1000x128xf32>
    %dot_general3A_14 = tpu.matmul %add3A_10, %get3A_13, %dot_general3A {dimension_numbers = #tpu.dot_dimension_numbers<[1], [0], [0], [1], [0, 0, 1, 1], [], []>, transpose_lhs_hint = false} : vector<1000x128xf32>, vector<128x128xf32>, vector<1000x128xf32> -> vector<1000x128xf32>
    %get3A_15 = arith.constant 0 : index
    %get3A_16 = arith.constant 0 : index
    %get3A_17 = vector.load %arg5[%get3A_15, %get3A_16] : memref<1x128xf32, #tpu.memory_space<vmem>>, vector<1x128xf32>
    %add3A_18 = vector.broadcast %get3A_17 : vector<1x128xf32> to vector<1000x128xf32>
    %add3A_19 = arith.addf %dot_general3A_14, %add3A_18 : vector<1000x128xf32>
    %max3A = arith.constant 0.000000e+00 : f32
    %max3A_20 = vector.broadcast %max3A : f32 to vector<1000x128xf32>
    %max3A_21 = arith.maximumf %add3A_19, %max3A_20 : vector<1000x128xf32>
    %get3A_22 = arith.constant 0 : index
    %get3A_23 = arith.constant 0 : index
    %get3A_24 = vector.load %arg6[%get3A_22, %get3A_23] : memref<128x128xf32, #tpu.memory_space<vmem>>, vector<128x128xf32>
    %dot_general3A_25 = arith.constant dense<0.000000e+00> : vector<1000x128xf32>
    %dot_general3A_26 = tpu.matmul %max3A_21, %get3A_24, %dot_general3A_25 {dimension_numbers = #tpu.dot_dimension_numbers<[1], [0], [0], [1], [0, 0, 1, 1], [], []>, transpose_lhs_hint = false} : vector<1000x128xf32>, vector<128x128xf32>, vector<1000x128xf32> -> vector<1000x128xf32>
    %get3A_27 = arith.constant 0 : index
    %get3A_28 = arith.constant 0 : index
    %get3A_29 = vector.load %arg7[%get3A_27, %get3A_28] : memref<1x128xf32, #tpu.memory_space<vmem>>, vector<1x128xf32>
    %add3A_30 = vector.broadcast %get3A_29 : vector<1x128xf32> to vector<1000x128xf32>
    %add3A_31 = arith.addf %dot_general3A_26, %add3A_30 : vector<1000x128xf32>
    %get3A_32 = arith.constant 0 : index
    %get3A_33 = arith.constant 0 : index
    %get3A_34 = arith.constant 0 : index
    %get3A_35 = vector.load %arg8[%get3A_32, %get3A_33, %get3A_34] : memref<1x1x1000xi32, #tpu.memory_space<vmem>>, vector<1x1x1000xi32>
    %reshape3A = vector.shape_cast %get3A_35 : vector<1x1x1000xi32> to vector<1x1000xi32>
    %iota3A = tpu.iota {dimensions = array<i32: 0>} : vector<64x1000xi32>
    %eq3A_36 = vector.broadcast %reshape3A : vector<1x1000xi32> to vector<64x1000xi32>
    %eq3A_37 = arith.cmpi eq, %eq3A_36, %iota3A : vector<64x1000xi32>
    %convert_element_type3A_38 = arith.extui %eq3A_37 : vector<64x1000xi1> to vector<64x1000xi32>
    %convert_element_type3A_39 = arith.sitofp %convert_element_type3A_38 : vector<64x1000xi32> to vector<64x1000xf32>
    %get3A_40 = arith.constant 0 : index
    %get3A_41 = arith.constant 0 : index
    %get3A_42 = vector.load %arg10[%get3A_40, %get3A_41] : memref<64x128xf32, #tpu.memory_space<vmem>>, vector<64x128xf32>
    %dot_general3A_43 = arith.constant dense<0.000000e+00> : vector<64x128xf32>
    %dot_general3A_44 = tpu.matmul %convert_element_type3A_39, %add3A_31, %dot_general3A_43 {dimension_numbers = #tpu.dot_dimension_numbers<[1], [0], [0], [1], [0, 0, 1, 1], [], []>, transpose_lhs_hint = false} : vector<64x1000xf32>, vector<1000x128xf32>, vector<64x128xf32> -> vector<64x128xf32>
    %add3A_45 = arith.addf %get3A_42, %dot_general3A_44 : vector<64x128xf32>
    %swap3A = arith.constant 0 : index
    %swap3A_46 = arith.constant 0 : index
    %swap3A_47 = vector.load %arg10[%swap3A, %swap3A_46] : memref<64x128xf32, #tpu.memory_space<vmem>>, vector<64x128xf32>
    tpu.vector_store %arg10[%swap3A, %swap3A_46], %add3A_45 {strides = array<i32>} : memref<64x128xf32, #tpu.memory_space<vmem>>, vector<64x128xf32>,
    %get3A_48 = arith.constant 0 : index
    %get3A_49 = arith.constant 0 : index
    %get3A_50 = vector.load %arg11[%get3A_48, %get3A_49] : memref<64x1xf32, #tpu.memory_space<vmem>>, vector<64x1xf32>
    %reduce_sum3A = arith.constant dense<0.000000e+00> : vector<64xf32>
    %reduce_sum3A_51 = vector.multi_reduction <add>, %convert_element_type3A_39, %reduce_sum3A [1] : vector<64x1000xf32> to vector<64xf32>
    %broadcast_in_dim3A = vector.shape_cast %reduce_sum3A_51 : vector<64xf32> to vector<64x1xf32>
    %add3A_52 = arith.addf %get3A_50, %broadcast_in_dim3A : vector<64x1xf32>
    %swap3A_53 = arith.constant 0 : index
    %swap3A_54 = arith.constant 0 : index
    %swap3A_55 = vector.load %arg11[%swap3A_53, %swap3A_54] : memref<64x1xf32, #tpu.memory_space<vmem>>, vector<64x1xf32>
    tpu.vector_store %arg11[%swap3A_53, %swap3A_54], %add3A_52 {strides = array<i32>} : memref<64x1xf32, #tpu.memory_space<vmem>>, vector<64x1xf32>,
    %eq3A_56 = arith.constant 9 : i32
    %eq3A_57 = arith.cmpi eq, %arg0, %eq3A_56 : i32
    %convert_element_type3A_58 = arith.extui %eq3A_57 : i1 to i32
    %cond3A_59 = arith.constant 0 : i32
    %cond3A_60 = arith.cmpi ne, %convert_element_type3A_58, %cond3A_59 : i32
    scf.if %cond3A_60 {
      %get3A_61 = arith.constant 0 : index
      %get3A_62 = arith.constant 0 : index
      %get3A_63 = vector.load %arg10[%get3A_61, %get3A_62] : memref<64x128xf32, #tpu.memory_space<vmem>>, vector<64x128xf32>
      %get3A_64 = arith.constant 0 : index
      %get3A_65 = arith.constant 0 : index
      %get3A_66 = vector.load %arg11[%get3A_64, %get3A_65] : memref<64x1xf32, #tpu.memory_space<vmem>>, vector<64x1xf32>
      %max3A_67 = arith.constant 1.000000e+00 : f32
      %max3A_68 = vector.broadcast %max3A_67 : f32 to vector<64x1xf32>
      %max3A_69 = arith.maximumf %get3A_66, %max3A_68 : vector<64x1xf32>
      %div3A = vector.broadcast %max3A_69 : vector<64x1xf32> to vector<64x128xf32>
      %div3A_70 = arith.divf %get3A_63, %div3A : vector<64x128xf32>
      %swap3A_71 = arith.constant 0 : index
      %swap3A_72 = arith.constant 0 : index
      %swap3A_73 = vector.load %arg9[%swap3A_71, %swap3A_72] : memref<64x128xf32, #tpu.memory_space<vmem>>, vector<64x128xf32>
      tpu.vector_store %arg9[%swap3A_71, %swap3A_72], %div3A_70 {strides = array<i32>} : memref<64x128xf32, #tpu.memory_space<vmem>>, vector<64x128xf32>,
    } else {
    }
    return
  }
  func.func @transform_0(%arg0: i32) -> (i32, i32) {
    %c0_i32 = arith.constant 0 : i32
    %c0_i32_0 = arith.constant 0 : i32
    return %arg0, %c0_i32 : i32, i32
  }
  func.func @transform_1(%arg0: i32) -> (i32, i32) {
    %c0_i32 = arith.constant 0 : i32
    %c0_i32_0 = arith.constant 0 : i32
    return %arg0, %c0_i32 : i32, i32
  }
  func.func @transform_2(%arg0: i32) -> (i32, i32) {
    %c0_i32 = arith.constant 0 : i32
    %c0_i32_0 = arith.constant 0 : i32
    return %arg0, %c0_i32 : i32, i32
  }
  func.func @transform_3(%arg0: i32) -> (i32, i32) {
    %c0_i32 = arith.constant 0 : i32
    %c0_i32_0 = arith.constant 0 : i32
    %c0_i32_1 = arith.constant 0 : i32
    return %c0_i32, %c0_i32_0 : i32, i32
  }
  func.func @transform_4(%arg0: i32) -> (i32, i32) {
    %c0_i32 = arith.constant 0 : i32
    %c0_i32_0 = arith.constant 0 : i32
    %c0_i32_1 = arith.constant 0 : i32
    return %c0_i32, %c0_i32_0 : i32, i32
  }
  func.func @transform_5(%arg0: i32) -> (i32, i32) {
    %c0_i32 = arith.constant 0 : i32
    %c0_i32_0 = arith.constant 0 : i32
    %c0_i32_1 = arith.constant 0 : i32
    return %c0_i32, %c0_i32_0 : i32, i32
  }
  func.func @transform_6(%arg0: i32) -> (i32, i32) {
    %c0_i32 = arith.constant 0 : i32
    %c0_i32_0 = arith.constant 0 : i32
    %c0_i32_1 = arith.constant 0 : i32
    return %c0_i32, %c0_i32_0 : i32, i32
  }
  func.func @transform_7(%arg0: i32) -> (i32, i32, i32) {
    %c0_i32 = arith.constant 0 : i32
    %c0_i32_0 = arith.constant 0 : i32
    %c0_i32_1 = arith.constant 0 : i32
    return %arg0, %c0_i32, %c0_i32_0 : i32, i32, i32
  }
  func.func @transform_8(%arg0: i32) -> (i32, i32) {
    %c0_i32 = arith.constant 0 : i32
    %c0_i32_0 = arith.constant 0 : i32
    %c0_i32_1 = arith.constant 0 : i32
    return %c0_i32, %c0_i32_0 : i32, i32
  }
}

</mosaic_0001>

<sc_bundles>
// kernel: kernel.11.cloned.1.call-start
scs
__scs_entry_jumppad:
0x0: {  	(pc) =	sbr.rel $0x88, $3  }
0x1: {  	(tag) =	ssettag $0x0;
	lr =	simm.s32 $0x1  }
0x2: {  	[smem:$0x3F92] =	sst lr;
	_ =	strace $0xD0000000  }
0x3: {  	_ = 	snop  }
0x4: {  	_ = 	snop  }
0x5: {  	_ = 	snop  }
0x6: {  	_ = 	snop  }
0x7: {  	_ = 	snop  }
__scs_overlays_trampoline_lowered:
0x8: {  	[smem:$0x3FA1] =	sst s0  }
0x9: {  	[smem:$0x3FA2] =	sst s1  }
0xa: {  	[smem:$0x3FA3] =	sst s2  }
0xb: {  	[smem:$0x3FA4] =	sst s3  }
0xc: {  	[smem:$0x3FA5] =	sst s4  }
0xd: {  	[smem:$0x3FA6] =	sst s5  }
0xe: {  	[smem:$0x3FA7] =	sst s6  }
0xf: {  	[smem:$0x3FA8] =	sst s7  }
0x10: {  	[smem:$0x3FA9] =	sst s8  }
0x11: {  	[smem:$0x3FAA] =	sst s9;
	s0 =	simm.s32 @!p0 $0x0  }
0x12: {  	s1 =	sld [smem:$0x3F90];
	s0 =	simm.s32 @p0 $0x1  }
0x13: {  	[smem:$0x3FAB] =	sst s0;
	s0 =	simm.s32 @!p1 $0x0  }
0x14: {  	s2 =	sld [smem:$0x3F8F];
	s0 =	simm.s32 @p1 $0x1  }
0x15: {  	[smem:$0x3FAC] =	sst s0;
	s0 =	simm.s32 @!p2 $0x0  }
0x16: {  	s3 =	sld [smem:$0x3FDB];
	s0 =	simm.s32 @p2 $0x1  }
0x17: {  	s4 =	simm.s32 $0x1BF5;
	[smem:$0x3FAE] =	sst s0  }
0x18: {  	s0 =	sld [smem:$0x3F91];
	_ =	swait.ge [sflag:s4], $0x0  }
0x19: {  	s7 =	sld [smem:$0x3F92]  }
0x1a: {  	s8 =	sadd.s32 $0xFFFFE003, lr  }
0x1b: {  	s9 =	sadd.s32 $0xFFFFFEF7, lr;
	s5 =	simm.s32 $0xFFFFFFFF;
	p2 =	slt.u32 s8, $0xFFFFF086  }
0x1c: {  	p1 =	slt.u32 s9, $0xF7A;
	s5 =	simm.s32 @!p2 $0x0  }
0x1d: {  	s5 =	simm.s32 @p1 $0x1;
	p0 =	seq.s32 s7, s2  }
0x1e: {  	s7 =	smul.u32 @!p0 $0xF7A, s2;
	p2 =	seq.s32 @!p0 s5, $0x0  }
0x1f: {  	s9 =	smul.u32 $0xF7A, s1;
	s8 =	simm.s32 @!p0 $0x1BF5;
	p2 =	por !p2, p0  }
0x20: {  	[sflag:s8] =	ssyncset.s32 @!p0 $0xFFFFF086;
	s6 =	sadd.s32 @!p0 s3, s7;
	s7 =	simm.s32 @!p0 $0x108  }
0x21: {  	s3 =	sadd.s32 s3, s9;
	s6 =	sadd.s32 @!p0 $0x88, s6;
	s7 =	simm.s32 @p2 $0x1082  }
0x22: {  	[simem:s7], [sflag:s8] =	dma.local @!p0 [hbm:s6], $0xF7A  }
0x23: {  	s9 =	sor.u32 $0xD0000000, s2;
	s6 =	simm.s32 $0x108;
	_ =	swait.ge @!p0 [sflag:s8], $0x0  }
0x24: {  	s3 =	sadd.s32 $0x88, s3;
	s6 =	simm.s32 @!p1 $0x1082;
	[sflag:s4] =	ssyncset.s32 $0xFFFFF086  }
0x25: {  	[simem:s6], [sflag:s4] =	dma.local [hbm:s3], $0xF7A  }
0x26: {  	[smem:$0x3F92] =	sst s1;
	(tag) =	ssettag s2;
	_ =	strace s9  }
0x27: {  	s1 =	sld [smem:$0x3FA2]  }
0x28: {  	s2 =	sld [smem:$0x3FA3]  }
0x29: {  	s4 =	sld [smem:$0x3FA5]  }
0x2a: {  	p0 =	seq.s32 s5, $0x0;
	s5 =	sld [smem:$0x3FA6]  }
0x2b: {  	s6 =	sld [smem:$0x3FA7]  }
0x2c: {  	s7 =	sld [smem:$0x3FA8]  }
0x2d: {  	s3 =	simm.s32 $0x108;
	s8 =	sld [smem:$0x3FA9]  }
0x2e: {  	s3 =	simm.s32 @!p0 $0x1082;
	s9 =	sld [smem:$0x3FAA]  }
0x2f: {  	lr =	sadd.s32 s0, s3;
	s0 =	sld [smem:$0x3FA1]  }
0x30: {  	s3 =	sld [smem:$0x3FA4]  }
0x31: {  	[smem:$0x3FAD] =	sst s10  }
0x32: {  	s10 =	sld [smem:$0x3FAB];
	_ =	sdelay $0x3  }
0x33: {  	p0 =	seq.s32 s10, $0x1;
	s10 =	sld [smem:$0x3FAD];
	_ =	sdelay $0x3  }
0x34: {  	[smem:$0x3FAD] =	sst s10  }
0x35: {  	s10 =	sld [smem:$0x3FAC];
	_ =	sdelay $0x3  }
0x36: {  	p1 =	seq.s32 s10, $0x1;
	s10 =	sld [smem:$0x3FAD];
	_ =	sdelay $0x3  }
0x37: {  	[smem:$0x3FAD] =	sst s10  }
0x38: {  	s10 =	sld [smem:$0x3FAE]  }
0x39: {  	_ = 	snop;
	(pc) =	sbr.ind lr, $3  }
0x3a: {  	_ = 	snop  }
0x3b: {  	_ = 	snop  }
0x3c: {  	p2 =	seq.s32 s10, $0x1;
	s10 =	sld [smem:$0x3FAD]  }
0x3d: {  	_ =	shalt  }
0x3e: {  	_ =	shalt  }
0x3f: {  	_ =	shalt  }
0x40: {  	_ =	shalt  }
0x41: {  	_ =	shalt  }
0x42: {  	_ =	shalt  }
0x43: {  	_ =	shalt  }
0x44: {  	_ =	shalt  }
0x45: {  	_ =	shalt  }
0x46: {  	_ =	shalt  }
0x47: {  	_ =	shalt  }
0x48: {  	_ =	shalt  }
0x49: {  	_ =	shalt  }
0x4a: {  	_ =	shalt  }
0x4b: {  	_ =	shalt  }
0x4c: {  	_ =	shalt  }
0x4d: {  	_ =	shalt  }
0x4e: {  	_ =	shalt  }
0x4f: {  	_ =	shalt  }
0x50: {  	_ =	shalt  }
0x51: {  	_ =	shalt  }
0x52: {  	_ =	shalt  }
0x53: {  	_ =	shalt  }
0x54: {  	_ =	shalt  }
0x55: {  	_ =	shalt  }
0x56: {  	_ =	shalt  }
0x57: {  	_ =	shalt  }
0x58: {  	_ =	shalt  }
0x59: {  	_ =	shalt  }
0x5a: {  	_ =	shalt  }
0x5b: {  	_ =	shalt  }
0x5c: {  	_ =	shalt  }
0x5d: {  	_ =	shalt  }
0x5e: {  	_ =	shalt  }
0x5f: {  	_ =	shalt  }
0x60: {  	_ =	shalt  }
0x61: {  	_ =	shalt  }
0x62: {  	_ =	shalt  }
0x63: {  	_ =	shalt  }
0x64: {  	_ =	shalt  }
0x65: {  	_ =	shalt  }
0x66: {  	_ =	shalt  }
0x67: {  	_ =	shalt  }
0x68: {  	_ =	shalt  }
0x69: {  	_ =	shalt  }
0x6a: {  	_ =	shalt  }
0x6b: {  	_ =	shalt  }
0x6c: {  	_ =	shalt  }
0x6d: {  	_ =	shalt  }
0x6e: {  	_ =	shalt  }
0x6f: {  	_ =	shalt  }
0x70: {  	_ =	shalt  }
0x71: {  	_ =	shalt  }
0x72: {  	_ =	shalt  }
0x73: {  	_ =	shalt  }
0x74: {  	_ =	shalt  }
0x75: {  	_ =	shalt  }
0x76: {  	_ =	shalt  }
0x77: {  	_ =	shalt  }
0x78: {  	_ =	shalt  }
0x79: {  	_ =	shalt  }
0x7a: {  	_ =	shalt  }
0x7b: {  	_ =	shalt  }
0x7c: {  	_ =	shalt  }
0x7d: {  	_ =	shalt  }
0x7e: {  	_ =	shalt  }
0x7f: {  	_ =	shalt  }
0x80: {  	_ =	shalt  }
0x81: {  	_ =	shalt  }
0x82: {  	_ =	shalt  }
0x83: {  	_ =	shalt  }
0x84: {  	_ =	shalt  }
0x85: {  	_ =	shalt  }
0x86: {  	_ =	shalt  }
0x87: {  	_ =	shalt  }
.Lfunc_end0:
.L_simem_size_0:
called_computation.1_lowered:
.L_overlay_start_0:
0x88: {  	s2 =	sld [smem:$0x3FD9]  }
0x89: {  	s3 =	sld [smem:$0x3FFE];
	_ =	sdelay $0x1  }
0x8a: {  	s1 =	srdreg.scid  }
0x8b: {  	s0 =	sand.u32 $0x1, s1  }
0x8c: {  	s16 =	sshll.u32 s0, $0xA;
	s2 =	sadd.s32 s3, s2  }
0x8d: {  	s2 =	sadd.s32 s2, s16  }
0x8e: {  	[smem:$0x3FB9] =	sst s2  }
0x8f: {  	_ = 	snop  }
0x90: {  	(tm) =	ssettm $0x1  }
0x91: {  	s17 =	sld [smem:$0x3FFB];
	_ =	sdelay $0x3  }
0x92: {  	_ =	strace s17  }
0x93: {  	s2 =	sld [smem:$0x3FFC];
	_ =	sdelay $0x3  }
0x94: {  	_ =	strace s2  }
0x95: {  	s2 =	sld [smem:$0x3FFD];
	_ =	sdelay $0x3  }
0x96: {  	_ =	strace s2  }
0x97: {  	_ =	strace $0x8FFFFFFF  }
0x98: {  	s18 =	sld [smem:$0x3FDB];
	_ =	sdelay $0x1  }
0x99: {  	s19 =	simm.s32 $_scs_section_size  }
0x9a: {  	s4 =	simm.s32 $_size__tile_overlayer_lowered;
	s5 =	simm.s32 $_tile_overlayer_lowered  }
0x9b: {  	s22 =	simm.s32 $0x1BFF;
	s21 =	sshll.u32 s5, $0x1;
	s2 =	sadd.s32 s19, s18  }
0x9c: {  	s6 =	simm.s32 $0x0;
	s20 =	sshll.u32 s4, $0x1;
	s4 =	sadd.s32 s21, s2  }
0x9d: {  	[timem:s6], [sflag:s22] =	dma.local [hbm:s4], s20  }
0x9e: {  	_ =	swait.ge [sflag:s22], s20  }
0x9f: {  	s3 =	ssub.s32 $0x0, s20;
	[sflag:s22] =	ssyncset.done $0x0  }
0xa0: {  	[sflag:s22] =	ssyncadd.s32 s3;
	_ =	sdelay $0x1  }
0xa1: {  	s23 =	simm.s32 $0x1B8B  }
0xa2: {  	_ =	swait.ge [sflag:s23], $0x1  }
0xa3: {  	[sflag:s23] =	ssyncset.done $0x0  }
0xa4: {  	s25 =	simm.s32 $0x1B8E;
	s24 =	sld [smem:$0x3FFE];
	[sflag:s23] =	ssyncadd.s32 $0xFFFFFFFF  }
0xa5: {  	s26 =	simm.s32 $execute0_lowered;
	[smem:$0x3FD2] =	sst s25  }
0xa6: {  	s4 =	sshll.u32 s26, $0x1;
	_ =	strace $0x80000049;
	[dreg:$0x1] =	wrdreg $0xFFFFFFFF  }
0xa7: {  	s28 =	simm.s32 $_size_execute0_lowered;
	s2 =	sadd.s32 s2, s4;
	[dreg:$0x0] =	wrdreg $0x0  }
0xa8: {  	s4 =	sshll.u32 s28, $0x1;
	[dreg:$0x2] =	wrdreg s2  }
0xa9: {  	[dreg:$0x3] =	wrdreg s4  }
0xaa: {  	[dreg:$0x4] =	wrdreg $0xC0  }
0xab: {  	_ =	task [dreg:s6], $0x5FFFF  }
0xac: {  	[dreg:$0x1] =	wrdreg $0xFFFFFFFF  }
0xad: {  	[dreg:$0x0] =	wrdreg $0x60  }
0xae: {  	[dreg:$0x2] =	wrdreg s24  }
0xaf: {  	[dreg:$0x3] =	wrdreg $0x64000  }
0xb0: {  	[dreg:$0x4] =	wrdreg $0x9  }
0xb1: {  	_ =	task.clear_ibuf [dreg:s6], $0x5FFFF;
	_ =	strace $0x90000049  }
0xb2: {  	s29 =	simm.s32 $0x9;
	_ =	strace $0x8000004B  }
0xb3: {  	_ =	swait.ge [sflag:s29], $0x1  }
0xb4: {  	[sflag:s29] =	ssyncadd.s32 $0xFFFFFFFF  }
0xb5: {  	_ =	strace $0x9000004B  }
0xb6: {  	_ =	sfence  }
0xb7: {  	s30 =	sld [smem:$0x0];
	_ =	sdelay $0x2  }
0xb8: {  	s31 =	sshll.u32 s1, $0xD;
	s1 =	sshrl.u32 s1, $0x2  }
0xb9: {  	s3 =	sand.u32 $0x4000, s31;
	s1 =	sadd.s32 s1, s30  }
0xba: {  	s0 =	sor.u32 s3, s0;
	s1 =	sshll.u32 s1, $0x11  }
0xbb: {  	s0 =	sor.u32 s1, s0  }
0xbc: {  	s0 =	sadd.s32 $0x8F2B, s0  }
0xbd: {  	[sflag:s0] =	ssyncadd.remote.s32 $0x1  }
0xbe: {  	_ =	sfence.sel $0xFFFF  }
0xbf: {  	[dreg:$0x0] =	wrdreg $0xFFFFFFFF;
	(pc) =	sbr.abs _section_cstart, $3  }
0xc0: {  	[dreg:$0x1] =	wrdreg $0xFFFFFFFF  }
0xc1: {  	_ =	task.clear_ibuf [dreg:s6], $0x2FFFF;
	_ =	strace $0x9FFFFFFF  }
0xc2: {  	(tm) =	ssettm $0x7FFFFFFF  }
0xc3: {  	_ =	shalt  }
tec
execute0_lowered:
.L_overlay_start_1:
0x0: {  	(tag) =	ssettag $0x1  }
0x1: {  	s0 =	rddreg [dreg:$0x0]  }
0x2: {  	s1 =	rddreg [dreg:$0x1]  }
0x3: {  	s2 =	srdreg.scid;
	s3 =	simm.s32 $0x0;
	s10 =	stileid.u32  }
0x4: {  	s28 =	simm.s32 $0x300;
	s29 =	simm.s32 $0x1;
	s30 =	simm.s32 $0x60  }
0x5: {  	s31 =	simm.s32 $0x2;
	s12 =	simm.s32 $0x380;
	s6 =	smul.u32 $0x13C00, s10  }
0x6: {  	s13 =	simm.s32 $0x0;
	s2 =	sand.u32 $0x1, s2;
	s16 =	smul.u32 $0x4F000, s10  }
0x7: {  	[smem:$0x7FF] =	sst s3;
	s8 =	sshll.u32 s10, $0x1;
	s10 =	smul.u32 $0xD2, s10  }
0x8: {  	s4 =	sadd.s32 $0x1F200, s0;
	s7 =	sadd.s32 $0x4800, s0;
	s5 =	smul.u32 $0x13C000, s2  }
0x9: {  	s17 =	ssub.s32 $0x2, s2;
	s8 =	sor.u32 s2, s8;
	s2 =	smul.u32 $0x69, s2  }
0xa: {  	s15 =	sadd.s32 $0x1EC00, s0;
	_ =	strace $0x8000004A;
	s18 =	smul.u32 $0x6900, s8  }
0xb: {  	[dreg:$0x3] =	wrdreg s15;
	s9 =	sshrl.u32 s17, $0x1;
	s8 =	smul.u32 $0xD20, s8  }
0xc: {  	s5 =	sadd.s32 s6, s5;
	s6 =	sshrl.u32 s16, $0x2;
	s2 =	sadd.s32 s2, s10  }
0xd: {  	s10 =	simm.s32 $0x4;
	s6 =	sadd.s32 s6, s1;
	s8 =	sadd.s32 s7, s8  }
0xe: {  	s5 =	sshrl.u32 s5, $0x3;
	s11 =	sadd.s32 $0x3000, s6;
	[dreg:$0xa] =	wrdreg s8  }
0xf: {  	s2 =	sshll.u32 s2, $0x5;
	s19 =	sadd.s32 $0x6000, s6;
	[dreg:$0x4] =	wrdreg s11  }
0x10: {  	s0 =	sadd.s32 s5, s0;
	s20 =	sadd.s32 $0x9000, s6;
	[dreg:$0x5] =	wrdreg s19  }
0x11: {  	s5 =	ssub.s32 s17, s9;
	s21 =	sadd.s32 $0xC000, s6;
	[dreg:$0x6] =	wrdreg s20  }
0x12: {  	s22 =	sadd.s32 $0xF000, s6;
	s9 =	sshrl.u32 s18, $0x3;
	[dreg:$0x7] =	wrdreg s21  }
0x13: {  	s23 =	sadd.s32 $0x12000, s6;
	s2 =	sadd.s32 s2, s7;
	[dreg:$0x8] =	wrdreg s22  }
0x14: {  	s8 =	simm.s32 $0x6;
	[dreg:$0x9] =	wrdreg s23;
	s9 =	sadd.s32 s7, s9  }
0x15: {  	s0 =	sadd.s32 $0x46400, s0;
	s18 =	smax.u32 s5, $0x1;
	s19 =	sadd.s32 $0xE0, s2  }
0x16: {  	s20 =	sadd.s32 $0xC0, s2;
	s21 =	sadd.s32 $0xA0, s2;
	s22 =	sadd.s32 $0x80, s2  }
0x17: {  	s23 =	simm.s32 $0x400;
	s2 =	simm.s32 $0x5;
	s5 =	simm.s32 $0x80  }
.Ltmp0:
0x18: {  	s24 =	sadd.s32 $0x20, s9;
	[dreg:$0xe] =	wrdreg s0;
	(pc) =	sbr.rel .LBB2_1-.Ltmp0, $4  }
0x19: {  	s7 =	simm.s32 $0x3;
	s25 =	sadd.s32 $0x40, s9;
	[dreg:$0xb] =	wrdreg s24  }
0x1a: {  	s11 =	simm.s32 $0x280;
	s26 =	sadd.s32 $0x60, s9;
	[dreg:$0xc] =	wrdreg s25  }
0x1b: {  	s0 =	simm.s32 $0x3400;
	s9 =	simm.s32 $0x180;
	[dreg:$0xd] =	wrdreg s26  }
0x1c: {  	s24 =	simm.s32 $0x7;
	s25 =	simm.s32 $0x100;
	s26 =	simm.s32 $0x200  }
.LBB2_4:
0x1d: {  	_ =	swait.ge [sflag:s2], $0x3000  }
0x1e: {  	[sflag:s2] =	ssyncset.done $0x0  }
0x1f: {  	[sflag:s2] =	ssyncadd.s32 $0xFFFFD000  }
0x20: {  	[spmem:s1] =	stream.indirect.scatter.add.f32 [tilespmem:s23], [sflag:$0x7], $0x80, s5, s30, $0xb8;
	[tilespmem:$0x1A000] =	vst v63  }
0x21: {  	_ =	swait.ge [sflag:s24], $0x3000  }
0x22: {  	s14 =	stileid.u32;
	[sflag:s24] =	ssyncset.done $0x0  }
0x23: {  	s15 =	sshrl.u32 s6, $0x3;
	s13 =	sadd.s32 $0x1, s13;
	[sflag:s24] =	ssyncadd.s32 $0xFFFFD000  }
0x24: {  	s14 =	sshll.u32 s14, $0x6;
	p0 =	sne.s32 s13, s18;
	[bflag:$0x0] =	sbarrier.arrive $0xFFFF  }
.Ltmp1:
0x25: {  	s14 =	sor.u32 $0x1C07, s14;
	s16 =	rddreg [dreg:$0xe];
	(pc) =	sbr.rel @!p0 .LBB2_5-.Ltmp1, $4  }
0x26: {  	[hbm:s16], [sflag:s14] =	dma.local [spmem:s15], $0x2780  }
0x27: {  	_ =	swait.ge [sflag:s24], $0x2780  }
0x28: {  	[sflag:s24] =	ssyncset.done $0x0  }
0x29: {  	[sflag:s24] =	ssyncadd.s32 $0xFFFFD880  }
.LBB2_1:
0x2a: {  	s14 =	rddreg [dreg:$0x3]  }
0x2b: {  	[tilespmem:s23], [sflag:$0x7] =	stream.linear.gather [hbm4b:s14+s3], $0x3000, $0x38;
	[tilespmem:$0x1A000] =	vst v63  }
0x2c: {  	_ =	swait.ge [sflag:s24], $0x3000  }
0x2d: {  	[sflag:s24] =	ssyncset.done $0x0  }
0x2e: {  	[sflag:s24] =	ssyncadd.s32 $0xFFFFD000  }
0x2f: {  	[spmem:s6] =	stream.linear.scatter [tilespmem:s23], [sflag:$0x7], $0x3000, $0x38;
	[tilespmem:$0x1A000] =	vst v63  }
0x30: {  	_ =	swait.ge [sflag:s24], $0x3000  }
0x31: {  	[sflag:s24] =	ssyncset.done $0x0  }
0x32: {  	s17 =	rddreg [dreg:$0x4];
	[sflag:s24] =	ssyncadd.s32 $0xFFFFD000  }
0x33: {  	[spmem:s17] =	stream.linear.scatter [tilespmem:s23], [sflag:$0x7], $0x3000, $0x38;
	[tilespmem:$0x1A000] =	vst v63  }
0x34: {  	_ =	swait.ge [sflag:s24], $0x3000  }
0x35: {  	[sflag:s24] =	ssyncset.done $0x0  }
0x36: {  	s15 =	rddreg [dreg:$0x5];
	[sflag:s24] =	ssyncadd.s32 $0xFFFFD000  }
0x37: {  	[spmem:s15] =	stream.linear.scatter [tilespmem:s23], [sflag:$0x7], $0x3000, $0x38;
	[tilespmem:$0x1A000] =	vst v63  }
0x38: {  	_ =	swait.ge [sflag:s24], $0x3000  }
0x39: {  	[sflag:s24] =	ssyncset.done $0x0  }
0x3a: {  	s16 =	rddreg [dreg:$0x6];
	[sflag:s24] =	ssyncadd.s32 $0xFFFFD000  }
0x3b: {  	[spmem:s16] =	stream.linear.scatter [tilespmem:s23], [sflag:$0x7], $0x3000, $0x38;
	[tilespmem:$0x1A000] =	vst v63  }
0x3c: {  	_ =	swait.ge [sflag:s24], $0x3000  }
0x3d: {  	[sflag:s24] =	ssyncset.done $0x0  }
0x3e: {  	s17 =	rddreg [dreg:$0x7];
	[sflag:s24] =	ssyncadd.s32 $0xFFFFD000  }
0x3f: {  	[spmem:s17] =	stream.linear.scatter [tilespmem:s23], [sflag:$0x7], $0x3000, $0x38;
	[tilespmem:$0x1A000] =	vst v63  }
0x40: {  	_ =	swait.ge [sflag:s24], $0x3000  }
0x41: {  	[sflag:s24] =	ssyncset.done $0x0  }
0x42: {  	s15 =	rddreg [dreg:$0x8];
	[sflag:s24] =	ssyncadd.s32 $0xFFFFD000  }
0x43: {  	[spmem:s15] =	stream.linear.scatter [tilespmem:s23], [sflag:$0x7], $0x3000, $0x38;
	[tilespmem:$0x1A000] =	vst v63  }
0x44: {  	_ =	swait.ge [sflag:s24], $0x3000  }
0x45: {  	[sflag:s24] =	ssyncset.done $0x0  }
0x46: {  	s16 =	rddreg [dreg:$0x9];
	[sflag:s24] =	ssyncadd.s32 $0xFFFFD000  }
0x47: {  	[spmem:s16] =	stream.linear.scatter [tilespmem:s23], [sflag:$0x7], $0x1C00, $0x38;
	[tilespmem:$0x1A000] =	vst v63  }
0x48: {  	_ =	swait.ge [sflag:s24], $0x1C00  }
0x49: {  	[sflag:s24] =	ssyncset.done $0x0  }
0x4a: {  	[sflag:s24] =	ssyncadd.s32 $0xFFFFE400  }
0x4b: {  	[bflag:$0x0] =	sbarrier.arrive $0xFFFF  }
0x4c: {  	s17 =	rddreg [dreg:$0xa]  }
0x4d: {  	[tilespmem:s3], [sflag:$0x1] =	stream.linear.gather [hbm4b:s17+s3], $0x100, $0x38;
	[tilespmem:$0x1A000] =	vst v63  }
0x4e: {  	s15 =	rddreg [dreg:$0xb]  }
0x4f: {  	[tilespmem:s25], [sflag:$0x2] =	stream.linear.gather [hbm4b:s15+s3], $0x100, $0x38;
	[tilespmem:$0x1A000] =	vst v63  }
0x50: {  	s16 =	rddreg [dreg:$0xc]  }
0x51: {  	[tilespmem:s26], [sflag:$0x3] =	stream.linear.gather [hbm4b:s16+s3], $0x100, $0x38;
	[tilespmem:$0x1A000] =	vst v63  }
0x52: {  	s17 =	rddreg [dreg:$0xd]  }
0x53: {  	[tilespmem:s28], [sflag:$0x4] =	stream.linear.gather [hbm4b:s17+s3], $0x100, $0x38;
	[tilespmem:$0x1A000] =	vst v63  }
0x54: {  	_ =	swait.ge [sflag:s29], $0x100  }
0x55: {  	[sflag:s29] =	ssyncset.done $0x0  }
0x56: {  	s14 =	simm.s32 $0x0;
	[sflag:s29] =	ssyncadd.s32 $0xFFFFFF00  }
0x57: {  	[tilespmem:s23], [sflag:$0x5] =	stream.indirect.gather [hbm4b:s4+s30], $0x80, s3, s30, $0xb8;
	[tilespmem:$0x1A000] =	vst v63  }
.LBB2_2:
0x58: {  	_ =	swait.ge [sflag:s31], $0x100  }
0x59: {  	[sflag:s31] =	ssyncset.done $0x0  }
0x5a: {  	[sflag:s31] =	ssyncadd.s32 $0xFFFFFF00  }
0x5b: {  	[tilespmem:s0], [sflag:$0x6] =	stream.indirect.gather [hbm4b:s4+s30], $0x80, s25, s30, $0xb8;
	[tilespmem:$0x1A000] =	vst v63  }
0x5c: {  	_ =	swait.ge [sflag:s2], $0x3000  }
0x5d: {  	[sflag:s2] =	ssyncset.done $0x0  }
0x5e: {  	[sflag:s2] =	ssyncadd.s32 $0xFFFFD000  }
0x5f: {  	[spmem:s1] =	stream.indirect.scatter.add.f32 [tilespmem:s23], [sflag:$0x7], $0x80, s5, s30, $0xb8;
	[tilespmem:$0x1A000] =	vst v63  }
0x60: {  	_ =	swait.ge [sflag:s24], $0x3000  }
0x61: {  	[sflag:s24] =	ssyncset.done $0x0  }
0x62: {  	s15 =	sadd.s32 s14, s22;
	[sflag:s24] =	ssyncadd.s32 $0xFFFFD000  }
0x63: {  	[tilespmem:s3], [sflag:$0x1] =	stream.linear.gather [hbm4b:s15+s3], $0x100, $0x38;
	[tilespmem:$0x1A000] =	vst v63  }
0x64: {  	_ =	swait.ge [sflag:s7], $0x100  }
0x65: {  	[sflag:s7] =	ssyncset.done $0x0  }
0x66: {  	[sflag:s7] =	ssyncadd.s32 $0xFFFFFF00  }
0x67: {  	[tilespmem:s23], [sflag:$0x5] =	stream.indirect.gather [hbm4b:s4+s30], $0x80, s26, s30, $0xb8;
	[tilespmem:$0x1A000] =	vst v63  }
0x68: {  	_ =	swait.ge [sflag:s8], $0x3000  }
0x69: {  	[sflag:s8] =	ssyncset.done $0x0  }
0x6a: {  	[sflag:s8] =	ssyncadd.s32 $0xFFFFD000  }
0x6b: {  	[spmem:s1] =	stream.indirect.scatter.add.f32 [tilespmem:s0], [sflag:$0x7], $0x80, s9, s30, $0xb8;
	[tilespmem:$0x1A000] =	vst v63  }
0x6c: {  	p0 =	seq.s32 s14, $0xC80;
	_ =	swait.ge [sflag:s24], $0x3000  }
0x6d: {  	s16 =	simm.s32 @!p0 $0x0;
	[sflag:s24] =	ssyncset.done $0x0  }
0x6e: {  	s17 =	simm.s32 @!p0 $0x100;
	s15 =	sadd.s32 @!p0 s14, s21;
	[sflag:s24] =	ssyncadd.s32 $0xFFFFD000  }
0x6f: {  	[tilespmem:s17], [sflag:$0x2] =	stream.linear.gather @!p0 [hbm4b:s15+s16], $0x100, $0x38;
	[tilespmem:$0x1A000] =	vst v63  }
0x70: {  	_ =	swait.ge [sflag:s10], $0x100  }
0x71: {  	[sflag:s10] =	ssyncset.done $0x0  }
0x72: {  	[sflag:s10] =	ssyncadd.s32 $0xFFFFFF00  }
0x73: {  	[tilespmem:s0], [sflag:$0x6] =	stream.indirect.gather [hbm4b:s4+s30], $0x80, s28, s30, $0xb8;
	[tilespmem:$0x1A000] =	vst v63  }
0x74: {  	_ =	swait.ge [sflag:s2], $0x3000  }
0x75: {  	[sflag:s2] =	ssyncset.done $0x0  }
0x76: {  	[sflag:s2] =	ssyncadd.s32 $0xFFFFD000  }
0x77: {  	[spmem:s1] =	stream.indirect.scatter.add.f32 [tilespmem:s23], [sflag:$0x7], $0x80, s11, s30, $0xb8;
	[tilespmem:$0x1A000] =	vst v63  }
0x78: {  	_ =	swait.ge [sflag:s24], $0x3000  }
0x79: {  	[sflag:s24] =	ssyncset.done $0x0  }
0x7a: {  	s15 =	sadd.s32 @!p0 s14, s20;
	s17 =	simm.s32 @!p0 $0x200;
	[sflag:s24] =	ssyncadd.s32 $0xFFFFD000  }
0x7b: {  	[tilespmem:s17], [sflag:$0x3] =	stream.linear.gather @!p0 [hbm4b:s15+s16], $0x100, $0x38;
	[tilespmem:$0x1A000] =	vst v63  }
0x7c: {  	_ =	swait.ge [sflag:s29], $0x100  }
0x7d: {  	[sflag:s29] =	ssyncset.done $0x0  }
0x7e: {  	[sflag:s29] =	ssyncadd.s32 $0xFFFFFF00  }
0x7f: {  	[tilespmem:s23], [sflag:$0x5] =	stream.indirect.gather [hbm4b:s4+s30], $0x80, s3, s30, $0xb8;
	[tilespmem:$0x1A000] =	vst v63  }
0x80: {  	_ =	swait.ge [sflag:s8], $0x3000  }
0x81: {  	[sflag:s8] =	ssyncset.done $0x0  }
.Ltmp2:
0x82: {  	[sflag:s8] =	ssyncadd.s32 $0xFFFFD000;
	(pc) =	sbr.rel @p0 .LBB2_4-.Ltmp2, $4  }
0x83: {  	[spmem:s1] =	stream.indirect.scatter.add.f32 [tilespmem:s0], [sflag:$0x7], $0x80, s12, s30, $0xb8;
	[tilespmem:$0x1A000] =	vst v63  }
0x84: {  	_ =	swait.ge [sflag:s24], $0x3000  }
0x85: {  	[sflag:s24] =	ssyncset.done $0x0  }
0x86: {  	[sflag:s24] =	ssyncadd.s32 $0xFFFFD000  }
.Ltmp3:
0x87: {  	(pc) =	sbr.rel .LBB2_2-.Ltmp3, $3  }
0x88: {  	_ =	sdelay $0x1  }
0x89: {  	s15 =	sadd.s32 s14, s19;
	s14 =	sadd.s32 $0x80, s14  }
0x8a: {  	[tilespmem:s28], [sflag:$0x4] =	stream.linear.gather [hbm4b:s15+s3], $0x100, $0x38;
	[tilespmem:$0x1A000] =	vst v63  }
.LBB2_5:
0x8b: {  	_ =	sfence.sel $0x180000  }
0x8c: {  	[bflag:$0x0] =	sbarrier.arrive $0xFFFF  }
0x8d: {  	_ =	strace $0x9000004A  }
0x8e: {  	s0 =	stileid.u32;
	[bflag:$0x2] =	sbarrier.arrive $0xFFFF  }
0x8f: {  	p0 =	sne.s32 s0, $0x0;
	s0 =	rddreg [dreg:$0x2]  }
0x90: {  	s0 =	sadd.s32 @!p0 $0x100000, s0  }
0x91: {  	[sflag:s0] =	ssyncadd.tile.s32 @!p0 $0x1;
	_ =	shalt  }
.Lfunc_end2:
_tile_overlayer_lowered:
.L_overlay_start_2:
0x92: {  	(tag) =	ssettag $0x2  }
0x93: {  	s0 =	rddreg [dreg:$0x0];
	s2 =	stileid.u32  }
0x94: {  	s1 =	rddreg [dreg:$0x1];
	p0 =	sne.s32 s2, $0x0  }
0x95: {  	s3 =	rddreg [dreg:$0x2];
	[bflag:$0x3] =	sbarrier.arrive $0xFFFF;
	s2 =	simm.s32 @!p0 $0x1C07  }
0x96: {  	[timem:s3], [sflag:s2] =	dma.local @!p0 [hbm:s0], s1  }
0x97: {  	s0 =	simm.s32 @!p0 $0x7  }
0x98: {  	_ =	swait.ge @!p0 [sflag:s0], s1  }
0x99: {  	s1 =	ssub.s32 @!p0 $0x0, s1;
	[sflag:s0] =	ssyncset.done @!p0 $0x0  }
0x9a: {  	[sflag:s0] =	ssyncadd.s32 @!p0 s1  }
0x9b: {  	[bflag:$0x3] =	sbarrier.arrive $0xFFFF  }
0x9c: {  	_ =	shalt  }

// kernel: kernel.14.cloned.1.call-start
scs
__scs_entry_jumppad:
0x0: {  	(pc) =	sbr.rel $0x88, $3  }
0x1: {  	(tag) =	ssettag $0x0;
	lr =	simm.s32 $0x1  }
0x2: {  	[smem:$0x3F92] =	sst lr;
	_ =	strace $0xD0000000  }
0x3: {  	_ = 	snop  }
0x4: {  	_ = 	snop  }
0x5: {  	_ = 	snop  }
0x6: {  	_ = 	snop  }
0x7: {  	_ = 	snop  }
__scs_overlays_trampoline_lowered:
0x8: {  	[smem:$0x3FA1] =	sst s0  }
0x9: {  	[smem:$0x3FA2] =	sst s1  }
0xa: {  	[smem:$0x3FA3] =	sst s2  }
0xb: {  	[smem:$0x3FA4] =	sst s3  }
0xc: {  	[smem:$0x3FA5] =	sst s4  }
0xd: {  	[smem:$0x3FA6] =	sst s5  }
0xe: {  	[smem:$0x3FA7] =	sst s6  }
0xf: {  	[smem:$0x3FA8] =	sst s7  }
0x10: {  	[smem:$0x3FA9] =	sst s8  }
0x11: {  	[smem:$0x3FAA] =	sst s9;
	s0 =	simm.s32 @!p0 $0x0  }
0x12: {  	s1 =	sld [smem:$0x3F90];
	s0 =	simm.s32 @p0 $0x1  }
0x13: {  	[smem:$0x3FAB] =	sst s0;
	s0 =	simm.s32 @!p1 $0x0  }
0x14: {  	s2 =	sld [smem:$0x3F8F];
	s0 =	simm.s32 @p1 $0x1  }
0x15: {  	[smem:$0x3FAC] =	sst s0;
	s0 =	simm.s32 @!p2 $0x0  }
0x16: {  	s3 =	sld [smem:$0x3FDB];
	s0 =	simm.s32 @p2 $0x1  }
0x17: {  	s4 =	simm.s32 $0x1BF5;
	[smem:$0x3FAE] =	sst s0  }
0x18: {  	s0 =	sld [smem:$0x3F91];
	_ =	swait.ge [sflag:s4], $0x0  }
0x19: {  	s7 =	sld [smem:$0x3F92]  }
0x1a: {  	s8 =	sadd.s32 $0xFFFFE003, lr  }
0x1b: {  	s9 =	sadd.s32 $0xFFFFFEF7, lr;
	s5 =	simm.s32 $0xFFFFFFFF;
	p2 =	slt.u32 s8, $0xFFFFF086  }
0x1c: {  	p1 =	slt.u32 s9, $0xF7A;
	s5 =	simm.s32 @!p2 $0x0  }
0x1d: {  	s5 =	simm.s32 @p1 $0x1;
	p0 =	seq.s32 s7, s2  }
0x1e: {  	s7 =	smul.u32 @!p0 $0xF7A, s2;
	p2 =	seq.s32 @!p0 s5, $0x0  }
0x1f: {  	s9 =	smul.u32 $0xF7A, s1;
	s8 =	simm.s32 @!p0 $0x1BF5;
	p2 =	por !p2, p0  }
0x20: {  	[sflag:s8] =	ssyncset.s32 @!p0 $0xFFFFF086;
	s6 =	sadd.s32 @!p0 s3, s7;
	s7 =	simm.s32 @!p0 $0x108  }
0x21: {  	s3 =	sadd.s32 s3, s9;
	s6 =	sadd.s32 @!p0 $0x88, s6;
	s7 =	simm.s32 @p2 $0x1082  }
0x22: {  	[simem:s7], [sflag:s8] =	dma.local @!p0 [hbm:s6], $0xF7A  }
0x23: {  	s9 =	sor.u32 $0xD0000000, s2;
	s6 =	simm.s32 $0x108;
	_ =	swait.ge @!p0 [sflag:s8], $0x0  }
0x24: {  	s3 =	sadd.s32 $0x88, s3;
	s6 =	simm.s32 @!p1 $0x1082;
	[sflag:s4] =	ssyncset.s32 $0xFFFFF086  }
0x25: {  	[simem:s6], [sflag:s4] =	dma.local [hbm:s3], $0xF7A  }
0x26: {  	[smem:$0x3F92] =	sst s1;
	(tag) =	ssettag s2;
	_ =	strace s9  }
0x27: {  	s1 =	sld [smem:$0x3FA2]  }
0x28: {  	s2 =	sld [smem:$0x3FA3]  }
0x29: {  	s4 =	sld [smem:$0x3FA5]  }
0x2a: {  	p0 =	seq.s32 s5, $0x0;
	s5 =	sld [smem:$0x3FA6]  }
0x2b: {  	s6 =	sld [smem:$0x3FA7]  }
0x2c: {  	s7 =	sld [smem:$0x3FA8]  }
0x2d: {  	s3 =	simm.s32 $0x108;
	s8 =	sld [smem:$0x3FA9]  }
0x2e: {  	s3 =	simm.s32 @!p0 $0x1082;
	s9 =	sld [smem:$0x3FAA]  }
0x2f: {  	lr =	sadd.s32 s0, s3;
	s0 =	sld [smem:$0x3FA1]  }
0x30: {  	s3 =	sld [smem:$0x3FA4]  }
0x31: {  	[smem:$0x3FAD] =	sst s10  }
0x32: {  	s10 =	sld [smem:$0x3FAB];
	_ =	sdelay $0x3  }
0x33: {  	p0 =	seq.s32 s10, $0x1;
	s10 =	sld [smem:$0x3FAD];
	_ =	sdelay $0x3  }
0x34: {  	[smem:$0x3FAD] =	sst s10  }
0x35: {  	s10 =	sld [smem:$0x3FAC];
	_ =	sdelay $0x3  }
0x36: {  	p1 =	seq.s32 s10, $0x1;
	s10 =	sld [smem:$0x3FAD];
	_ =	sdelay $0x3  }
0x37: {  	[smem:$0x3FAD] =	sst s10  }
0x38: {  	s10 =	sld [smem:$0x3FAE]  }
0x39: {  	_ = 	snop;
	(pc) =	sbr.ind lr, $3  }
0x3a: {  	_ = 	snop  }
0x3b: {  	_ = 	snop  }
0x3c: {  	p2 =	seq.s32 s10, $0x1;
	s10 =	sld [smem:$0x3FAD]  }
0x3d: {  	_ =	shalt  }
0x3e: {  	_ =	shalt  }
0x3f: {  	_ =	shalt  }
0x40: {  	_ =	shalt  }
0x41: {  	_ =	shalt  }
0x42: {  	_ =	shalt  }
0x43: {  	_ =	shalt  }
0x44: {  	_ =	shalt  }
0x45: {  	_ =	shalt  }
0x46: {  	_ =	shalt  }
0x47: {  	_ =	shalt  }
0x48: {  	_ =	shalt  }
0x49: {  	_ =	shalt  }
0x4a: {  	_ =	shalt  }
0x4b: {  	_ =	shalt  }
0x4c: {  	_ =	shalt  }
0x4d: {  	_ =	shalt  }
0x4e: {  	_ =	shalt  }
0x4f: {  	_ =	shalt  }
0x50: {  	_ =	shalt  }
0x51: {  	_ =	shalt  }
0x52: {  	_ =	shalt  }
0x53: {  	_ =	shalt  }
0x54: {  	_ =	shalt  }
0x55: {  	_ =	shalt  }
0x56: {  	_ =	shalt  }
0x57: {  	_ =	shalt  }
0x58: {  	_ =	shalt  }
0x59: {  	_ =	shalt  }
0x5a: {  	_ =	shalt  }
0x5b: {  	_ =	shalt  }
0x5c: {  	_ =	shalt  }
0x5d: {  	_ =	shalt  }
0x5e: {  	_ =	shalt  }
0x5f: {  	_ =	shalt  }
0x60: {  	_ =	shalt  }
0x61: {  	_ =	shalt  }
0x62: {  	_ =	shalt  }
0x63: {  	_ =	shalt  }
0x64: {  	_ =	shalt  }
0x65: {  	_ =	shalt  }
0x66: {  	_ =	shalt  }
0x67: {  	_ =	shalt  }
0x68: {  	_ =	shalt  }
0x69: {  	_ =	shalt  }
0x6a: {  	_ =	shalt  }
0x6b: {  	_ =	shalt  }
0x6c: {  	_ =	shalt  }
0x6d: {  	_ =	shalt  }
0x6e: {  	_ =	shalt  }
0x6f: {  	_ =	shalt  }
0x70: {  	_ =	shalt  }
0x71: {  	_ =	shalt  }
0x72: {  	_ =	shalt  }
0x73: {  	_ =	shalt  }
0x74: {  	_ =	shalt  }
0x75: {  	_ =	shalt  }
0x76: {  	_ =	shalt  }
0x77: {  	_ =	shalt  }
0x78: {  	_ =	shalt  }
0x79: {  	_ =	shalt  }
0x7a: {  	_ =	shalt  }
0x7b: {  	_ =	shalt  }
0x7c: {  	_ =	shalt  }
0x7d: {  	_ =	shalt  }
0x7e: {  	_ =	shalt  }
0x7f: {  	_ =	shalt  }
0x80: {  	_ =	shalt  }
0x81: {  	_ =	shalt  }
0x82: {  	_ =	shalt  }
0x83: {  	_ =	shalt  }
0x84: {  	_ =	shalt  }
0x85: {  	_ =	shalt  }
0x86: {  	_ =	shalt  }
0x87: {  	_ =	shalt  }
.Lfunc_end0:
.L_simem_size_0:
called_computation.2_lowered:
.L_overlay_start_0:
0x88: {  	s2 =	sld [smem:$0x3FD9]  }
0x89: {  	s3 =	sld [smem:$0x3FFE];
	_ =	sdelay $0x1  }
0x8a: {  	s1 =	srdreg.scid  }
0x8b: {  	s0 =	sand.u32 $0x1, s1  }
0x8c: {  	s16 =	sshll.u32 s0, $0xA;
	s2 =	sadd.s32 s3, s2  }
0x8d: {  	s2 =	sadd.s32 s2, s16  }
0x8e: {  	[smem:$0x3FB9] =	sst s2  }
0x8f: {  	_ = 	snop  }
0x90: {  	(tm) =	ssettm $0x1  }
0x91: {  	s17 =	sld [smem:$0x3FFB];
	_ =	sdelay $0x3  }
0x92: {  	_ =	strace s17  }
0x93: {  	s2 =	sld [smem:$0x3FFC];
	_ =	sdelay $0x3  }
0x94: {  	_ =	strace s2  }
0x95: {  	s2 =	sld [smem:$0x3FFD];
	_ =	sdelay $0x3  }
0x96: {  	_ =	strace s2  }
0x97: {  	_ =	strace $0x8FFFFFFF  }
0x98: {  	s18 =	sld [smem:$0x3FDB];
	_ =	sdelay $0x1  }
0x99: {  	s19 =	simm.s32 $_scs_section_size  }
0x9a: {  	s4 =	simm.s32 $_size__tile_overlayer_lowered;
	s5 =	simm.s32 $_tile_overlayer_lowered  }
0x9b: {  	s22 =	simm.s32 $0x1BFF;
	s21 =	sshll.u32 s5, $0x1;
	s2 =	sadd.s32 s19, s18  }
0x9c: {  	s6 =	simm.s32 $0x0;
	s20 =	sshll.u32 s4, $0x1;
	s4 =	sadd.s32 s21, s2  }
0x9d: {  	[timem:s6], [sflag:s22] =	dma.local [hbm:s4], s20  }
0x9e: {  	_ =	swait.ge [sflag:s22], s20  }
0x9f: {  	s3 =	ssub.s32 $0x0, s20;
	[sflag:s22] =	ssyncset.done $0x0  }
0xa0: {  	[sflag:s22] =	ssyncadd.s32 s3;
	_ =	sdelay $0x1  }
0xa1: {  	s23 =	simm.s32 $0x1B8B  }
0xa2: {  	_ =	swait.ge [sflag:s23], $0x1  }
0xa3: {  	[sflag:s23] =	ssyncset.done $0x0  }
0xa4: {  	s25 =	simm.s32 $0x1B8E;
	s24 =	sld [smem:$0x3FFE];
	[sflag:s23] =	ssyncadd.s32 $0xFFFFFFFF  }
0xa5: {  	s26 =	simm.s32 $execute0_lowered;
	[smem:$0x3FD2] =	sst s25  }
0xa6: {  	s4 =	sshll.u32 s26, $0x1;
	_ =	strace $0x8000004C;
	[dreg:$0x1] =	wrdreg $0xFFFFFFFF  }
0xa7: {  	s28 =	simm.s32 $_size_execute0_lowered;
	s2 =	sadd.s32 s2, s4;
	[dreg:$0x0] =	wrdreg $0x0  }
0xa8: {  	s4 =	sshll.u32 s28, $0x1;
	[dreg:$0x2] =	wrdreg s2  }
0xa9: {  	[dreg:$0x3] =	wrdreg s4  }
0xaa: {  	[dreg:$0x4] =	wrdreg $0xC0  }
0xab: {  	_ =	task [dreg:s6], $0x5FFFF  }
0xac: {  	[dreg:$0x1] =	wrdreg $0xFFFFFFFF  }
0xad: {  	[dreg:$0x0] =	wrdreg $0x60  }
0xae: {  	[dreg:$0x2] =	wrdreg s24  }
0xaf: {  	[dreg:$0x3] =	wrdreg $0x64000  }
0xb0: {  	[dreg:$0x4] =	wrdreg $0x9  }
0xb1: {  	_ =	task.clear_ibuf [dreg:s6], $0x5FFFF;
	_ =	strace $0x9000004C  }
0xb2: {  	s29 =	simm.s32 $0x9;
	_ =	strace $0x8000004E  }
0xb3: {  	_ =	swait.ge [sflag:s29], $0x1  }
0xb4: {  	[sflag:s29] =	ssyncadd.s32 $0xFFFFFFFF  }
0xb5: {  	_ =	strace $0x9000004E  }
0xb6: {  	_ =	sfence  }
0xb7: {  	s30 =	sld [smem:$0x0];
	_ =	sdelay $0x2  }
0xb8: {  	s31 =	sshll.u32 s1, $0xD;
	s1 =	sshrl.u32 s1, $0x2  }
0xb9: {  	s3 =	sand.u32 $0x4000, s31;
	s1 =	sadd.s32 s1, s30  }
0xba: {  	s0 =	sor.u32 s3, s0;
	s1 =	sshll.u32 s1, $0x11  }
0xbb: {  	s0 =	sor.u32 s1, s0  }
0xbc: {  	s0 =	sadd.s32 $0x8F2B, s0  }
0xbd: {  	[sflag:s0] =	ssyncadd.remote.s32 $0x1  }
0xbe: {  	_ =	sfence.sel $0xFFFF  }
0xbf: {  	[dreg:$0x0] =	wrdreg $0xFFFFFFFF;
	(pc) =	sbr.abs _section_cstart, $3  }
0xc0: {  	[dreg:$0x1] =	wrdreg $0xFFFFFFFF  }
0xc1: {  	_ =	task.clear_ibuf [dreg:s6], $0x2FFFF;
	_ =	strace $0x9FFFFFFF  }
0xc2: {  	(tm) =	ssettm $0x7FFFFFFF  }
0xc3: {  	_ =	shalt  }
tec
execute0_lowered:
.L_overlay_start_1:
0x0: {  	(tag) =	ssettag $0x1  }
0x1: {  	s0 =	rddreg [dreg:$0x0]  }
0x2: {  	s1 =	rddreg [dreg:$0x1]  }
0x3: {  	s2 =	srdreg.scid;
	s3 =	simm.s32 $0x0;
	s10 =	stileid.u32  }
0x4: {  	s28 =	simm.s32 $0x300;
	s29 =	simm.s32 $0x1;
	s30 =	simm.s32 $0x60  }
0x5: {  	s31 =	simm.s32 $0x2;
	s12 =	simm.s32 $0x380;
	s6 =	smul.u32 $0x13C00, s10  }
0x6: {  	s13 =	simm.s32 $0x0;
	s2 =	sand.u32 $0x1, s2;
	s16 =	smul.u32 $0x4F000, s10  }
0x7: {  	[smem:$0x7FF] =	sst s3;
	s8 =	sshll.u32 s10, $0x1;
	s10 =	smul.u32 $0xD2, s10  }
0x8: {  	s4 =	sadd.s32 $0x1F200, s0;
	s7 =	sadd.s32 $0x4800, s0;
	s5 =	smul.u32 $0x13C000, s2  }
0x9: {  	s17 =	ssub.s32 $0x2, s2;
	s8 =	sor.u32 s2, s8;
	s2 =	smul.u32 $0x69, s2  }
0xa: {  	s15 =	sadd.s32 $0x1EC00, s0;
	_ =	strace $0x8000004D;
	s18 =	smul.u32 $0x6900, s8  }
0xb: {  	[dreg:$0x3] =	wrdreg s15;
	s9 =	sshrl.u32 s17, $0x1;
	s8 =	smul.u32 $0xD20, s8  }
0xc: {  	s5 =	sadd.s32 s6, s5;
	s6 =	sshrl.u32 s16, $0x2;
	s2 =	sadd.s32 s2, s10  }
0xd: {  	s10 =	simm.s32 $0x4;
	s6 =	sadd.s32 s6, s1;
	s8 =	sadd.s32 s7, s8  }
0xe: {  	s5 =	sshrl.u32 s5, $0x3;
	s11 =	sadd.s32 $0x3000, s6;
	[dreg:$0xa] =	wrdreg s8  }
0xf: {  	s2 =	sshll.u32 s2, $0x5;
	s19 =	sadd.s32 $0x6000, s6;
	[dreg:$0x4] =	wrdreg s11  }
0x10: {  	s0 =	sadd.s32 s5, s0;
	s20 =	sadd.s32 $0x9000, s6;
	[dreg:$0x5] =	wrdreg s19  }
0x11: {  	s5 =	ssub.s32 s17, s9;
	s21 =	sadd.s32 $0xC000, s6;
	[dreg:$0x6] =	wrdreg s20  }
0x12: {  	s22 =	sadd.s32 $0xF000, s6;
	s9 =	sshrl.u32 s18, $0x3;
	[dreg:$0x7] =	wrdreg s21  }
0x13: {  	s23 =	sadd.s32 $0x12000, s6;
	s2 =	sadd.s32 s2, s7;
	[dreg:$0x8] =	wrdreg s22  }
0x14: {  	s8 =	simm.s32 $0x6;
	[dreg:$0x9] =	wrdreg s23;
	s9 =	sadd.s32 s7, s9  }
0x15: {  	s0 =	sadd.s32 $0x46400, s0;
	s18 =	smax.u32 s5, $0x1;
	s19 =	sadd.s32 $0xE0, s2  }
0x16: {  	s20 =	sadd.s32 $0xC0, s2;
	s21 =	sadd.s32 $0xA0, s2;
	s22 =	sadd.s32 $0x80, s2  }
0x17: {  	s23 =	simm.s32 $0x400;
	s2 =	simm.s32 $0x5;
	s5 =	simm.s32 $0x80  }
.Ltmp0:
0x18: {  	s24 =	sadd.s32 $0x20, s9;
	[dreg:$0xe] =	wrdreg s0;
	(pc) =	sbr.rel .LBB2_1-.Ltmp0, $4  }
0x19: {  	s7 =	simm.s32 $0x3;
	s25 =	sadd.s32 $0x40, s9;
	[dreg:$0xb] =	wrdreg s24  }
0x1a: {  	s11 =	simm.s32 $0x280;
	s26 =	sadd.s32 $0x60, s9;
	[dreg:$0xc] =	wrdreg s25  }
0x1b: {  	s0 =	simm.s32 $0x3400;
	s9 =	simm.s32 $0x180;
	[dreg:$0xd] =	wrdreg s26  }
0x1c: {  	s24 =	simm.s32 $0x7;
	s25 =	simm.s32 $0x100;
	s26 =	simm.s32 $0x200  }
.LBB2_4:
0x1d: {  	_ =	swait.ge [sflag:s2], $0x3000  }
0x1e: {  	[sflag:s2] =	ssyncset.done $0x0  }
0x1f: {  	[sflag:s2] =	ssyncadd.s32 $0xFFFFD000  }
0x20: {  	[spmem:s1] =	stream.indirect.scatter.add.f32 [tilespmem:s23], [sflag:$0x7], $0x80, s5, s30, $0xb8;
	[tilespmem:$0x1A000] =	vst v63  }
0x21: {  	_ =	swait.ge [sflag:s24], $0x3000  }
0x22: {  	s14 =	stileid.u32;
	[sflag:s24] =	ssyncset.done $0x0  }
0x23: {  	s15 =	sshrl.u32 s6, $0x3;
	s13 =	sadd.s32 $0x1, s13;
	[sflag:s24] =	ssyncadd.s32 $0xFFFFD000  }
0x24: {  	s14 =	sshll.u32 s14, $0x6;
	p0 =	sne.s32 s13, s18;
	[bflag:$0x0] =	sbarrier.arrive $0xFFFF  }
.Ltmp1:
0x25: {  	s14 =	sor.u32 $0x1C07, s14;
	s16 =	rddreg [dreg:$0xe];
	(pc) =	sbr.rel @!p0 .LBB2_5-.Ltmp1, $4  }
0x26: {  	[hbm:s16], [sflag:s14] =	dma.local [spmem:s15], $0x2780  }
0x27: {  	_ =	swait.ge [sflag:s24], $0x2780  }
0x28: {  	[sflag:s24] =	ssyncset.done $0x0  }
0x29: {  	[sflag:s24] =	ssyncadd.s32 $0xFFFFD880  }
.LBB2_1:
0x2a: {  	s14 =	rddreg [dreg:$0x3]  }
0x2b: {  	[tilespmem:s23], [sflag:$0x7] =	stream.linear.gather [hbm4b:s14+s3], $0x3000, $0x38;
	[tilespmem:$0x1A000] =	vst v63  }
0x2c: {  	_ =	swait.ge [sflag:s24], $0x3000  }
0x2d: {  	[sflag:s24] =	ssyncset.done $0x0  }
0x2e: {  	[sflag:s24] =	ssyncadd.s32 $0xFFFFD000  }
0x2f: {  	[spmem:s6] =	stream.linear.scatter [tilespmem:s23], [sflag:$0x7], $0x3000, $0x38;
	[tilespmem:$0x1A000] =	vst v63  }
0x30: {  	_ =	swait.ge [sflag:s24], $0x3000  }
0x31: {  	[sflag:s24] =	ssyncset.done $0x0  }
0x32: {  	s17 =	rddreg [dreg:$0x4];
	[sflag:s24] =	ssyncadd.s32 $0xFFFFD000  }
0x33: {  	[spmem:s17] =	stream.linear.scatter [tilespmem:s23], [sflag:$0x7], $0x3000, $0x38;
	[tilespmem:$0x1A000] =	vst v63  }
0x34: {  	_ =	swait.ge [sflag:s24], $0x3000  }
0x35: {  	[sflag:s24] =	ssyncset.done $0x0  }
0x36: {  	s15 =	rddreg [dreg:$0x5];
	[sflag:s24] =	ssyncadd.s32 $0xFFFFD000  }
0x37: {  	[spmem:s15] =	stream.linear.scatter [tilespmem:s23], [sflag:$0x7], $0x3000, $0x38;
	[tilespmem:$0x1A000] =	vst v63  }
0x38: {  	_ =	swait.ge [sflag:s24], $0x3000  }
0x39: {  	[sflag:s24] =	ssyncset.done $0x0  }
0x3a: {  	s16 =	rddreg [dreg:$0x6];
	[sflag:s24] =	ssyncadd.s32 $0xFFFFD000  }
0x3b: {  	[spmem:s16] =	stream.linear.scatter [tilespmem:s23], [sflag:$0x7], $0x3000, $0x38;
	[tilespmem:$0x1A000] =	vst v63  }
0x3c: {  	_ =	swait.ge [sflag:s24], $0x3000  }
0x3d: {  	[sflag:s24] =	ssyncset.done $0x0  }
0x3e: {  	s17 =	rddreg [dreg:$0x7];
	[sflag:s24] =	ssyncadd.s32 $0xFFFFD000  }
0x3f: {  	[spmem:s17] =	stream.linear.scatter [tilespmem:s23], [sflag:$0x7], $0x3000, $0x38;
	[tilespmem:$0x1A000] =	vst v63  }
0x40: {  	_ =	swait.ge [sflag:s24], $0x3000  }
0x41: {  	[sflag:s24] =	ssyncset.done $0x0  }
0x42: {  	s15 =	rddreg [dreg:$0x8];
	[sflag:s24] =	ssyncadd.s32 $0xFFFFD000  }
0x43: {  	[spmem:s15] =	stream.linear.scatter [tilespmem:s23], [sflag:$0x7], $0x3000, $0x38;
	[tilespmem:$0x1A000] =	vst v63  }
0x44: {  	_ =	swait.ge [sflag:s24], $0x3000  }
0x45: {  	[sflag:s24] =	ssyncset.done $0x0  }
0x46: {  	s16 =	rddreg [dreg:$0x9];
	[sflag:s24] =	ssyncadd.s32 $0xFFFFD000  }
0x47: {  	[spmem:s16] =	stream.linear.scatter [tilespmem:s23], [sflag:$0x7], $0x1C00, $0x38;
	[tilespmem:$0x1A000] =	vst v63  }
0x48: {  	_ =	swait.ge [sflag:s24], $0x1C00  }
0x49: {  	[sflag:s24] =	ssyncset.done $0x0  }
0x4a: {  	[sflag:s24] =	ssyncadd.s32 $0xFFFFE400  }
0x4b: {  	[bflag:$0x0] =	sbarrier.arrive $0xFFFF  }
0x4c: {  	s17 =	rddreg [dreg:$0xa]  }
0x4d: {  	[tilespmem:s3], [sflag:$0x1] =	stream.linear.gather [hbm4b:s17+s3], $0x100, $0x38;
	[tilespmem:$0x1A000] =	vst v63  }
0x4e: {  	s15 =	rddreg [dreg:$0xb]  }
0x4f: {  	[tilespmem:s25], [sflag:$0x2] =	stream.linear.gather [hbm4b:s15+s3], $0x100, $0x38;
	[tilespmem:$0x1A000] =	vst v63  }
0x50: {  	s16 =	rddreg [dreg:$0xc]  }
0x51: {  	[tilespmem:s26], [sflag:$0x3] =	stream.linear.gather [hbm4b:s16+s3], $0x100, $0x38;
	[tilespmem:$0x1A000] =	vst v63  }
0x52: {  	s17 =	rddreg [dreg:$0xd]  }
0x53: {  	[tilespmem:s28], [sflag:$0x4] =	stream.linear.gather [hbm4b:s17+s3], $0x100, $0x38;
	[tilespmem:$0x1A000] =	vst v63  }
0x54: {  	_ =	swait.ge [sflag:s29], $0x100  }
0x55: {  	[sflag:s29] =	ssyncset.done $0x0  }
0x56: {  	s14 =	simm.s32 $0x0;
	[sflag:s29] =	ssyncadd.s32 $0xFFFFFF00  }
0x57: {  	[tilespmem:s23], [sflag:$0x5] =	stream.indirect.gather [hbm4b:s4+s30], $0x80, s3, s30, $0xb8;
	[tilespmem:$0x1A000] =	vst v63  }
.LBB2_2:
0x58: {  	_ =	swait.ge [sflag:s31], $0x100  }
0x59: {  	[sflag:s31] =	ssyncset.done $0x0  }
0x5a: {  	[sflag:s31] =	ssyncadd.s32 $0xFFFFFF00  }
0x5b: {  	[tilespmem:s0], [sflag:$0x6] =	stream.indirect.gather [hbm4b:s4+s30], $0x80, s25, s30, $0xb8;
	[tilespmem:$0x1A000] =	vst v63  }
0x5c: {  	_ =	swait.ge [sflag:s2], $0x3000  }
0x5d: {  	[sflag:s2] =	ssyncset.done $0x0  }
0x5e: {  	[sflag:s2] =	ssyncadd.s32 $0xFFFFD000  }
0x5f: {  	[spmem:s1] =	stream.indirect.scatter.add.f32 [tilespmem:s23], [sflag:$0x7], $0x80, s5, s30, $0xb8;
	[tilespmem:$0x1A000] =	vst v63  }
0x60: {  	_ =	swait.ge [sflag:s24], $0x3000  }
0x61: {  	[sflag:s24] =	ssyncset.done $0x0  }
0x62: {  	s15 =	sadd.s32 s14, s22;
	[sflag:s24] =	ssyncadd.s32 $0xFFFFD000  }
0x63: {  	[tilespmem:s3], [sflag:$0x1] =	stream.linear.gather [hbm4b:s15+s3], $0x100, $0x38;
	[tilespmem:$0x1A000] =	vst v63  }
0x64: {  	_ =	swait.ge [sflag:s7], $0x100  }
0x65: {  	[sflag:s7] =	ssyncset.done $0x0  }
0x66: {  	[sflag:s7] =	ssyncadd.s32 $0xFFFFFF00  }
0x67: {  	[tilespmem:s23], [sflag:$0x5] =	stream.indirect.gather [hbm4b:s4+s30], $0x80, s26, s30, $0xb8;
	[tilespmem:$0x1A000] =	vst v63  }
0x68: {  	_ =	swait.ge [sflag:s8], $0x3000  }
0x69: {  	[sflag:s8] =	ssyncset.done $0x0  }
0x6a: {  	[sflag:s8] =	ssyncadd.s32 $0xFFFFD000  }
0x6b: {  	[spmem:s1] =	stream.indirect.scatter.add.f32 [tilespmem:s0], [sflag:$0x7], $0x80, s9, s30, $0xb8;
	[tilespmem:$0x1A000] =	vst v63  }
0x6c: {  	p0 =	seq.s32 s14, $0xC80;
	_ =	swait.ge [sflag:s24], $0x3000  }
0x6d: {  	s16 =	simm.s32 @!p0 $0x0;
	[sflag:s24] =	ssyncset.done $0x0  }
0x6e: {  	s17 =	simm.s32 @!p0 $0x100;
	s15 =	sadd.s32 @!p0 s14, s21;
	[sflag:s24] =	ssyncadd.s32 $0xFFFFD000  }
0x6f: {  	[tilespmem:s17], [sflag:$0x2] =	stream.linear.gather @!p0 [hbm4b:s15+s16], $0x100, $0x38;
	[tilespmem:$0x1A000] =	vst v63  }
0x70: {  	_ =	swait.ge [sflag:s10], $0x100  }
0x71: {  	[sflag:s10] =	ssyncset.done $0x0  }
0x72: {  	[sflag:s10] =	ssyncadd.s32 $0xFFFFFF00  }
0x73: {  	[tilespmem:s0], [sflag:$0x6] =	stream.indirect.gather [hbm4b:s4+s30], $0x80, s28, s30, $0xb8;
	[tilespmem:$0x1A000] =	vst v63  }
0x74: {  	_ =	swait.ge [sflag:s2], $0x3000  }
0x75: {  	[sflag:s2] =	ssyncset.done $0x0  }
0x76: {  	[sflag:s2] =	ssyncadd.s32 $0xFFFFD000  }
0x77: {  	[spmem:s1] =	stream.indirect.scatter.add.f32 [tilespmem:s23], [sflag:$0x7], $0x80, s11, s30, $0xb8;
	[tilespmem:$0x1A000] =	vst v63  }
0x78: {  	_ =	swait.ge [sflag:s24], $0x3000  }
0x79: {  	[sflag:s24] =	ssyncset.done $0x0  }
0x7a: {  	s15 =	sadd.s32 @!p0 s14, s20;
	s17 =	simm.s32 @!p0 $0x200;
	[sflag:s24] =	ssyncadd.s32 $0xFFFFD000  }
0x7b: {  	[tilespmem:s17], [sflag:$0x3] =	stream.linear.gather @!p0 [hbm4b:s15+s16], $0x100, $0x38;
	[tilespmem:$0x1A000] =	vst v63  }
0x7c: {  	_ =	swait.ge [sflag:s29], $0x100  }
0x7d: {  	[sflag:s29] =	ssyncset.done $0x0  }
0x7e: {  	[sflag:s29] =	ssyncadd.s32 $0xFFFFFF00  }
0x7f: {  	[tilespmem:s23], [sflag:$0x5] =	stream.indirect.gather [hbm4b:s4+s30], $0x80, s3, s30, $0xb8;
	[tilespmem:$0x1A000] =	vst v63  }
0x80: {  	_ =	swait.ge [sflag:s8], $0x3000  }
0x81: {  	[sflag:s8] =	ssyncset.done $0x0  }
.Ltmp2:
0x82: {  	[sflag:s8] =	ssyncadd.s32 $0xFFFFD000;
	(pc) =	sbr.rel @p0 .LBB2_4-.Ltmp2, $4  }
0x83: {  	[spmem:s1] =	stream.indirect.scatter.add.f32 [tilespmem:s0], [sflag:$0x7], $0x80, s12, s30, $0xb8;
	[tilespmem:$0x1A000] =	vst v63  }
0x84: {  	_ =	swait.ge [sflag:s24], $0x3000  }
0x85: {  	[sflag:s24] =	ssyncset.done $0x0  }
0x86: {  	[sflag:s24] =	ssyncadd.s32 $0xFFFFD000  }
.Ltmp3:
0x87: {  	(pc) =	sbr.rel .LBB2_2-.Ltmp3, $3  }
0x88: {  	_ =	sdelay $0x1  }
0x89: {  	s15 =	sadd.s32 s14, s19;
	s14 =	sadd.s32 $0x80, s14  }
0x8a: {  	[tilespmem:s28], [sflag:$0x4] =	stream.linear.gather [hbm4b:s15+s3], $0x100, $0x38;
	[tilespmem:$0x1A000] =	vst v63  }
.LBB2_5:
0x8b: {  	_ =	sfence.sel $0x180000  }
0x8c: {  	[bflag:$0x0] =	sbarrier.arrive $0xFFFF  }
0x8d: {  	_ =	strace $0x9000004D  }
0x8e: {  	s0 =	stileid.u32;
	[bflag:$0x2] =	sbarrier.arrive $0xFFFF  }
0x8f: {  	p0 =	sne.s32 s0, $0x0;
	s0 =	rddreg [dreg:$0x2]  }
0x90: {  	s0 =	sadd.s32 @!p0 $0x100000, s0  }
0x91: {  	[sflag:s0] =	ssyncadd.tile.s32 @!p0 $0x1;
	_ =	shalt  }
.Lfunc_end2:
_tile_overlayer_lowered:
.L_overlay_start_2:
0x92: {  	(tag) =	ssettag $0x2  }
0x93: {  	s0 =	rddreg [dreg:$0x0];
	s2 =	stileid.u32  }
0x94: {  	s1 =	rddreg [dreg:$0x1];
	p0 =	sne.s32 s2, $0x0  }
0x95: {  	s3 =	rddreg [dreg:$0x2];
	[bflag:$0x3] =	sbarrier.arrive $0xFFFF;
	s2 =	simm.s32 @!p0 $0x1C07  }
0x96: {  	[timem:s3], [sflag:s2] =	dma.local @!p0 [hbm:s0], s1  }
0x97: {  	s0 =	simm.s32 @!p0 $0x7  }
0x98: {  	_ =	swait.ge @!p0 [sflag:s0], s1  }
0x99: {  	s1 =	ssub.s32 @!p0 $0x0, s1;
	[sflag:s0] =	ssyncset.done @!p0 $0x0  }
0x9a: {  	[sflag:s0] =	ssyncadd.s32 @!p0 s1  }
0x9b: {  	[bflag:$0x3] =	sbarrier.arrive $0xFFFF  }
0x9c: {  	_ =	shalt  }

// kernel: kernel.8.cloned.1.call-start
scs
__scs_entry_jumppad:
0x0: {  	(pc) =	sbr.rel $0x88, $3  }
0x1: {  	(tag) =	ssettag $0x0;
	lr =	simm.s32 $0x1  }
0x2: {  	[smem:$0x3F92] =	sst lr;
	_ =	strace $0xD0000000  }
0x3: {  	_ = 	snop  }
0x4: {  	_ = 	snop  }
0x5: {  	_ = 	snop  }
0x6: {  	_ = 	snop  }
0x7: {  	_ = 	snop  }
__scs_overlays_trampoline_lowered:
0x8: {  	[smem:$0x3FA1] =	sst s0  }
0x9: {  	[smem:$0x3FA2] =	sst s1  }
0xa: {  	[smem:$0x3FA3] =	sst s2  }
0xb: {  	[smem:$0x3FA4] =	sst s3  }
0xc: {  	[smem:$0x3FA5] =	sst s4  }
0xd: {  	[smem:$0x3FA6] =	sst s5  }
0xe: {  	[smem:$0x3FA7] =	sst s6  }
0xf: {  	[smem:$0x3FA8] =	sst s7  }
0x10: {  	[smem:$0x3FA9] =	sst s8  }
0x11: {  	[smem:$0x3FAA] =	sst s9;
	s0 =	simm.s32 @!p0 $0x0  }
0x12: {  	s1 =	sld [smem:$0x3F90];
	s0 =	simm.s32 @p0 $0x1  }
0x13: {  	[smem:$0x3FAB] =	sst s0;
	s0 =	simm.s32 @!p1 $0x0  }
0x14: {  	s2 =	sld [smem:$0x3F8F];
	s0 =	simm.s32 @p1 $0x1  }
0x15: {  	[smem:$0x3FAC] =	sst s0;
	s0 =	simm.s32 @!p2 $0x0  }
0x16: {  	s3 =	sld [smem:$0x3FDB];
	s0 =	simm.s32 @p2 $0x1  }
0x17: {  	s4 =	simm.s32 $0x1BF5;
	[smem:$0x3FAE] =	sst s0  }
0x18: {  	s0 =	sld [smem:$0x3F91];
	_ =	swait.ge [sflag:s4], $0x0  }
0x19: {  	s7 =	sld [smem:$0x3F92]  }
0x1a: {  	s8 =	sadd.s32 $0xFFFFE003, lr  }
0x1b: {  	s9 =	sadd.s32 $0xFFFFFEF7, lr;
	s5 =	simm.s32 $0xFFFFFFFF;
	p2 =	slt.u32 s8, $0xFFFFF086  }
0x1c: {  	p1 =	slt.u32 s9, $0xF7A;
	s5 =	simm.s32 @!p2 $0x0  }
0x1d: {  	s5 =	simm.s32 @p1 $0x1;
	p0 =	seq.s32 s7, s2  }
0x1e: {  	s7 =	smul.u32 @!p0 $0xF7A, s2;
	p2 =	seq.s32 @!p0 s5, $0x0  }
0x1f: {  	s9 =	smul.u32 $0xF7A, s1;
	s8 =	simm.s32 @!p0 $0x1BF5;
	p2 =	por !p2, p0  }
0x20: {  	[sflag:s8] =	ssyncset.s32 @!p0 $0xFFFFF086;
	s6 =	sadd.s32 @!p0 s3, s7;
	s7 =	simm.s32 @!p0 $0x108  }
0x21: {  	s3 =	sadd.s32 s3, s9;
	s6 =	sadd.s32 @!p0 $0x88, s6;
	s7 =	simm.s32 @p2 $0x1082  }
0x22: {  	[simem:s7], [sflag:s8] =	dma.local @!p0 [hbm:s6], $0xF7A  }
0x23: {  	s9 =	sor.u32 $0xD0000000, s2;
	s6 =	simm.s32 $0x108;
	_ =	swait.ge @!p0 [sflag:s8], $0x0  }
0x24: {  	s3 =	sadd.s32 $0x88, s3;
	s6 =	simm.s32 @!p1 $0x1082;
	[sflag:s4] =	ssyncset.s32 $0xFFFFF086  }
0x25: {  	[simem:s6], [sflag:s4] =	dma.local [hbm:s3], $0xF7A  }
0x26: {  	[smem:$0x3F92] =	sst s1;
	(tag) =	ssettag s2;
	_ =	strace s9  }
0x27: {  	s1 =	sld [smem:$0x3FA2]  }
0x28: {  	s2 =	sld [smem:$0x3FA3]  }
0x29: {  	s4 =	sld [smem:$0x3FA5]  }
0x2a: {  	p0 =	seq.s32 s5, $0x0;
	s5 =	sld [smem:$0x3FA6]  }
0x2b: {  	s6 =	sld [smem:$0x3FA7]  }
0x2c: {  	s7 =	sld [smem:$0x3FA8]  }
0x2d: {  	s3 =	simm.s32 $0x108;
	s8 =	sld [smem:$0x3FA9]  }
0x2e: {  	s3 =	simm.s32 @!p0 $0x1082;
	s9 =	sld [smem:$0x3FAA]  }
0x2f: {  	lr =	sadd.s32 s0, s3;
	s0 =	sld [smem:$0x3FA1]  }
0x30: {  	s3 =	sld [smem:$0x3FA4]  }
0x31: {  	[smem:$0x3FAD] =	sst s10  }
0x32: {  	s10 =	sld [smem:$0x3FAB];
	_ =	sdelay $0x3  }
0x33: {  	p0 =	seq.s32 s10, $0x1;
	s10 =	sld [smem:$0x3FAD];
	_ =	sdelay $0x3  }
0x34: {  	[smem:$0x3FAD] =	sst s10  }
0x35: {  	s10 =	sld [smem:$0x3FAC];
	_ =	sdelay $0x3  }
0x36: {  	p1 =	seq.s32 s10, $0x1;
	s10 =	sld [smem:$0x3FAD];
	_ =	sdelay $0x3  }
0x37: {  	[smem:$0x3FAD] =	sst s10  }
0x38: {  	s10 =	sld [smem:$0x3FAE]  }
0x39: {  	_ = 	snop;
	(pc) =	sbr.ind lr, $3  }
0x3a: {  	_ = 	snop  }
0x3b: {  	_ = 	snop  }
0x3c: {  	p2 =	seq.s32 s10, $0x1;
	s10 =	sld [smem:$0x3FAD]  }
0x3d: {  	_ =	shalt  }
0x3e: {  	_ =	shalt  }
0x3f: {  	_ =	shalt  }
0x40: {  	_ =	shalt  }
0x41: {  	_ =	shalt  }
0x42: {  	_ =	shalt  }
0x43: {  	_ =	shalt  }
0x44: {  	_ =	shalt  }
0x45: {  	_ =	shalt  }
0x46: {  	_ =	shalt  }
0x47: {  	_ =	shalt  }
0x48: {  	_ =	shalt  }
0x49: {  	_ =	shalt  }
0x4a: {  	_ =	shalt  }
0x4b: {  	_ =	shalt  }
0x4c: {  	_ =	shalt  }
0x4d: {  	_ =	shalt  }
0x4e: {  	_ =	shalt  }
0x4f: {  	_ =	shalt  }
0x50: {  	_ =	shalt  }
0x51: {  	_ =	shalt  }
0x52: {  	_ =	shalt  }
0x53: {  	_ =	shalt  }
0x54: {  	_ =	shalt  }
0x55: {  	_ =	shalt  }
0x56: {  	_ =	shalt  }
0x57: {  	_ =	shalt  }
0x58: {  	_ =	shalt  }
0x59: {  	_ =	shalt  }
0x5a: {  	_ =	shalt  }
0x5b: {  	_ =	shalt  }
0x5c: {  	_ =	shalt  }
0x5d: {  	_ =	shalt  }
0x5e: {  	_ =	shalt  }
0x5f: {  	_ =	shalt  }
0x60: {  	_ =	shalt  }
0x61: {  	_ =	shalt  }
0x62: {  	_ =	shalt  }
0x63: {  	_ =	shalt  }
0x64: {  	_ =	shalt  }
0x65: {  	_ =	shalt  }
0x66: {  	_ =	shalt  }
0x67: {  	_ =	shalt  }
0x68: {  	_ =	shalt  }
0x69: {  	_ =	shalt  }
0x6a: {  	_ =	shalt  }
0x6b: {  	_ =	shalt  }
0x6c: {  	_ =	shalt  }
0x6d: {  	_ =	shalt  }
0x6e: {  	_ =	shalt  }
0x6f: {  	_ =	shalt  }
0x70: {  	_ =	shalt  }
0x71: {  	_ =	shalt  }
0x72: {  	_ =	shalt  }
0x73: {  	_ =	shalt  }
0x74: {  	_ =	shalt  }
0x75: {  	_ =	shalt  }
0x76: {  	_ =	shalt  }
0x77: {  	_ =	shalt  }
0x78: {  	_ =	shalt  }
0x79: {  	_ =	shalt  }
0x7a: {  	_ =	shalt  }
0x7b: {  	_ =	shalt  }
0x7c: {  	_ =	shalt  }
0x7d: {  	_ =	shalt  }
0x7e: {  	_ =	shalt  }
0x7f: {  	_ =	shalt  }
0x80: {  	_ =	shalt  }
0x81: {  	_ =	shalt  }
0x82: {  	_ =	shalt  }
0x83: {  	_ =	shalt  }
0x84: {  	_ =	shalt  }
0x85: {  	_ =	shalt  }
0x86: {  	_ =	shalt  }
0x87: {  	_ =	shalt  }
.Lfunc_end0:
.L_simem_size_0:
called_computation_lowered:
.L_overlay_start_0:
0x88: {  	s2 =	sld [smem:$0x3FD9]  }
0x89: {  	s3 =	sld [smem:$0x3FFE];
	_ =	sdelay $0x1  }
0x8a: {  	s1 =	srdreg.scid  }
0x8b: {  	s0 =	sand.u32 $0x1, s1  }
0x8c: {  	s17 =	sshll.u32 s0, $0xA;
	s2 =	sadd.s32 s3, s2  }
0x8d: {  	s2 =	sadd.s32 s2, s17  }
0x8e: {  	[smem:$0x3FB9] =	sst s2  }
0x8f: {  	_ = 	snop  }
0x90: {  	s2 =	sld [smem:$0x3FC9];
	(tm) =	ssettm $0x1  }
0x91: {  	s18 =	sld [smem:$0x3FFB];
	_ =	sdelay $0x3  }
0x92: {  	_ =	strace s18  }
0x93: {  	s3 =	sld [smem:$0x3FFC];
	_ =	sdelay $0x3  }
0x94: {  	_ =	strace s3  }
0x95: {  	s3 =	sld [smem:$0x3FFD];
	_ =	sdelay $0x3  }
0x96: {  	_ =	strace s3  }
0x97: {  	_ =	strace $0x8FFFFFFF  }
0x98: {  	s19 =	sld [smem:$0x3FDB];
	_ =	sdelay $0x1  }
0x99: {  	s4 =	simm.s32 $_scs_section_size  }
0x9a: {  	s5 =	simm.s32 $_size__tile_overlayer_lowered;
	s6 =	simm.s32 $_tile_overlayer_lowered  }
0x9b: {  	s22 =	simm.s32 $0x1BFF;
	s21 =	sshll.u32 s6, $0x1;
	s3 =	sadd.s32 s4, s19  }
0x9c: {  	s7 =	simm.s32 $0x0;
	s20 =	sshll.u32 s5, $0x1;
	s5 =	sadd.s32 s21, s3  }
0x9d: {  	[timem:s7], [sflag:s22] =	dma.local [hbm:s5], s20  }
0x9e: {  	_ =	swait.ge [sflag:s22], s20  }
0x9f: {  	s4 =	ssub.s32 $0x0, s20;
	[sflag:s22] =	ssyncset.done $0x0  }
0xa0: {  	[sflag:s22] =	ssyncadd.s32 s4;
	_ =	sdelay $0x1  }
0xa1: {  	s23 =	simm.s32 $0x1B8B  }
0xa2: {  	_ =	swait.ge [sflag:s23], $0x1  }
0xa3: {  	[sflag:s23] =	ssyncset.done $0x0  }
0xa4: {  	s25 =	simm.s32 $0x1B8E;
	s24 =	sld [smem:$0x3FFE];
	[sflag:s23] =	ssyncadd.s32 $0xFFFFFFFF  }
0xa5: {  	s26 =	simm.s32 $execute0_lowered;
	[smem:$0x3FD2] =	sst s25  }
0xa6: {  	s5 =	sshll.u32 s26, $0x1;
	_ =	strace $0x80000046;
	[dreg:$0x1] =	wrdreg $0xFFFFFFFF  }
0xa7: {  	s28 =	simm.s32 $_size_execute0_lowered;
	s3 =	sadd.s32 s3, s5;
	[dreg:$0x0] =	wrdreg $0x0  }
0xa8: {  	s5 =	sshll.u32 s28, $0x1;
	[dreg:$0x2] =	wrdreg s3  }
0xa9: {  	[dreg:$0x3] =	wrdreg s5  }
0xaa: {  	[dreg:$0x4] =	wrdreg $0xC0  }
0xab: {  	_ =	task [dreg:s7], $0x5FFFF  }
0xac: {  	[dreg:$0x1] =	wrdreg $0xFFFFFFFF  }
0xad: {  	[dreg:$0x0] =	wrdreg $0x60  }
0xae: {  	[dreg:$0x2] =	wrdreg s2  }
0xaf: {  	[dreg:$0x3] =	wrdreg s24  }
0xb0: {  	[dreg:$0x4] =	wrdreg $0x64000  }
0xb1: {  	[dreg:$0x5] =	wrdreg $0x9  }
0xb2: {  	_ =	task.clear_ibuf [dreg:s7], $0x6FFFF;
	_ =	strace $0x90000046  }
0xb3: {  	s29 =	simm.s32 $0x9;
	_ =	strace $0x80000048  }
0xb4: {  	_ =	swait.ge [sflag:s29], $0x1  }
0xb5: {  	[sflag:s29] =	ssyncadd.s32 $0xFFFFFFFF  }
0xb6: {  	_ =	strace $0x90000048  }
0xb7: {  	_ =	sfence  }
0xb8: {  	s30 =	sld [smem:$0x0];
	_ =	sdelay $0x2  }
0xb9: {  	s31 =	sshll.u32 s1, $0xD;
	s1 =	sshrl.u32 s1, $0x2  }
0xba: {  	s3 =	sand.u32 $0x4000, s31;
	s1 =	sadd.s32 s1, s30  }
0xbb: {  	s0 =	sor.u32 s3, s0;
	s1 =	sshll.u32 s1, $0x11  }
0xbc: {  	s0 =	sor.u32 s1, s0  }
0xbd: {  	s0 =	sadd.s32 $0x8F2B, s0  }
0xbe: {  	[sflag:s0] =	ssyncadd.remote.s32 $0x1  }
0xbf: {  	_ =	sfence.sel $0xFFFF  }
0xc0: {  	[dreg:$0x0] =	wrdreg $0xFFFFFFFF;
	(pc) =	sbr.abs _section_cstart, $3  }
0xc1: {  	[dreg:$0x1] =	wrdreg $0xFFFFFFFF  }
0xc2: {  	_ =	task.clear_ibuf [dreg:s7], $0x2FFFF;
	_ =	strace $0x9FFFFFFF  }
0xc3: {  	(tm) =	ssettm $0x7FFFFFFF  }
tec
execute0_lowered:
.L_overlay_start_1:
0x0: {  	(tag) =	ssettag $0x1  }
0x1: {  	s0 =	rddreg [dreg:$0x0]  }
0x2: {  	s1 =	rddreg [dreg:$0x1];
	s2 =	srdreg.scid  }
0x3: {  	s3 =	rddreg [dreg:$0x2];
	s10 =	stileid.u32  }
0x4: {  	s4 =	simm.s32 $0x0;
	s28 =	simm.s32 $0x300;
	s29 =	simm.s32 $0x1  }
0x5: {  	s30 =	simm.s32 $0x60;
	s31 =	simm.s32 $0x2;
	s6 =	smul.u32 $0x13C00, s10  }
0x6: {  	s12 =	simm.s32 $0x380;
	s13 =	simm.s32 $0x0;
	s16 =	smul.u32 $0x4F000, s10  }
0x7: {  	s2 =	sand.u32 $0x1, s2;
	s8 =	sshll.u32 s10, $0x1;
	s10 =	smul.u32 $0xD2, s10  }
0x8: {  	[smem:$0x7FF] =	sst s4;
	s7 =	sadd.s32 $0x4800, s1;
	s5 =	smul.u32 $0x13C000, s2  }
0x9: {  	s17 =	ssub.s32 $0x2, s2;
	s8 =	sor.u32 s2, s8;
	s2 =	smul.u32 $0x69, s2  }
0xa: {  	s15 =	sadd.s32 $0x1EC00, s1;
	_ =	strace $0x80000047;
	s18 =	smul.u32 $0x6900, s8  }
0xb: {  	[dreg:$0x4] =	wrdreg s15;
	s9 =	sshrl.u32 s17, $0x1;
	s8 =	smul.u32 $0xD20, s8  }
0xc: {  	s5 =	sadd.s32 s6, s5;
	s6 =	sshrl.u32 s16, $0x2;
	s2 =	sadd.s32 s2, s10  }
0xd: {  	s10 =	simm.s32 $0x4;
	s6 =	sadd.s32 s6, s3;
	s8 =	sadd.s32 s7, s8  }
0xe: {  	s5 =	sshrl.u32 s5, $0x3;
	s11 =	sadd.s32 $0x3000, s6;
	[dreg:$0xb] =	wrdreg s8  }
0xf: {  	s2 =	sshll.u32 s2, $0x5;
	s19 =	sadd.s32 $0x6000, s6;
	[dreg:$0x5] =	wrdreg s11  }
0x10: {  	s1 =	sadd.s32 s5, s1;
	s20 =	sadd.s32 $0x9000, s6;
	[dreg:$0x6] =	wrdreg s19  }
0x11: {  	s5 =	ssub.s32 s17, s9;
	s21 =	sadd.s32 $0xC000, s6;
	[dreg:$0x7] =	wrdreg s20  }
0x12: {  	s22 =	sadd.s32 $0xF000, s6;
	s9 =	sshrl.u32 s18, $0x3;
	[dreg:$0x8] =	wrdreg s21  }
0x13: {  	s23 =	sadd.s32 $0x12000, s6;
	s2 =	sadd.s32 s2, s7;
	[dreg:$0x9] =	wrdreg s22  }
0x14: {  	s8 =	simm.s32 $0x6;
	[dreg:$0xa] =	wrdreg s23;
	s9 =	sadd.s32 s7, s9  }
0x15: {  	s1 =	sadd.s32 $0x1F200, s1;
	s18 =	smax.u32 s5, $0x1;
	s19 =	sadd.s32 $0xE0, s2  }
0x16: {  	s20 =	sadd.s32 $0xC0, s2;
	s21 =	sadd.s32 $0xA0, s2;
	s22 =	sadd.s32 $0x80, s2  }
0x17: {  	s23 =	simm.s32 $0x400;
	s2 =	simm.s32 $0x5;
	s5 =	simm.s32 $0x80  }
.Ltmp0:
0x18: {  	s24 =	sadd.s32 $0x20, s9;
	[dreg:$0xf] =	wrdreg s1;
	(pc) =	sbr.rel .LBB2_1-.Ltmp0, $4  }
0x19: {  	s7 =	simm.s32 $0x3;
	s25 =	sadd.s32 $0x40, s9;
	[dreg:$0xc] =	wrdreg s24  }
0x1a: {  	s11 =	simm.s32 $0x280;
	s26 =	sadd.s32 $0x60, s9;
	[dreg:$0xd] =	wrdreg s25  }
0x1b: {  	s1 =	simm.s32 $0x3400;
	s9 =	simm.s32 $0x180;
	[dreg:$0xe] =	wrdreg s26  }
0x1c: {  	s24 =	simm.s32 $0x7;
	s25 =	simm.s32 $0x100;
	s26 =	simm.s32 $0x200  }
.LBB2_4:
0x1d: {  	_ =	swait.ge [sflag:s2], $0x3000  }
0x1e: {  	[sflag:s2] =	ssyncset.done $0x0  }
0x1f: {  	[sflag:s2] =	ssyncadd.s32 $0xFFFFD000  }
0x20: {  	[spmem:s3] =	stream.indirect.scatter.add.f32 [tilespmem:s23], [sflag:$0x7], $0x80, s5, s30, $0xb8;
	[tilespmem:$0x1A000] =	vst v63  }
0x21: {  	_ =	swait.ge [sflag:s24], $0x3000  }
0x22: {  	s14 =	stileid.u32;
	[sflag:s24] =	ssyncset.done $0x0  }
0x23: {  	s15 =	sshrl.u32 s6, $0x3;
	s13 =	sadd.s32 $0x1, s13;
	[sflag:s24] =	ssyncadd.s32 $0xFFFFD000  }
0x24: {  	s14 =	sshll.u32 s14, $0x6;
	p0 =	sne.s32 s13, s18;
	[bflag:$0x0] =	sbarrier.arrive $0xFFFF  }
.Ltmp1:
0x25: {  	s14 =	sor.u32 $0x1C07, s14;
	s16 =	rddreg [dreg:$0xf];
	(pc) =	sbr.rel @!p0 .LBB2_5-.Ltmp1, $4  }
0x26: {  	[hbm:s16], [sflag:s14] =	dma.local [spmem:s15], $0x2780  }
0x27: {  	_ =	swait.ge [sflag:s24], $0x2780  }
0x28: {  	[sflag:s24] =	ssyncset.done $0x0  }
0x29: {  	[sflag:s24] =	ssyncadd.s32 $0xFFFFD880  }
.LBB2_1:
0x2a: {  	s14 =	rddreg [dreg:$0x4]  }
0x2b: {  	[tilespmem:s23], [sflag:$0x7] =	stream.linear.gather [hbm4b:s14+s4], $0x3000, $0x38;
	[tilespmem:$0x1A000] =	vst v63  }
0x2c: {  	_ =	swait.ge [sflag:s24], $0x3000  }
0x2d: {  	[sflag:s24] =	ssyncset.done $0x0  }
0x2e: {  	[sflag:s24] =	ssyncadd.s32 $0xFFFFD000  }
0x2f: {  	[spmem:s6] =	stream.linear.scatter [tilespmem:s23], [sflag:$0x7], $0x3000, $0x38;
	[tilespmem:$0x1A000] =	vst v63  }
0x30: {  	_ =	swait.ge [sflag:s24], $0x3000  }
0x31: {  	[sflag:s24] =	ssyncset.done $0x0  }
0x32: {  	s17 =	rddreg [dreg:$0x5];
	[sflag:s24] =	ssyncadd.s32 $0xFFFFD000  }
0x33: {  	[spmem:s17] =	stream.linear.scatter [tilespmem:s23], [sflag:$0x7], $0x3000, $0x38;
	[tilespmem:$0x1A000] =	vst v63  }
0x34: {  	_ =	swait.ge [sflag:s24], $0x3000  }
0x35: {  	[sflag:s24] =	ssyncset.done $0x0  }
0x36: {  	s15 =	rddreg [dreg:$0x6];
	[sflag:s24] =	ssyncadd.s32 $0xFFFFD000  }
0x37: {  	[spmem:s15] =	stream.linear.scatter [tilespmem:s23], [sflag:$0x7], $0x3000, $0x38;
	[tilespmem:$0x1A000] =	vst v63  }
0x38: {  	_ =	swait.ge [sflag:s24], $0x3000  }
0x39: {  	[sflag:s24] =	ssyncset.done $0x0  }
0x3a: {  	s16 =	rddreg [dreg:$0x7];
	[sflag:s24] =	ssyncadd.s32 $0xFFFFD000  }
0x3b: {  	[spmem:s16] =	stream.linear.scatter [tilespmem:s23], [sflag:$0x7], $0x3000, $0x38;
	[tilespmem:$0x1A000] =	vst v63  }
0x3c: {  	_ =	swait.ge [sflag:s24], $0x3000  }
0x3d: {  	[sflag:s24] =	ssyncset.done $0x0  }
0x3e: {  	s17 =	rddreg [dreg:$0x8];
	[sflag:s24] =	ssyncadd.s32 $0xFFFFD000  }
0x3f: {  	[spmem:s17] =	stream.linear.scatter [tilespmem:s23], [sflag:$0x7], $0x3000, $0x38;
	[tilespmem:$0x1A000] =	vst v63  }
0x40: {  	_ =	swait.ge [sflag:s24], $0x3000  }
0x41: {  	[sflag:s24] =	ssyncset.done $0x0  }
0x42: {  	s15 =	rddreg [dreg:$0x9];
	[sflag:s24] =	ssyncadd.s32 $0xFFFFD000  }
0x43: {  	[spmem:s15] =	stream.linear.scatter [tilespmem:s23], [sflag:$0x7], $0x3000, $0x38;
	[tilespmem:$0x1A000] =	vst v63  }
0x44: {  	_ =	swait.ge [sflag:s24], $0x3000  }
0x45: {  	[sflag:s24] =	ssyncset.done $0x0  }
0x46: {  	s16 =	rddreg [dreg:$0xa];
	[sflag:s24] =	ssyncadd.s32 $0xFFFFD000  }
0x47: {  	[spmem:s16] =	stream.linear.scatter [tilespmem:s23], [sflag:$0x7], $0x1C00, $0x38;
	[tilespmem:$0x1A000] =	vst v63  }
0x48: {  	_ =	swait.ge [sflag:s24], $0x1C00  }
0x49: {  	[sflag:s24] =	ssyncset.done $0x0  }
0x4a: {  	[sflag:s24] =	ssyncadd.s32 $0xFFFFE400  }
0x4b: {  	[bflag:$0x0] =	sbarrier.arrive $0xFFFF  }
0x4c: {  	s17 =	rddreg [dreg:$0xb]  }
0x4d: {  	[tilespmem:s4], [sflag:$0x1] =	stream.linear.gather [hbm4b:s17+s4], $0x100, $0x38;
	[tilespmem:$0x1A000] =	vst v63  }
0x4e: {  	s15 =	rddreg [dreg:$0xc]  }
0x4f: {  	[tilespmem:s25], [sflag:$0x2] =	stream.linear.gather [hbm4b:s15+s4], $0x100, $0x38;
	[tilespmem:$0x1A000] =	vst v63  }
0x50: {  	s16 =	rddreg [dreg:$0xd]  }
0x51: {  	[tilespmem:s26], [sflag:$0x3] =	stream.linear.gather [hbm4b:s16+s4], $0x100, $0x38;
	[tilespmem:$0x1A000] =	vst v63  }
0x52: {  	s17 =	rddreg [dreg:$0xe]  }
0x53: {  	[tilespmem:s28], [sflag:$0x4] =	stream.linear.gather [hbm4b:s17+s4], $0x100, $0x38;
	[tilespmem:$0x1A000] =	vst v63  }
0x54: {  	_ =	swait.ge [sflag:s29], $0x100  }
0x55: {  	[sflag:s29] =	ssyncset.done $0x0  }
0x56: {  	s14 =	simm.s32 $0x0;
	[sflag:s29] =	ssyncadd.s32 $0xFFFFFF00  }
0x57: {  	[tilespmem:s23], [sflag:$0x5] =	stream.indirect.gather [hbm4b:s0+s30], $0x80, s4, s30, $0xb8;
	[tilespmem:$0x1A000] =	vst v63  }
.LBB2_2:
0x58: {  	_ =	swait.ge [sflag:s31], $0x100  }
0x59: {  	[sflag:s31] =	ssyncset.done $0x0  }
0x5a: {  	[sflag:s31] =	ssyncadd.s32 $0xFFFFFF00  }
0x5b: {  	[tilespmem:s1], [sflag:$0x6] =	stream.indirect.gather [hbm4b:s0+s30], $0x80, s25, s30, $0xb8;
	[tilespmem:$0x1A000] =	vst v63  }
0x5c: {  	_ =	swait.ge [sflag:s2], $0x3000  }
0x5d: {  	[sflag:s2] =	ssyncset.done $0x0  }
0x5e: {  	[sflag:s2] =	ssyncadd.s32 $0xFFFFD000  }
0x5f: {  	[spmem:s3] =	stream.indirect.scatter.add.f32 [tilespmem:s23], [sflag:$0x7], $0x80, s5, s30, $0xb8;
	[tilespmem:$0x1A000] =	vst v63  }
0x60: {  	_ =	swait.ge [sflag:s24], $0x3000  }
0x61: {  	[sflag:s24] =	ssyncset.done $0x0  }
0x62: {  	s15 =	sadd.s32 s14, s22;
	[sflag:s24] =	ssyncadd.s32 $0xFFFFD000  }
0x63: {  	[tilespmem:s4], [sflag:$0x1] =	stream.linear.gather [hbm4b:s15+s4], $0x100, $0x38;
	[tilespmem:$0x1A000] =	vst v63  }
0x64: {  	_ =	swait.ge [sflag:s7], $0x100  }
0x65: {  	[sflag:s7] =	ssyncset.done $0x0  }
0x66: {  	[sflag:s7] =	ssyncadd.s32 $0xFFFFFF00  }
0x67: {  	[tilespmem:s23], [sflag:$0x5] =	stream.indirect.gather [hbm4b:s0+s30], $0x80, s26, s30, $0xb8;
	[tilespmem:$0x1A000] =	vst v63  }
0x68: {  	_ =	swait.ge [sflag:s8], $0x3000  }
0x69: {  	[sflag:s8] =	ssyncset.done $0x0  }
0x6a: {  	[sflag:s8] =	ssyncadd.s32 $0xFFFFD000  }
0x6b: {  	[spmem:s3] =	stream.indirect.scatter.add.f32 [tilespmem:s1], [sflag:$0x7], $0x80, s9, s30, $0xb8;
	[tilespmem:$0x1A000] =	vst v63  }
0x6c: {  	p0 =	seq.s32 s14, $0xC80;
	_ =	swait.ge [sflag:s24], $0x3000  }
0x6d: {  	s16 =	simm.s32 @!p0 $0x0;
	[sflag:s24] =	ssyncset.done $0x0  }
0x6e: {  	s17 =	simm.s32 @!p0 $0x100;
	s15 =	sadd.s32 @!p0 s14, s21;
	[sflag:s24] =	ssyncadd.s32 $0xFFFFD000  }
0x6f: {  	[tilespmem:s17], [sflag:$0x2] =	stream.linear.gather @!p0 [hbm4b:s15+s16], $0x100, $0x38;
	[tilespmem:$0x1A000] =	vst v63  }
0x70: {  	_ =	swait.ge [sflag:s10], $0x100  }
0x71: {  	[sflag:s10] =	ssyncset.done $0x0  }
0x72: {  	[sflag:s10] =	ssyncadd.s32 $0xFFFFFF00  }
0x73: {  	[tilespmem:s1], [sflag:$0x6] =	stream.indirect.gather [hbm4b:s0+s30], $0x80, s28, s30, $0xb8;
	[tilespmem:$0x1A000] =	vst v63  }
0x74: {  	_ =	swait.ge [sflag:s2], $0x3000  }
0x75: {  	[sflag:s2] =	ssyncset.done $0x0  }
0x76: {  	[sflag:s2] =	ssyncadd.s32 $0xFFFFD000  }
0x77: {  	[spmem:s3] =	stream.indirect.scatter.add.f32 [tilespmem:s23], [sflag:$0x7], $0x80, s11, s30, $0xb8;
	[tilespmem:$0x1A000] =	vst v63  }
0x78: {  	_ =	swait.ge [sflag:s24], $0x3000  }
0x79: {  	[sflag:s24] =	ssyncset.done $0x0  }
0x7a: {  	s15 =	sadd.s32 @!p0 s14, s20;
	s17 =	simm.s32 @!p0 $0x200;
	[sflag:s24] =	ssyncadd.s32 $0xFFFFD000  }
0x7b: {  	[tilespmem:s17], [sflag:$0x3] =	stream.linear.gather @!p0 [hbm4b:s15+s16], $0x100, $0x38;
	[tilespmem:$0x1A000] =	vst v63  }
0x7c: {  	_ =	swait.ge [sflag:s29], $0x100  }
0x7d: {  	[sflag:s29] =	ssyncset.done $0x0  }
0x7e: {  	[sflag:s29] =	ssyncadd.s32 $0xFFFFFF00  }
0x7f: {  	[tilespmem:s23], [sflag:$0x5] =	stream.indirect.gather [hbm4b:s0+s30], $0x80, s4, s30, $0xb8;
	[tilespmem:$0x1A000] =	vst v63  }
0x80: {  	_ =	swait.ge [sflag:s8], $0x3000  }
0x81: {  	[sflag:s8] =	ssyncset.done $0x0  }
.Ltmp2:
0x82: {  	[sflag:s8] =	ssyncadd.s32 $0xFFFFD000;
	(pc) =	sbr.rel @p0 .LBB2_4-.Ltmp2, $4  }
0x83: {  	[spmem:s3] =	stream.indirect.scatter.add.f32 [tilespmem:s1], [sflag:$0x7], $0x80, s12, s30, $0xb8;
	[tilespmem:$0x1A000] =	vst v63  }
0x84: {  	_ =	swait.ge [sflag:s24], $0x3000  }
0x85: {  	[sflag:s24] =	ssyncset.done $0x0  }
0x86: {  	[sflag:s24] =	ssyncadd.s32 $0xFFFFD000  }
.Ltmp3:
0x87: {  	(pc) =	sbr.rel .LBB2_2-.Ltmp3, $3  }
0x88: {  	_ =	sdelay $0x1  }
0x89: {  	s15 =	sadd.s32 s14, s19;
	s14 =	sadd.s32 $0x80, s14  }
0x8a: {  	[tilespmem:s28], [sflag:$0x4] =	stream.linear.gather [hbm4b:s15+s4], $0x100, $0x38;
	[tilespmem:$0x1A000] =	vst v63  }
.LBB2_5:
0x8b: {  	_ =	sfence.sel $0x180000  }
0x8c: {  	[bflag:$0x0] =	sbarrier.arrive $0xFFFF  }
0x8d: {  	_ =	strace $0x90000047  }
0x8e: {  	s0 =	stileid.u32;
	[bflag:$0x2] =	sbarrier.arrive $0xFFFF  }
0x8f: {  	p0 =	sne.s32 s0, $0x0;
	s0 =	rddreg [dreg:$0x3]  }
0x90: {  	s0 =	sadd.s32 @!p0 $0x100000, s0  }
0x91: {  	[sflag:s0] =	ssyncadd.tile.s32 @!p0 $0x1;
	_ =	shalt  }
.Lfunc_end2:
_tile_overlayer_lowered:
.L_overlay_start_2:
0x92: {  	(tag) =	ssettag $0x2  }
0x93: {  	s0 =	rddreg [dreg:$0x0];
	s2 =	stileid.u32  }
0x94: {  	s1 =	rddreg [dreg:$0x1];
	p0 =	sne.s32 s2, $0x0  }
0x95: {  	s3 =	rddreg [dreg:$0x2];
	[bflag:$0x3] =	sbarrier.arrive $0xFFFF;
	s2 =	simm.s32 @!p0 $0x1C07  }
0x96: {  	[timem:s3], [sflag:s2] =	dma.local @!p0 [hbm:s0], s1  }
0x97: {  	s0 =	simm.s32 @!p0 $0x7  }
0x98: {  	_ =	swait.ge @!p0 [sflag:s0], s1  }
0x99: {  	s1 =	ssub.s32 @!p0 $0x0, s1;
	[sflag:s0] =	ssyncset.done @!p0 $0x0  }
0x9a: {  	[sflag:s0] =	ssyncadd.s32 @!p0 s1  }
0x9b: {  	[bflag:$0x3] =	sbarrier.arrive $0xFFFF  }
0x9c: {  	_ =	shalt  }

</sc_bundles>
